<compile_context>
chip_gen: v7x
topology: tpu7x:2x2x1
jax: 0.10.2.dev20260603
libtpu: 0.0.44.dev20260713+nightly
codegen_flags: <defaults>
</compile_context>

<pallas_src>
import jax
import jax.numpy as jnp
from jax import lax
from jax.experimental import pallas as pl
from jax.experimental.pallas import tpu as pltpu
from jax.experimental.pallas import tpu_sc as plsc

N = 10000
E = 320000
D = 128

NC = 2
NS = 16
NW = NC * NS
EPT = E // NW
K = 80
NCHUNK = EPT // K
NP = 10240
RPT = NP // NS

_MESH = plsc.VectorSubcoreMesh(core_axis_name="c", subcore_axis_name="s")


NPT = NP // NS


def _deg_body(dst2_hbm, zdeg_hbm, ones_hbm, out_hbm, deg_sh, didx_v, ones_v, sem):
    c = lax.axis_index("c")
    s = lax.axis_index("s")
    wid = s * NC + c

    pltpu.sync_copy(zdeg_hbm, deg_sh.at[pl.ds(s * NPT, NPT)])
    pltpu.sync_copy(dst2_hbm.at[wid], didx_v)
    pltpu.sync_copy(ones_hbm, ones_v)
    plsc.subcore_barrier()

    GRP = 5

    for b in range(GRP):
        pltpu.async_copy(ones_v, deg_sh.at[didx_v.at[b]], sem, add=True)

    def fire(g, carry):
        for b in range(GRP):
            pltpu.async_copy(ones_v, deg_sh.at[didx_v.at[g * GRP + b]], sem,
                             add=True)
        for b in range(GRP):
            pltpu.make_async_copy(ones_v,
                                  deg_sh.at[didx_v.at[(g - 1) * GRP + b]],
                                  sem).wait()
        return carry

    lax.fori_loop(1, NCHUNK // GRP, fire, 0)

    last = NCHUNK // GRP - 1
    for b in range(GRP):
        pltpu.make_async_copy(ones_v, deg_sh.at[didx_v.at[last * GRP + b]],
                              sem).wait()
    plsc.subcore_barrier()

    pltpu.sync_copy(deg_sh.at[pl.ds(s * NPT, NPT)],
                    out_hbm.at[c, pl.ds(s * NPT, NPT)])


_deg_call = pl.kernel(
    _deg_body,
    out_type=jax.ShapeDtypeStruct((NC, NP), jnp.float32),
    mesh=_MESH,
    scratch_types=[
        pltpu.VMEM_SHARED((NP,), jnp.float32),
        pltpu.VMEM((NCHUNK, K), jnp.int32),
        pltpu.VMEM((K,), jnp.float32),
        pltpu.SemaphoreType.DMA,
    ],
)


NBANK = 3


def _seg_body(y_hbm, src1_hbm, dst1_hbm, zeros_hbm, out_hbm,
              acc_sh, sidx_v, didx0, didx1, didx2, rows_v,
              isem0, isem1, isem2, gsem0, gsem1, gsem2, ssem0, ssem1, ssem2):
    c = lax.axis_index("c")
    s = lax.axis_index("s")
    wid = s * NC + c
    didxs = (didx0, didx1, didx2)
    isems = (isem0, isem1, isem2)
    gsems = (gsem0, gsem1, gsem2)
    ssems = (ssem0, ssem1, ssem2)

    @pl.when(jnp.logical_and(c == 0, s < NS - 1))
    def _():
        pltpu.sync_copy(y_hbm.at[pl.ds(s * RPT, RPT)],
                        acc_sh.at[pl.ds(s * RPT, RPT)])

    @pl.when(jnp.logical_and(c == 0, s == NS - 1))
    def _():
        pltpu.sync_copy(y_hbm.at[pl.ds((NS - 1) * RPT, N - (NS - 1) * RPT)],
                        acc_sh.at[pl.ds((NS - 1) * RPT, N - (NS - 1) * RPT)])
        pltpu.sync_copy(zeros_hbm.at[pl.ds(0, NP - N)],
                        acc_sh.at[pl.ds(N, NP - N)])

    @pl.when(c == 1)
    def _():
        pltpu.sync_copy(zeros_hbm, acc_sh.at[pl.ds(s * RPT, RPT)])

    pltpu.sync_copy(src1_hbm.at[wid], sidx_v)
    plsc.subcore_barrier()

    ebase = wid * EPT

    def fire_didx(i, b):
        pltpu.async_copy(dst1_hbm.at[pl.ds(ebase + i * K, K)], didxs[b],
                         isems[b])

    def wait_didx(i, b):
        pltpu.make_async_copy(dst1_hbm.at[pl.ds(ebase + i * K, K)], didxs[b],
                              isems[b]).wait()

    def fire_gather(i, b):
        pltpu.async_copy(y_hbm.at[sidx_v.at[pl.ds(i * K, K)]], rows_v.at[b],
                         gsems[b])

    def wait_gather(i, b):
        pltpu.make_async_copy(y_hbm.at[sidx_v.at[pl.ds(i * K, K)]],
                              rows_v.at[b], gsems[b]).wait()

    def fire_scatter(b):
        pltpu.async_copy(rows_v.at[b], acc_sh.at[didxs[b]], ssems[b],
                         add=True)

    def drain_scatter(b):
        pltpu.make_async_copy(rows_v.at[b], acc_sh.at[didxs[b]],
                              ssems[b]).wait()

    def body(i, t):
        b = t
        b2 = (t + 1) % NBANK
        drain_scatter(b)
        fire_didx(i, b)
        fire_gather(i, b)
        wait_gather(i - 2, b2)
        wait_didx(i - 2, b2)
        fire_scatter(b2)

    for i in range(NBANK):
        fire_didx(i, i)
        fire_gather(i, i)
    wait_gather(0, 0)
    wait_didx(0, 0)
    fire_scatter(0)

    def three_chunks(q, carry):
        body(3 * q, 0)
        body(3 * q + 1, 1)
        body(3 * q + 2, 2)
        return carry

    lax.fori_loop(1, (NCHUNK - 2) // NBANK, three_chunks, 0)

    body(NCHUNK - 2, 0)
    body(NCHUNK - 1, 1)
    wait_gather(NCHUNK - 2, 0)
    wait_didx(NCHUNK - 2, 0)
    fire_scatter(0)
    wait_gather(NCHUNK - 1, 1)
    wait_didx(NCHUNK - 1, 1)
    fire_scatter(1)
    drain_scatter(2)
    drain_scatter(0)
    drain_scatter(1)
    plsc.subcore_barrier()

    pltpu.sync_copy(acc_sh.at[pl.ds(s * RPT, RPT)],
                    out_hbm.at[c, pl.ds(s * RPT, RPT)])


_seg_call = pl.kernel(
    _seg_body,
    out_type=jax.ShapeDtypeStruct((NC, NP, D), jnp.float32),
    mesh=_MESH,
    scratch_types=[
        pltpu.VMEM_SHARED((NP, D), jnp.float32),
        pltpu.VMEM((EPT,), jnp.int32),
        pltpu.VMEM((K,), jnp.int32),
        pltpu.VMEM((K,), jnp.int32),
        pltpu.VMEM((K,), jnp.int32),
        pltpu.VMEM((NBANK, K, D), jnp.float32),
        pltpu.SemaphoreType.DMA,
        pltpu.SemaphoreType.DMA,
        pltpu.SemaphoreType.DMA,
        pltpu.SemaphoreType.DMA,
        pltpu.SemaphoreType.DMA,
        pltpu.SemaphoreType.DMA,
        pltpu.SemaphoreType.DMA,
        pltpu.SemaphoreType.DMA,
        pltpu.SemaphoreType.DMA,
    ],
)


R = 5000


def _y_body(part_ref, x_ref, w_ref, y_ref, dis_ref, dis_sc):
    i = pl.program_id(0)

    @pl.when(i == 0)
    def _():
        deg = jnp.sum(part_ref[...], axis=0) + 1.0
        full = lax.rsqrt(deg).reshape(NP, 1)
        dis_sc[...] = full
        dis_ref[...] = full

    xw = jnp.dot(x_ref[...], w_ref[...], preferred_element_type=jnp.float32)
    y_ref[...] = xw * dis_sc[pl.ds(i * R, R)]


_y_call = pl.pallas_call(
    _y_body,
    grid=(N // R,),
    in_specs=[
        pl.BlockSpec((NC, NP), lambda i: (0, 0)),
        pl.BlockSpec((R, D), lambda i: (i, 0)),
        pl.BlockSpec((D, D), lambda i: (0, 0)),
    ],
    out_specs=[
        pl.BlockSpec((R, D), lambda i: (i, 0)),
        pl.BlockSpec((NP, 1), lambda i: (0, 0)),
    ],
    out_shape=[
        jax.ShapeDtypeStruct((N, D), jnp.float32),
        jax.ShapeDtypeStruct((NP, 1), jnp.float32),
    ],
    scratch_shapes=[pltpu.VMEM((NP, 1), jnp.float32)],
)


def _cm_body(acc_ref, dis_ref, b_ref, w_ref, y2_ref):
    h = (acc_ref[0] + acc_ref[1]) * dis_ref[...] + b_ref[...]
    h = jnp.maximum(h, 0.0)
    hw = jnp.dot(h, w_ref[...], preferred_element_type=jnp.float32)
    y2_ref[...] = hw * dis_ref[...]


_cm_call = pl.pallas_call(
    _cm_body,
    grid=(N // R,),
    in_specs=[
        pl.BlockSpec((NC, R, D), lambda i: (0, i, 0)),
        pl.BlockSpec((R, 1), lambda i: (i, 0)),
        pl.BlockSpec((1, D), lambda i: (0, 0)),
        pl.BlockSpec((D, D), lambda i: (0, 0)),
    ],
    out_specs=pl.BlockSpec((R, D), lambda i: (i, 0)),
    out_shape=jax.ShapeDtypeStruct((N, D), jnp.float32),
)


def _fin_body(acc_ref, dis_ref, b_ref, out_ref):
    h = (acc_ref[0] + acc_ref[1]) * dis_ref[...] + b_ref[...]
    out_ref[...] = jnp.maximum(h, 0.0)


_fin_call = pl.pallas_call(
    _fin_body,
    grid=(N // R,),
    in_specs=[
        pl.BlockSpec((NC, R, D), lambda i: (0, i, 0)),
        pl.BlockSpec((R, 1), lambda i: (i, 0)),
        pl.BlockSpec((1, D), lambda i: (0, 0)),
    ],
    out_specs=pl.BlockSpec((R, D), lambda i: (i, 0)),
    out_shape=jax.ShapeDtypeStruct((N, D), jnp.float32),
)


def kernel(x, edge_index, W1, b1, W2, b2):
    ei = edge_index.astype(jnp.int32)
    src1 = ei[0].reshape(NW, EPT)
    dst2 = ei[1].reshape(NW, NCHUNK, K)
    zeros_tile = jnp.zeros((RPT, D), jnp.float32)
    zeros_deg = jnp.zeros((NPT,), jnp.float32)
    ones_k = jnp.ones((K,), jnp.float32)

    part = _deg_call(dst2, zeros_deg, ones_k)
    y1, dis_col = _y_call(part, x, W1)
    acc1 = _seg_call(y1, src1, ei[1], zeros_tile)
    y2 = _cm_call(acc1, dis_col, b1.reshape(1, D), W2)
    acc2 = _seg_call(y2, src1, ei[1], zeros_tile)
    return _fin_call(acc2, dis_col, b2.reshape(1, D))

# --- scband reference (transcript-rebuilt; emitter-appended) ---
"""Pipeline reference for scband-gcn-62861141344693 (READ-ONLY COPY).

The authoritative reference and input builder live on the scoring server;
editing this copy changes nothing except your own understanding.
"""

import jax, jax.numpy as jnp
import numpy as np

N_NODES = 10000
N_EDGES = 320000
D_IN = 128
D_HID = 128
NUM_LAYERS = 2


def setup_inputs(seed: int = 0) -> dict:
    key = jax.random.key(seed)
    k1, k2, k3, k4, k5, k6 = jax.random.split(key, 6)
    x = jax.random.normal(k1, (N_NODES, D_IN), dtype=jnp.float32)
    edge_index = jax.random.randint(k2, (2, N_EDGES), 0, N_NODES, dtype=jnp.int64)
    # Glorot-style init like PyG GCNConv
    s1 = (6.0 / (D_IN + D_HID)) ** 0.5
    W1 = jax.random.uniform(k3, (D_IN, D_HID), minval=-s1, maxval=s1, dtype=jnp.float32)
    b1 = jnp.zeros((D_HID,), dtype=jnp.float32)
    s2 = (6.0 / (D_HID + D_HID)) ** 0.5
    W2 = jax.random.uniform(k4, (D_HID, D_HID), minval=-s2, maxval=s2, dtype=jnp.float32)
    b2 = jnp.zeros((D_HID,), dtype=jnp.float32)
    return {"x": x, "edge_index": edge_index, "W1": W1, "b1": b1, "W2": W2, "b2": b2}


def _gcn_conv(x, src, dst, W, b, num_nodes):
    # PyG GCNConv: add self loops, sym-normalize, propagate, add bias
    loop = jnp.arange(num_nodes, dtype=src.dtype)
    s = jnp.concatenate([src, loop])
    d = jnp.concatenate([dst, loop])
    deg = jnp.zeros((num_nodes,), dtype=x.dtype).at[d].add(1.0)
    deg_inv_sqrt = jnp.where(deg > 0, deg ** -0.5, 0.0)
    norm = deg_inv_sqrt[s] * deg_inv_sqrt[d]
    xw = x @ W
    msg = xw[s] * norm[:, None]
    out = jnp.zeros((num_nodes, W.shape[1]), dtype=x.dtype).at[d].add(msg)
    return out + b


def reference(x, edge_index, W1, b1, W2, b2):
    num_nodes = x.shape[0]
    src, dst = edge_index[0], edge_index[1]
    h = _gcn_conv(x, src, dst, W1, b1, num_nodes)
    h = jax.nn.relu(h)
    for _ in range(NUM_LAYERS - 1):
        h = _gcn_conv(h, src, dst, W2, b2, num_nodes)
        h = jax.nn.relu(h)
    return h

if __name__ == "__main__":
    import jax
    _d = setup_inputs()
    print(jax.jit(kernel)(*tuple(_d.values())))

</pallas_src>

<mosaic_0001>
#map = affine_map<(d0, d1) -> (0, 0)>
#map1 = affine_map<(d0, d1) -> (0)>
#map2 = affine_map<(d0, d1) -> (0, 0, 0)>
module attributes {stable_mosaic.version = 14 : i64} {
  func.func @_seg_body(%arg0: i32, %arg1: i32, %arg2: memref<10000x128xf32, #tpu.memory_space<hbm>>, %arg3: memref<32x10000xi32, #tpu.memory_space<hbm>>, %arg4: memref<320000xi32, #tpu.memory_space<hbm>>, %arg5: memref<640x128xf32, #tpu.memory_space<hbm>>, %arg6: memref<2x10240x128xf32, #tpu.memory_space<hbm>>, %arg7: memref<10240x128xf32, #tpu.memory_space<vmem_shared>>, %arg8: memref<10000xi32, #tpu.memory_space<vmem>>, %arg9: memref<80xi32, #tpu.memory_space<vmem>>, %arg10: memref<80xi32, #tpu.memory_space<vmem>>, %arg11: memref<80xi32, #tpu.memory_space<vmem>>, %arg12: memref<3x80x128xf32, #tpu.memory_space<vmem>>, %arg13: memref<!tpu.dma_semaphore, #tpu.memory_space<semaphore_mem>>, %arg14: memref<!tpu.dma_semaphore, #tpu.memory_space<semaphore_mem>>, %arg15: memref<!tpu.dma_semaphore, #tpu.memory_space<semaphore_mem>>, %arg16: memref<!tpu.dma_semaphore, #tpu.memory_space<semaphore_mem>>, %arg17: memref<!tpu.dma_semaphore, #tpu.memory_space<semaphore_mem>>, %arg18: memref<!tpu.dma_semaphore, #tpu.memory_space<semaphore_mem>>, %arg19: memref<!tpu.dma_semaphore, #tpu.memory_space<semaphore_mem>>, %arg20: memref<!tpu.dma_semaphore, #tpu.memory_space<semaphore_mem>>, %arg21: memref<!tpu.dma_semaphore, #tpu.memory_space<semaphore_mem>>) attributes {dimension_semantics = [#tpu.dimension_semantics<core_parallel>, #tpu.dimension_semantics<subcore_parallel>], iteration_bounds = array<i64: 2, 16>, scalar_prefetch = 0 : i64, scratch_operands = 15 : i64, tpu.core_type = #tpu.core_type<sc_vector_subcore>, window_params = [{transform_indices = #map}, {transform_indices = #map}, {transform_indices = #map1}, {transform_indices = #map}, {transform_indices = #map2}]} {
    %mul3A = arith.constant 2 : i32
    %mul3A_0 = arith.muli %arg1, %mul3A : i32
    %add3A = arith.addi %mul3A_0, %arg0 : i32
    %eq3A = arith.constant 0 : i32
    %eq3A_1 = arith.cmpi eq, %arg0, %eq3A : i32
    %lt3A = arith.constant 15 : i32
    %lt3A_2 = arith.cmpi slt, %arg1, %lt3A : i32
    %and3A = arith.andi %eq3A_1, %lt3A_2 : i1
    %convert_element_type3A = arith.extui %and3A : i1 to i32
    %cond3A = arith.constant 0 : i32
    %cond3A_3 = arith.cmpi ne, %convert_element_type3A, %cond3A : i32
    scf.if %cond3A_3 {
      %mul3A_247 = arith.constant 640 : i32
      %mul3A_248 = arith.muli %arg1, %mul3A_247 : i32
      %mul3A_249 = arith.constant 640 : i32
      %mul3A_250 = arith.muli %arg1, %mul3A_249 : i32
      "tpu.region"() ({
        %run_scoped3A = tpu.sem_alloc : memref<!tpu.dma_semaphore, #tpu.memory_space<semaphore_mem>>
        %dma_start3A_251 = arith.constant 0 : i32
        %dma_start3A_252 = tpu.memref_slice %arg7[%mul3A_250, %dma_start3A_251] : memref<10240x128xf32, #tpu.memory_space<vmem_shared>> -> memref<640x128xf32, #tpu.memory_space<vmem_shared>>
        %dma_start3A_253 = arith.constant 0 : i32
        %dma_start3A_254 = tpu.memref_slice %arg2[%mul3A_248, %dma_start3A_253] : memref<10000x128xf32, #tpu.memory_space<hbm>> -> memref<640x128xf32, #tpu.memory_space<hbm>>
        tpu.enqueue_dma source(%dma_start3A_254 : memref<640x128xf32, #tpu.memory_space<hbm>>) target(%dma_start3A_252 : memref<640x128xf32, #tpu.memory_space<vmem_shared>>) target_semaphore(%run_scoped3A : memref<!tpu.dma_semaphore, #tpu.memory_space<semaphore_mem>>)
        %dma_wait3A_255 = arith.constant 0 : i32
        %dma_wait3A_256 = tpu.memref_slice %arg7[%mul3A_250, %dma_wait3A_255] : memref<10240x128xf32, #tpu.memory_space<vmem_shared>> -> memref<640x128xf32, #tpu.memory_space<vmem_shared>>
        %dma_wait3A_257 = arith.constant 0 : i32
        %dma_wait3A_258 = tpu.memref_slice %arg2[%mul3A_248, %dma_wait3A_257] : memref<10000x128xf32, #tpu.memory_space<hbm>> -> memref<640x128xf32, #tpu.memory_space<hbm>>
        tpu.wait_dma2 semaphore(%run_scoped3A : memref<!tpu.dma_semaphore, #tpu.memory_space<semaphore_mem>>) src(%dma_wait3A_258 : memref<640x128xf32, #tpu.memory_space<hbm>>) dst(%dma_wait3A_256 : memref<640x128xf32, #tpu.memory_space<vmem_shared>>)
        tpu.yield
      }) : () -> ()
    } else {
    }
    %eq3A_4 = arith.constant 0 : i32
    %eq3A_5 = arith.cmpi eq, %arg0, %eq3A_4 : i32
    %eq3A_6 = arith.constant 15 : i32
    %eq3A_7 = arith.cmpi eq, %arg1, %eq3A_6 : i32
    %and3A_8 = arith.andi %eq3A_5, %eq3A_7 : i1
    %convert_element_type3A_9 = arith.extui %and3A_8 : i1 to i32
    %cond3A_10 = arith.constant 0 : i32
    %cond3A_11 = arith.cmpi ne, %convert_element_type3A_9, %cond3A_10 : i32
    scf.if %cond3A_11 {
      "tpu.region"() ({
        %run_scoped3A = tpu.sem_alloc : memref<!tpu.dma_semaphore, #tpu.memory_space<semaphore_mem>>
        %dma_start3A_247 = arith.constant 9600 : i32
        %dma_start3A_248 = arith.constant 0 : i32
        %dma_start3A_249 = tpu.memref_slice %arg7[%dma_start3A_247, %dma_start3A_248] : memref<10240x128xf32, #tpu.memory_space<vmem_shared>> -> memref<400x128xf32, #tpu.memory_space<vmem_shared>>
        %dma_start3A_250 = arith.constant 9600 : i32
        %dma_start3A_251 = arith.constant 0 : i32
        %dma_start3A_252 = tpu.memref_slice %arg2[%dma_start3A_250, %dma_start3A_251] : memref<10000x128xf32, #tpu.memory_space<hbm>> -> memref<400x128xf32, #tpu.memory_space<hbm>>
        tpu.enqueue_dma source(%dma_start3A_252 : memref<400x128xf32, #tpu.memory_space<hbm>>) target(%dma_start3A_249 : memref<400x128xf32, #tpu.memory_space<vmem_shared>>) target_semaphore(%run_scoped3A : memref<!tpu.dma_semaphore, #tpu.memory_space<semaphore_mem>>)
        %dma_wait3A_253 = arith.constant 9600 : i32
        %dma_wait3A_254 = arith.constant 0 : i32
        %dma_wait3A_255 = tpu.memref_slice %arg7[%dma_wait3A_253, %dma_wait3A_254] : memref<10240x128xf32, #tpu.memory_space<vmem_shared>> -> memref<400x128xf32, #tpu.memory_space<vmem_shared>>
        %dma_wait3A_256 = arith.constant 9600 : i32
        %dma_wait3A_257 = arith.constant 0 : i32
        %dma_wait3A_258 = tpu.memref_slice %arg2[%dma_wait3A_256, %dma_wait3A_257] : memref<10000x128xf32, #tpu.memory_space<hbm>> -> memref<400x128xf32, #tpu.memory_space<hbm>>
        tpu.wait_dma2 semaphore(%run_scoped3A : memref<!tpu.dma_semaphore, #tpu.memory_space<semaphore_mem>>) src(%dma_wait3A_258 : memref<400x128xf32, #tpu.memory_space<hbm>>) dst(%dma_wait3A_255 : memref<400x128xf32, #tpu.memory_space<vmem_shared>>)
        tpu.yield
      }) : () -> ()
      "tpu.region"() ({
        %run_scoped3A = tpu.sem_alloc : memref<!tpu.dma_semaphore, #tpu.memory_space<semaphore_mem>>
        %dma_start3A_247 = arith.constant 10000 : i32
        %dma_start3A_248 = arith.constant 0 : i32
        %dma_start3A_249 = tpu.memref_slice %arg7[%dma_start3A_247, %dma_start3A_248] : memref<10240x128xf32, #tpu.memory_space<vmem_shared>> -> memref<240x128xf32, #tpu.memory_space<vmem_shared>>
        %dma_start3A_250 = arith.constant 0 : i32
        %dma_start3A_251 = arith.constant 0 : i32
        %dma_start3A_252 = tpu.memref_slice %arg5[%dma_start3A_250, %dma_start3A_251] : memref<640x128xf32, #tpu.memory_space<hbm>> -> memref<240x128xf32, #tpu.memory_space<hbm>>
        tpu.enqueue_dma source(%dma_start3A_252 : memref<240x128xf32, #tpu.memory_space<hbm>>) target(%dma_start3A_249 : memref<240x128xf32, #tpu.memory_space<vmem_shared>>) target_semaphore(%run_scoped3A : memref<!tpu.dma_semaphore, #tpu.memory_space<semaphore_mem>>)
        %dma_wait3A_253 = arith.constant 10000 : i32
        %dma_wait3A_254 = arith.constant 0 : i32
        %dma_wait3A_255 = tpu.memref_slice %arg7[%dma_wait3A_253, %dma_wait3A_254] : memref<10240x128xf32, #tpu.memory_space<vmem_shared>> -> memref<240x128xf32, #tpu.memory_space<vmem_shared>>
        %dma_wait3A_256 = arith.constant 0 : i32
        %dma_wait3A_257 = arith.constant 0 : i32
        %dma_wait3A_258 = tpu.memref_slice %arg5[%dma_wait3A_256, %dma_wait3A_257] : memref<640x128xf32, #tpu.memory_space<hbm>> -> memref<240x128xf32, #tpu.memory_space<hbm>>
        tpu.wait_dma2 semaphore(%run_scoped3A : memref<!tpu.dma_semaphore, #tpu.memory_space<semaphore_mem>>) src(%dma_wait3A_258 : memref<240x128xf32, #tpu.memory_space<hbm>>) dst(%dma_wait3A_255 : memref<240x128xf32, #tpu.memory_space<vmem_shared>>)
        tpu.yield
      }) : () -> ()
    } else {
    }
    %eq3A_12 = arith.constant 1 : i32
    %eq3A_13 = arith.cmpi eq, %arg0, %eq3A_12 : i32
    %convert_element_type3A_14 = arith.extui %eq3A_13 : i1 to i32
    %cond3A_15 = arith.constant 0 : i32
    %cond3A_16 = arith.cmpi ne, %convert_element_type3A_14, %cond3A_15 : i32
    scf.if %cond3A_16 {
      %mul3A_247 = arith.constant 640 : i32
      %mul3A_248 = arith.muli %arg1, %mul3A_247 : i32
      "tpu.region"() ({
        %run_scoped3A = tpu.sem_alloc : memref<!tpu.dma_semaphore, #tpu.memory_space<semaphore_mem>>
        %dma_start3A_249 = arith.constant 0 : i32
        %dma_start3A_250 = tpu.memref_slice %arg7[%mul3A_248, %dma_start3A_249] : memref<10240x128xf32, #tpu.memory_space<vmem_shared>> -> memref<640x128xf32, #tpu.memory_space<vmem_shared>>
        tpu.enqueue_dma source(%arg5 : memref<640x128xf32, #tpu.memory_space<hbm>>) target(%dma_start3A_250 : memref<640x128xf32, #tpu.memory_space<vmem_shared>>) target_semaphore(%run_scoped3A : memref<!tpu.dma_semaphore, #tpu.memory_space<semaphore_mem>>)
        %dma_wait3A_251 = arith.constant 0 : i32
        %dma_wait3A_252 = tpu.memref_slice %arg7[%mul3A_248, %dma_wait3A_251] : memref<10240x128xf32, #tpu.memory_space<vmem_shared>> -> memref<640x128xf32, #tpu.memory_space<vmem_shared>>
        tpu.wait_dma2 semaphore(%run_scoped3A : memref<!tpu.dma_semaphore, #tpu.memory_space<semaphore_mem>>) src(%arg5 : memref<640x128xf32, #tpu.memory_space<hbm>>) dst(%dma_wait3A_252 : memref<640x128xf32, #tpu.memory_space<vmem_shared>>)
        tpu.yield
      }) : () -> ()
    } else {
    }
    "tpu.region"() ({
      %run_scoped3A = tpu.sem_alloc : memref<!tpu.dma_semaphore, #tpu.memory_space<semaphore_mem>>
      %dma_start3A_247 = arith.constant 0 : i32
      %dma_start3A_248 = tpu.memref_slice %arg3[%add3A, %dma_start3A_247] : memref<32x10000xi32, #tpu.memory_space<hbm>> -> memref<1x10000xi32, #tpu.memory_space<hbm>>
      %dma_start3A_249 = tpu.memref_squeeze %dma_start3A_248 : memref<1x10000xi32, #tpu.memory_space<hbm>> -> memref<10000xi32, #tpu.memory_space<hbm>>
      %dma_start3A_250 = arith.constant 0 : i32
      %dma_start3A_251 = tpu.memref_slice %arg3[%add3A, %dma_start3A_250] : memref<32x10000xi32, #tpu.memory_space<hbm>> -> memref<1x10000xi32, #tpu.memory_space<hbm>>
      %dma_start3A_252 = tpu.memref_squeeze %dma_start3A_251 : memref<1x10000xi32, #tpu.memory_space<hbm>> -> memref<10000xi32, #tpu.memory_space<hbm>>
      tpu.enqueue_dma source(%dma_start3A_252 : memref<10000xi32, #tpu.memory_space<hbm>>) target(%arg8 : memref<10000xi32, #tpu.memory_space<vmem>>) target_semaphore(%run_scoped3A : memref<!tpu.dma_semaphore, #tpu.memory_space<semaphore_mem>>)
      %dma_wait3A_253 = arith.constant 0 : i32
      %dma_wait3A_254 = tpu.memref_slice %arg3[%add3A, %dma_wait3A_253] : memref<32x10000xi32, #tpu.memory_space<hbm>> -> memref<1x10000xi32, #tpu.memory_space<hbm>>
      %dma_wait3A_255 = tpu.memref_squeeze %dma_wait3A_254 : memref<1x10000xi32, #tpu.memory_space<hbm>> -> memref<10000xi32, #tpu.memory_space<hbm>>
      %dma_wait3A_256 = arith.constant 0 : i32
      %dma_wait3A_257 = tpu.memref_slice %arg3[%add3A, %dma_wait3A_256] : memref<32x10000xi32, #tpu.memory_space<hbm>> -> memref<1x10000xi32, #tpu.memory_space<hbm>>
      %dma_wait3A_258 = tpu.memref_squeeze %dma_wait3A_257 : memref<1x10000xi32, #tpu.memory_space<hbm>> -> memref<10000xi32, #tpu.memory_space<hbm>>
      tpu.wait_dma2 semaphore(%run_scoped3A : memref<!tpu.dma_semaphore, #tpu.memory_space<semaphore_mem>>) src(%dma_wait3A_258 : memref<10000xi32, #tpu.memory_space<hbm>>) dst(%arg8 : memref<10000xi32, #tpu.memory_space<vmem>>)
      tpu.yield
    }) : () -> ()
    %barrier3A = arith.constant 0 : index
    tpu.barrier barrier_id(%barrier3A)
    %mul3A_17 = arith.constant 10000 : i32
    %mul3A_18 = arith.muli %add3A, %mul3A_17 : i32
    %add3A_19 = arith.constant 0 : i32
    %add3A_20 = arith.addi %mul3A_18, %add3A_19 : i32
    %dma_start3A = tpu.memref_slice %arg4[%add3A_20] : memref<320000xi32, #tpu.memory_space<hbm>> -> memref<80xi32, #tpu.memory_space<hbm>>
    %dma_start3A_21 = tpu.memref_slice %arg4[%add3A_20] : memref<320000xi32, #tpu.memory_space<hbm>> -> memref<80xi32, #tpu.memory_space<hbm>>
    tpu.enqueue_dma source(%dma_start3A_21 : memref<80xi32, #tpu.memory_space<hbm>>) target(%arg9 : memref<80xi32, #tpu.memory_space<vmem>>) target_semaphore(%arg13 : memref<!tpu.dma_semaphore, #tpu.memory_space<semaphore_mem>>)
    %dma_start3A_22 = arith.constant 0 : i32
    %dma_start3A_23 = arith.constant 0 : i32
    %dma_start3A_24 = arith.constant 0 : i32
    %dma_start3A_25 = tpu.memref_slice %arg12[%dma_start3A_22, %dma_start3A_23, %dma_start3A_24] : memref<3x80x128xf32, #tpu.memory_space<vmem>> -> memref<1x80x128xf32, #tpu.memory_space<vmem>>
    %dma_start3A_26 = tpu.memref_squeeze %dma_start3A_25 : memref<1x80x128xf32, #tpu.memory_space<vmem>> -> memref<80x128xf32, #tpu.memory_space<vmem>>
    %dma_start3A_27 = arith.constant 0 : i32
    %dma_start3A_28 = tpu.memref_slice %arg8[%dma_start3A_27] : memref<10000xi32, #tpu.memory_space<vmem>> -> memref<80xi32, #tpu.memory_space<vmem>>
    %dma_start3A_29 = arith.constant 0 : i32
    %dma_start3A_30 = arith.constant 0 : i32
    %dma_start3A_31 = tpu.memref_slice %arg2[%dma_start3A_29, %dma_start3A_30] : memref<10000x128xf32, #tpu.memory_space<hbm>> -> memref<10000x128xf32, #tpu.memory_space<hbm>>
    tpu.enqueue_indirect_dma source(%dma_start3A_31 : memref<10000x128xf32, #tpu.memory_space<hbm>>) target(%dma_start3A_26 : memref<80x128xf32, #tpu.memory_space<vmem>>) offsets(%dma_start3A_28 : memref<80xi32, #tpu.memory_space<vmem>>) semaphore(%arg16 : memref<!tpu.dma_semaphore, #tpu.memory_space<semaphore_mem>>)
    %add3A_32 = arith.constant 80 : i32
    %add3A_33 = arith.addi %mul3A_18, %add3A_32 : i32
    %dma_start3A_34 = tpu.memref_slice %arg4[%add3A_33] : memref<320000xi32, #tpu.memory_space<hbm>> -> memref<80xi32, #tpu.memory_space<hbm>>
    %dma_start3A_35 = tpu.memref_slice %arg4[%add3A_33] : memref<320000xi32, #tpu.memory_space<hbm>> -> memref<80xi32, #tpu.memory_space<hbm>>
    tpu.enqueue_dma source(%dma_start3A_35 : memref<80xi32, #tpu.memory_space<hbm>>) target(%arg10 : memref<80xi32, #tpu.memory_space<vmem>>) target_semaphore(%arg14 : memref<!tpu.dma_semaphore, #tpu.memory_space<semaphore_mem>>)
    %dma_start3A_36 = arith.constant 1 : i32
    %dma_start3A_37 = arith.constant 0 : i32
    %dma_start3A_38 = arith.constant 0 : i32
    %dma_start3A_39 = tpu.memref_slice %arg12[%dma_start3A_36, %dma_start3A_37, %dma_start3A_38] : memref<3x80x128xf32, #tpu.memory_space<vmem>> -> memref<1x80x128xf32, #tpu.memory_space<vmem>>
    %dma_start3A_40 = tpu.memref_squeeze %dma_start3A_39 : memref<1x80x128xf32, #tpu.memory_space<vmem>> -> memref<80x128xf32, #tpu.memory_space<vmem>>
    %dma_start3A_41 = arith.constant 80 : i32
    %dma_start3A_42 = tpu.memref_slice %arg8[%dma_start3A_41] : memref<10000xi32, #tpu.memory_space<vmem>> -> memref<80xi32, #tpu.memory_space<vmem>>
    %dma_start3A_43 = arith.constant 0 : i32
    %dma_start3A_44 = arith.constant 0 : i32
    %dma_start3A_45 = tpu.memref_slice %arg2[%dma_start3A_43, %dma_start3A_44] : memref<10000x128xf32, #tpu.memory_space<hbm>> -> memref<10000x128xf32, #tpu.memory_space<hbm>>
    tpu.enqueue_indirect_dma source(%dma_start3A_45 : memref<10000x128xf32, #tpu.memory_space<hbm>>) target(%dma_start3A_40 : memref<80x128xf32, #tpu.memory_space<vmem>>) offsets(%dma_start3A_42 : memref<80xi32, #tpu.memory_space<vmem>>) semaphore(%arg17 : memref<!tpu.dma_semaphore, #tpu.memory_space<semaphore_mem>>)
    %add3A_46 = arith.constant 160 : i32
    %add3A_47 = arith.addi %mul3A_18, %add3A_46 : i32
    %dma_start3A_48 = tpu.memref_slice %arg4[%add3A_47] : memref<320000xi32, #tpu.memory_space<hbm>> -> memref<80xi32, #tpu.memory_space<hbm>>
    %dma_start3A_49 = tpu.memref_slice %arg4[%add3A_47] : memref<320000xi32, #tpu.memory_space<hbm>> -> memref<80xi32, #tpu.memory_space<hbm>>
    tpu.enqueue_dma source(%dma_start3A_49 : memref<80xi32, #tpu.memory_space<hbm>>) target(%arg11 : memref<80xi32, #tpu.memory_space<vmem>>) target_semaphore(%arg15 : memref<!tpu.dma_semaphore, #tpu.memory_space<semaphore_mem>>)
    %dma_start3A_50 = arith.constant 2 : i32
    %dma_start3A_51 = arith.constant 0 : i32
    %dma_start3A_52 = arith.constant 0 : i32
    %dma_start3A_53 = tpu.memref_slice %arg12[%dma_start3A_50, %dma_start3A_51, %dma_start3A_52] : memref<3x80x128xf32, #tpu.memory_space<vmem>> -> memref<1x80x128xf32, #tpu.memory_space<vmem>>
    %dma_start3A_54 = tpu.memref_squeeze %dma_start3A_53 : memref<1x80x128xf32, #tpu.memory_space<vmem>> -> memref<80x128xf32, #tpu.memory_space<vmem>>
    %dma_start3A_55 = arith.constant 160 : i32
    %dma_start3A_56 = tpu.memref_slice %arg8[%dma_start3A_55] : memref<10000xi32, #tpu.memory_space<vmem>> -> memref<80xi32, #tpu.memory_space<vmem>>
    %dma_start3A_57 = arith.constant 0 : i32
    %dma_start3A_58 = arith.constant 0 : i32
    %dma_start3A_59 = tpu.memref_slice %arg2[%dma_start3A_57, %dma_start3A_58] : memref<10000x128xf32, #tpu.memory_space<hbm>> -> memref<10000x128xf32, #tpu.memory_space<hbm>>
    tpu.enqueue_indirect_dma source(%dma_start3A_59 : memref<10000x128xf32, #tpu.memory_space<hbm>>) target(%dma_start3A_54 : memref<80x128xf32, #tpu.memory_space<vmem>>) offsets(%dma_start3A_56 : memref<80xi32, #tpu.memory_space<vmem>>) semaphore(%arg18 : memref<!tpu.dma_semaphore, #tpu.memory_space<semaphore_mem>>)
    %dma_wait3A = arith.constant 0 : i32
    %dma_wait3A_60 = arith.constant 0 : i32
    %dma_wait3A_61 = arith.constant 0 : i32
    %dma_wait3A_62 = tpu.memref_slice %arg12[%dma_wait3A, %dma_wait3A_60, %dma_wait3A_61] : memref<3x80x128xf32, #tpu.memory_space<vmem>> -> memref<1x80x128xf32, #tpu.memory_space<vmem>>
    %dma_wait3A_63 = tpu.memref_squeeze %dma_wait3A_62 : memref<1x80x128xf32, #tpu.memory_space<vmem>> -> memref<80x128xf32, #tpu.memory_space<vmem>>
    %dma_wait3A_64 = arith.constant 0 : i32
    %dma_wait3A_65 = tpu.memref_slice %arg8[%dma_wait3A_64] : memref<10000xi32, #tpu.memory_space<vmem>> -> memref<80xi32, #tpu.memory_space<vmem>>
    %dma_wait3A_66 = arith.constant 0 : i32
    %dma_wait3A_67 = arith.constant 0 : i32
    %dma_wait3A_68 = tpu.memref_slice %arg2[%dma_wait3A_66, %dma_wait3A_67] : memref<10000x128xf32, #tpu.memory_space<hbm>> -> memref<10000x128xf32, #tpu.memory_space<hbm>>
    tpu.wait_indirect_dma semaphore(%arg16 : memref<!tpu.dma_semaphore, #tpu.memory_space<semaphore_mem>>) src(%dma_wait3A_68 : memref<10000x128xf32, #tpu.memory_space<hbm>>) dst(%dma_wait3A_63 : memref<80x128xf32, #tpu.memory_space<vmem>>)
    %add3A_69 = arith.constant 0 : i32
    %add3A_70 = arith.addi %mul3A_18, %add3A_69 : i32
    %dma_wait3A_71 = tpu.memref_slice %arg4[%add3A_70] : memref<320000xi32, #tpu.memory_space<hbm>> -> memref<80xi32, #tpu.memory_space<hbm>>
    %dma_wait3A_72 = tpu.memref_slice %arg4[%add3A_70] : memref<320000xi32, #tpu.memory_space<hbm>> -> memref<80xi32, #tpu.memory_space<hbm>>
    tpu.wait_dma2 semaphore(%arg13 : memref<!tpu.dma_semaphore, #tpu.memory_space<semaphore_mem>>) src(%dma_wait3A_72 : memref<80xi32, #tpu.memory_space<hbm>>) dst(%arg9 : memref<80xi32, #tpu.memory_space<vmem>>)
    %dma_start3A_73 = arith.constant 0 : i32
    %dma_start3A_74 = arith.constant 0 : i32
    %dma_start3A_75 = arith.constant 0 : i32
    %dma_start3A_76 = tpu.memref_slice %arg12[%dma_start3A_73, %dma_start3A_74, %dma_start3A_75] : memref<3x80x128xf32, #tpu.memory_space<vmem>> -> memref<1x80x128xf32, #tpu.memory_space<vmem>>
    %dma_start3A_77 = tpu.memref_squeeze %dma_start3A_76 : memref<1x80x128xf32, #tpu.memory_space<vmem>> -> memref<80x128xf32, #tpu.memory_space<vmem>>
    %dma_start3A_78 = arith.constant 0 : i32
    %dma_start3A_79 = arith.constant 0 : i32
    %dma_start3A_80 = tpu.memref_slice %arg7[%dma_start3A_78, %dma_start3A_79] : memref<10240x128xf32, #tpu.memory_space<vmem_shared>> -> memref<10240x128xf32, #tpu.memory_space<vmem_shared>>
    tpu.enqueue_indirect_dma source(%dma_start3A_77 : memref<80x128xf32, #tpu.memory_space<vmem>>) target(%dma_start3A_80 : memref<10240x128xf32, #tpu.memory_space<vmem_shared>>) offsets(%arg9 : memref<80xi32, #tpu.memory_space<vmem>>) semaphore(%arg19 : memref<!tpu.dma_semaphore, #tpu.memory_space<semaphore_mem>>) {add = true}
    %scan3A = arith.constant 0 : i32
    %scan3A_81 = arith.constant 1 : i32
    %scan3A_82 = arith.constant 40 : i32
    %scan3A_83 = arith.addi %scan3A_81, %scan3A_82 : i32
    %scan3A_84 = arith.constant 1 : i32
    scf.for %scan3A_247 = %scan3A_81 to %scan3A_83 step %scan3A_84  : i32 {
      %mul3A_248 = arith.constant 3 : i32
      %mul3A_249 = arith.muli %mul3A_248, %scan3A_247 : i32
      %dma_wait3A_250 = arith.constant 0 : i32
      %dma_wait3A_251 = arith.constant 0 : i32
      %dma_wait3A_252 = arith.constant 0 : i32
      %dma_wait3A_253 = tpu.memref_slice %arg12[%dma_wait3A_250, %dma_wait3A_251, %dma_wait3A_252] : memref<3x80x128xf32, #tpu.memory_space<vmem>> -> memref<1x80x128xf32, #tpu.memory_space<vmem>>
      %dma_wait3A_254 = tpu.memref_squeeze %dma_wait3A_253 : memref<1x80x128xf32, #tpu.memory_space<vmem>> -> memref<80x128xf32, #tpu.memory_space<vmem>>
      %dma_wait3A_255 = arith.constant 0 : i32
      %dma_wait3A_256 = arith.constant 0 : i32
      %dma_wait3A_257 = tpu.memref_slice %arg7[%dma_wait3A_255, %dma_wait3A_256] : memref<10240x128xf32, #tpu.memory_space<vmem_shared>> -> memref<10240x128xf32, #tpu.memory_space<vmem_shared>>
      tpu.wait_indirect_dma semaphore(%arg19 : memref<!tpu.dma_semaphore, #tpu.memory_space<semaphore_mem>>) src(%dma_wait3A_254 : memref<80x128xf32, #tpu.memory_space<vmem>>) dst(%dma_wait3A_257 : memref<10240x128xf32, #tpu.memory_space<vmem_shared>>)
      %mul3A_258 = arith.constant 80 : i32
      %mul3A_259 = arith.muli %mul3A_249, %mul3A_258 : i32
      %add3A_260 = arith.addi %mul3A_18, %mul3A_259 : i32
      %dma_start3A_261 = tpu.memref_slice %arg4[%add3A_260] : memref<320000xi32, #tpu.memory_space<hbm>> -> memref<80xi32, #tpu.memory_space<hbm>>
      %dma_start3A_262 = tpu.memref_slice %arg4[%add3A_260] : memref<320000xi32, #tpu.memory_space<hbm>> -> memref<80xi32, #tpu.memory_space<hbm>>
      tpu.enqueue_dma source(%dma_start3A_262 : memref<80xi32, #tpu.memory_space<hbm>>) target(%arg9 : memref<80xi32, #tpu.memory_space<vmem>>) target_semaphore(%arg13 : memref<!tpu.dma_semaphore, #tpu.memory_space<semaphore_mem>>)
      %mul3A_263 = arith.constant 80 : i32
      %mul3A_264 = arith.muli %mul3A_249, %mul3A_263 : i32
      %dma_start3A_265 = arith.constant 0 : i32
      %dma_start3A_266 = arith.constant 0 : i32
      %dma_start3A_267 = arith.constant 0 : i32
      %dma_start3A_268 = tpu.memref_slice %arg12[%dma_start3A_265, %dma_start3A_266, %dma_start3A_267] : memref<3x80x128xf32, #tpu.memory_space<vmem>> -> memref<1x80x128xf32, #tpu.memory_space<vmem>>
      %dma_start3A_269 = tpu.memref_squeeze %dma_start3A_268 : memref<1x80x128xf32, #tpu.memory_space<vmem>> -> memref<80x128xf32, #tpu.memory_space<vmem>>
      %dma_start3A_270 = tpu.memref_slice %arg8[%mul3A_264] : memref<10000xi32, #tpu.memory_space<vmem>> -> memref<80xi32, #tpu.memory_space<vmem>>
      %dma_start3A_271 = arith.constant 0 : i32
      %dma_start3A_272 = arith.constant 0 : i32
      %dma_start3A_273 = tpu.memref_slice %arg2[%dma_start3A_271, %dma_start3A_272] : memref<10000x128xf32, #tpu.memory_space<hbm>> -> memref<10000x128xf32, #tpu.memory_space<hbm>>
      tpu.enqueue_indirect_dma source(%dma_start3A_273 : memref<10000x128xf32, #tpu.memory_space<hbm>>) target(%dma_start3A_269 : memref<80x128xf32, #tpu.memory_space<vmem>>) offsets(%dma_start3A_270 : memref<80xi32, #tpu.memory_space<vmem>>) semaphore(%arg16 : memref<!tpu.dma_semaphore, #tpu.memory_space<semaphore_mem>>)
      %sub3A = arith.constant 2 : i32
      %sub3A_274 = arith.subi %mul3A_249, %sub3A : i32
      %mul3A_275 = arith.constant 80 : i32
      %mul3A_276 = arith.muli %sub3A_274, %mul3A_275 : i32
      %dma_wait3A_277 = arith.constant 1 : i32
      %dma_wait3A_278 = arith.constant 0 : i32
      %dma_wait3A_279 = arith.constant 0 : i32
      %dma_wait3A_280 = tpu.memref_slice %arg12[%dma_wait3A_277, %dma_wait3A_278, %dma_wait3A_279] : memref<3x80x128xf32, #tpu.memory_space<vmem>> -> memref<1x80x128xf32, #tpu.memory_space<vmem>>
      %dma_wait3A_281 = tpu.memref_squeeze %dma_wait3A_280 : memref<1x80x128xf32, #tpu.memory_space<vmem>> -> memref<80x128xf32, #tpu.memory_space<vmem>>
      %dma_wait3A_282 = tpu.memref_slice %arg8[%mul3A_276] : memref<10000xi32, #tpu.memory_space<vmem>> -> memref<80xi32, #tpu.memory_space<vmem>>
      %dma_wait3A_283 = arith.constant 0 : i32
      %dma_wait3A_284 = arith.constant 0 : i32
      %dma_wait3A_285 = tpu.memref_slice %arg2[%dma_wait3A_283, %dma_wait3A_284] : memref<10000x128xf32, #tpu.memory_space<hbm>> -> memref<10000x128xf32, #tpu.memory_space<hbm>>
      tpu.wait_indirect_dma semaphore(%arg17 : memref<!tpu.dma_semaphore, #tpu.memory_space<semaphore_mem>>) src(%dma_wait3A_285 : memref<10000x128xf32, #tpu.memory_space<hbm>>) dst(%dma_wait3A_281 : memref<80x128xf32, #tpu.memory_space<vmem>>)
      %sub3A_286 = arith.constant 2 : i32
      %sub3A_287 = arith.subi %mul3A_249, %sub3A_286 : i32
      %mul3A_288 = arith.constant 80 : i32
      %mul3A_289 = arith.muli %sub3A_287, %mul3A_288 : i32
      %add3A_290 = arith.addi %mul3A_18, %mul3A_289 : i32
      %dma_wait3A_291 = tpu.memref_slice %arg4[%add3A_290] : memref<320000xi32, #tpu.memory_space<hbm>> -> memref<80xi32, #tpu.memory_space<hbm>>
      %dma_wait3A_292 = tpu.memref_slice %arg4[%add3A_290] : memref<320000xi32, #tpu.memory_space<hbm>> -> memref<80xi32, #tpu.memory_space<hbm>>
      tpu.wait_dma2 semaphore(%arg14 : memref<!tpu.dma_semaphore, #tpu.memory_space<semaphore_mem>>) src(%dma_wait3A_292 : memref<80xi32, #tpu.memory_space<hbm>>) dst(%arg10 : memref<80xi32, #tpu.memory_space<vmem>>)
      %dma_start3A_293 = arith.constant 1 : i32
      %dma_start3A_294 = arith.constant 0 : i32
      %dma_start3A_295 = arith.constant 0 : i32
      %dma_start3A_296 = tpu.memref_slice %arg12[%dma_start3A_293, %dma_start3A_294, %dma_start3A_295] : memref<3x80x128xf32, #tpu.memory_space<vmem>> -> memref<1x80x128xf32, #tpu.memory_space<vmem>>
      %dma_start3A_297 = tpu.memref_squeeze %dma_start3A_296 : memref<1x80x128xf32, #tpu.memory_space<vmem>> -> memref<80x128xf32, #tpu.memory_space<vmem>>
      %dma_start3A_298 = arith.constant 0 : i32
      %dma_start3A_299 = arith.constant 0 : i32
      %dma_start3A_300 = tpu.memref_slice %arg7[%dma_start3A_298, %dma_start3A_299] : memref<10240x128xf32, #tpu.memory_space<vmem_shared>> -> memref<10240x128xf32, #tpu.memory_space<vmem_shared>>
      tpu.enqueue_indirect_dma source(%dma_start3A_297 : memref<80x128xf32, #tpu.memory_space<vmem>>) target(%dma_start3A_300 : memref<10240x128xf32, #tpu.memory_space<vmem_shared>>) offsets(%arg10 : memref<80xi32, #tpu.memory_space<vmem>>) semaphore(%arg20 : memref<!tpu.dma_semaphore, #tpu.memory_space<semaphore_mem>>) {add = true}
      %mul3A_301 = arith.constant 3 : i32
      %mul3A_302 = arith.muli %mul3A_301, %scan3A_247 : i32
      %add3A_303 = arith.constant 1 : i32
      %add3A_304 = arith.addi %mul3A_302, %add3A_303 : i32
      %dma_wait3A_305 = arith.constant 1 : i32
      %dma_wait3A_306 = arith.constant 0 : i32
      %dma_wait3A_307 = arith.constant 0 : i32
      %dma_wait3A_308 = tpu.memref_slice %arg12[%dma_wait3A_305, %dma_wait3A_306, %dma_wait3A_307] : memref<3x80x128xf32, #tpu.memory_space<vmem>> -> memref<1x80x128xf32, #tpu.memory_space<vmem>>
      %dma_wait3A_309 = tpu.memref_squeeze %dma_wait3A_308 : memref<1x80x128xf32, #tpu.memory_space<vmem>> -> memref<80x128xf32, #tpu.memory_space<vmem>>
      %dma_wait3A_310 = arith.constant 0 : i32
      %dma_wait3A_311 = arith.constant 0 : i32
      %dma_wait3A_312 = tpu.memref_slice %arg7[%dma_wait3A_310, %dma_wait3A_311] : memref<10240x128xf32, #tpu.memory_space<vmem_shared>> -> memref<10240x128xf32, #tpu.memory_space<vmem_shared>>
      tpu.wait_indirect_dma semaphore(%arg20 : memref<!tpu.dma_semaphore, #tpu.memory_space<semaphore_mem>>) src(%dma_wait3A_309 : memref<80x128xf32, #tpu.memory_space<vmem>>) dst(%dma_wait3A_312 : memref<10240x128xf32, #tpu.memory_space<vmem_shared>>)
      %mul3A_313 = arith.constant 80 : i32
      %mul3A_314 = arith.muli %add3A_304, %mul3A_313 : i32
      %add3A_315 = arith.addi %mul3A_18, %mul3A_314 : i32
      %dma_start3A_316 = tpu.memref_slice %arg4[%add3A_315] : memref<320000xi32, #tpu.memory_space<hbm>> -> memref<80xi32, #tpu.memory_space<hbm>>
      %dma_start3A_317 = tpu.memref_slice %arg4[%add3A_315] : memref<320000xi32, #tpu.memory_space<hbm>> -> memref<80xi32, #tpu.memory_space<hbm>>
      tpu.enqueue_dma source(%dma_start3A_317 : memref<80xi32, #tpu.memory_space<hbm>>) target(%arg10 : memref<80xi32, #tpu.memory_space<vmem>>) target_semaphore(%arg14 : memref<!tpu.dma_semaphore, #tpu.memory_space<semaphore_mem>>)
      %mul3A_318 = arith.constant 80 : i32
      %mul3A_319 = arith.muli %add3A_304, %mul3A_318 : i32
      %dma_start3A_320 = arith.constant 1 : i32
      %dma_start3A_321 = arith.constant 0 : i32
      %dma_start3A_322 = arith.constant 0 : i32
      %dma_start3A_323 = tpu.memref_slice %arg12[%dma_start3A_320, %dma_start3A_321, %dma_start3A_322] : memref<3x80x128xf32, #tpu.memory_space<vmem>> -> memref<1x80x128xf32, #tpu.memory_space<vmem>>
      %dma_start3A_324 = tpu.memref_squeeze %dma_start3A_323 : memref<1x80x128xf32, #tpu.memory_space<vmem>> -> memref<80x128xf32, #tpu.memory_space<vmem>>
      %dma_start3A_325 = tpu.memref_slice %arg8[%mul3A_319] : memref<10000xi32, #tpu.memory_space<vmem>> -> memref<80xi32, #tpu.memory_space<vmem>>
      %dma_start3A_326 = arith.constant 0 : i32
      %dma_start3A_327 = arith.constant 0 : i32
      %dma_start3A_328 = tpu.memref_slice %arg2[%dma_start3A_326, %dma_start3A_327] : memref<10000x128xf32, #tpu.memory_space<hbm>> -> memref<10000x128xf32, #tpu.memory_space<hbm>>
      tpu.enqueue_indirect_dma source(%dma_start3A_328 : memref<10000x128xf32, #tpu.memory_space<hbm>>) target(%dma_start3A_324 : memref<80x128xf32, #tpu.memory_space<vmem>>) offsets(%dma_start3A_325 : memref<80xi32, #tpu.memory_space<vmem>>) semaphore(%arg17 : memref<!tpu.dma_semaphore, #tpu.memory_space<semaphore_mem>>)
      %sub3A_329 = arith.constant 2 : i32
      %sub3A_330 = arith.subi %add3A_304, %sub3A_329 : i32
      %mul3A_331 = arith.constant 80 : i32
      %mul3A_332 = arith.muli %sub3A_330, %mul3A_331 : i32
      %dma_wait3A_333 = arith.constant 2 : i32
      %dma_wait3A_334 = arith.constant 0 : i32
      %dma_wait3A_335 = arith.constant 0 : i32
      %dma_wait3A_336 = tpu.memref_slice %arg12[%dma_wait3A_333, %dma_wait3A_334, %dma_wait3A_335] : memref<3x80x128xf32, #tpu.memory_space<vmem>> -> memref<1x80x128xf32, #tpu.memory_space<vmem>>
      %dma_wait3A_337 = tpu.memref_squeeze %dma_wait3A_336 : memref<1x80x128xf32, #tpu.memory_space<vmem>> -> memref<80x128xf32, #tpu.memory_space<vmem>>
      %dma_wait3A_338 = tpu.memref_slice %arg8[%mul3A_332] : memref<10000xi32, #tpu.memory_space<vmem>> -> memref<80xi32, #tpu.memory_space<vmem>>
      %dma_wait3A_339 = arith.constant 0 : i32
      %dma_wait3A_340 = arith.constant 0 : i32
      %dma_wait3A_341 = tpu.memref_slice %arg2[%dma_wait3A_339, %dma_wait3A_340] : memref<10000x128xf32, #tpu.memory_space<hbm>> -> memref<10000x128xf32, #tpu.memory_space<hbm>>
      tpu.wait_indirect_dma semaphore(%arg18 : memref<!tpu.dma_semaphore, #tpu.memory_space<semaphore_mem>>) src(%dma_wait3A_341 : memref<10000x128xf32, #tpu.memory_space<hbm>>) dst(%dma_wait3A_337 : memref<80x128xf32, #tpu.memory_space<vmem>>)
      %sub3A_342 = arith.constant 2 : i32
      %sub3A_343 = arith.subi %add3A_304, %sub3A_342 : i32
      %mul3A_344 = arith.constant 80 : i32
      %mul3A_345 = arith.muli %sub3A_343, %mul3A_344 : i32
      %add3A_346 = arith.addi %mul3A_18, %mul3A_345 : i32
      %dma_wait3A_347 = tpu.memref_slice %arg4[%add3A_346] : memref<320000xi32, #tpu.memory_space<hbm>> -> memref<80xi32, #tpu.memory_space<hbm>>
      %dma_wait3A_348 = tpu.memref_slice %arg4[%add3A_346] : memref<320000xi32, #tpu.memory_space<hbm>> -> memref<80xi32, #tpu.memory_space<hbm>>
      tpu.wait_dma2 semaphore(%arg15 : memref<!tpu.dma_semaphore, #tpu.memory_space<semaphore_mem>>) src(%dma_wait3A_348 : memref<80xi32, #tpu.memory_space<hbm>>) dst(%arg11 : memref<80xi32, #tpu.memory_space<vmem>>)
      %dma_start3A_349 = arith.constant 2 : i32
      %dma_start3A_350 = arith.constant 0 : i32
      %dma_start3A_351 = arith.constant 0 : i32
      %dma_start3A_352 = tpu.memref_slice %arg12[%dma_start3A_349, %dma_start3A_350, %dma_start3A_351] : memref<3x80x128xf32, #tpu.memory_space<vmem>> -> memref<1x80x128xf32, #tpu.memory_space<vmem>>
      %dma_start3A_353 = tpu.memref_squeeze %dma_start3A_352 : memref<1x80x128xf32, #tpu.memory_space<vmem>> -> memref<80x128xf32, #tpu.memory_space<vmem>>
      %dma_start3A_354 = arith.constant 0 : i32
      %dma_start3A_355 = arith.constant 0 : i32
      %dma_start3A_356 = tpu.memref_slice %arg7[%dma_start3A_354, %dma_start3A_355] : memref<10240x128xf32, #tpu.memory_space<vmem_shared>> -> memref<10240x128xf32, #tpu.memory_space<vmem_shared>>
      tpu.enqueue_indirect_dma source(%dma_start3A_353 : memref<80x128xf32, #tpu.memory_space<vmem>>) target(%dma_start3A_356 : memref<10240x128xf32, #tpu.memory_space<vmem_shared>>) offsets(%arg11 : memref<80xi32, #tpu.memory_space<vmem>>) semaphore(%arg21 : memref<!tpu.dma_semaphore, #tpu.memory_space<semaphore_mem>>) {add = true}
      %mul3A_357 = arith.constant 3 : i32
      %mul3A_358 = arith.muli %mul3A_357, %scan3A_247 : i32
      %add3A_359 = arith.constant 2 : i32
      %add3A_360 = arith.addi %mul3A_358, %add3A_359 : i32
      %dma_wait3A_361 = arith.constant 2 : i32
      %dma_wait3A_362 = arith.constant 0 : i32
      %dma_wait3A_363 = arith.constant 0 : i32
      %dma_wait3A_364 = tpu.memref_slice %arg12[%dma_wait3A_361, %dma_wait3A_362, %dma_wait3A_363] : memref<3x80x128xf32, #tpu.memory_space<vmem>> -> memref<1x80x128xf32, #tpu.memory_space<vmem>>
      %dma_wait3A_365 = tpu.memref_squeeze %dma_wait3A_364 : memref<1x80x128xf32, #tpu.memory_space<vmem>> -> memref<80x128xf32, #tpu.memory_space<vmem>>
      %dma_wait3A_366 = arith.constant 0 : i32
      %dma_wait3A_367 = arith.constant 0 : i32
      %dma_wait3A_368 = tpu.memref_slice %arg7[%dma_wait3A_366, %dma_wait3A_367] : memref<10240x128xf32, #tpu.memory_space<vmem_shared>> -> memref<10240x128xf32, #tpu.memory_space<vmem_shared>>
      tpu.wait_indirect_dma semaphore(%arg21 : memref<!tpu.dma_semaphore, #tpu.memory_space<semaphore_mem>>) src(%dma_wait3A_365 : memref<80x128xf32, #tpu.memory_space<vmem>>) dst(%dma_wait3A_368 : memref<10240x128xf32, #tpu.memory_space<vmem_shared>>)
      %mul3A_369 = arith.constant 80 : i32
      %mul3A_370 = arith.muli %add3A_360, %mul3A_369 : i32
      %add3A_371 = arith.addi %mul3A_18, %mul3A_370 : i32
      %dma_start3A_372 = tpu.memref_slice %arg4[%add3A_371] : memref<320000xi32, #tpu.memory_space<hbm>> -> memref<80xi32, #tpu.memory_space<hbm>>
      %dma_start3A_373 = tpu.memref_slice %arg4[%add3A_371] : memref<320000xi32, #tpu.memory_space<hbm>> -> memref<80xi32, #tpu.memory_space<hbm>>
      tpu.enqueue_dma source(%dma_start3A_373 : memref<80xi32, #tpu.memory_space<hbm>>) target(%arg11 : memref<80xi32, #tpu.memory_space<vmem>>) target_semaphore(%arg15 : memref<!tpu.dma_semaphore, #tpu.memory_space<semaphore_mem>>)
      %mul3A_374 = arith.constant 80 : i32
      %mul3A_375 = arith.muli %add3A_360, %mul3A_374 : i32
      %dma_start3A_376 = arith.constant 2 : i32
      %dma_start3A_377 = arith.constant 0 : i32
      %dma_start3A_378 = arith.constant 0 : i32
      %dma_start3A_379 = tpu.memref_slice %arg12[%dma_start3A_376, %dma_start3A_377, %dma_start3A_378] : memref<3x80x128xf32, #tpu.memory_space<vmem>> -> memref<1x80x128xf32, #tpu.memory_space<vmem>>
      %dma_start3A_380 = tpu.memref_squeeze %dma_start3A_379 : memref<1x80x128xf32, #tpu.memory_space<vmem>> -> memref<80x128xf32, #tpu.memory_space<vmem>>
      %dma_start3A_381 = tpu.memref_slice %arg8[%mul3A_375] : memref<10000xi32, #tpu.memory_space<vmem>> -> memref<80xi32, #tpu.memory_space<vmem>>
      %dma_start3A_382 = arith.constant 0 : i32
      %dma_start3A_383 = arith.constant 0 : i32
      %dma_start3A_384 = tpu.memref_slice %arg2[%dma_start3A_382, %dma_start3A_383] : memref<10000x128xf32, #tpu.memory_space<hbm>> -> memref<10000x128xf32, #tpu.memory_space<hbm>>
      tpu.enqueue_indirect_dma source(%dma_start3A_384 : memref<10000x128xf32, #tpu.memory_space<hbm>>) target(%dma_start3A_380 : memref<80x128xf32, #tpu.memory_space<vmem>>) offsets(%dma_start3A_381 : memref<80xi32, #tpu.memory_space<vmem>>) semaphore(%arg18 : memref<!tpu.dma_semaphore, #tpu.memory_space<semaphore_mem>>)
      %sub3A_385 = arith.constant 2 : i32
      %sub3A_386 = arith.subi %add3A_360, %sub3A_385 : i32
      %mul3A_387 = arith.constant 80 : i32
      %mul3A_388 = arith.muli %sub3A_386, %mul3A_387 : i32
      %dma_wait3A_389 = arith.constant 0 : i32
      %dma_wait3A_390 = arith.constant 0 : i32
      %dma_wait3A_391 = arith.constant 0 : i32
      %dma_wait3A_392 = tpu.memref_slice %arg12[%dma_wait3A_389, %dma_wait3A_390, %dma_wait3A_391] : memref<3x80x128xf32, #tpu.memory_space<vmem>> -> memref<1x80x128xf32, #tpu.memory_space<vmem>>
      %dma_wait3A_393 = tpu.memref_squeeze %dma_wait3A_392 : memref<1x80x128xf32, #tpu.memory_space<vmem>> -> memref<80x128xf32, #tpu.memory_space<vmem>>
      %dma_wait3A_394 = tpu.memref_slice %arg8[%mul3A_388] : memref<10000xi32, #tpu.memory_space<vmem>> -> memref<80xi32, #tpu.memory_space<vmem>>
      %dma_wait3A_395 = arith.constant 0 : i32
      %dma_wait3A_396 = arith.constant 0 : i32
      %dma_wait3A_397 = tpu.memref_slice %arg2[%dma_wait3A_395, %dma_wait3A_396] : memref<10000x128xf32, #tpu.memory_space<hbm>> -> memref<10000x128xf32, #tpu.memory_space<hbm>>
      tpu.wait_indirect_dma semaphore(%arg16 : memref<!tpu.dma_semaphore, #tpu.memory_space<semaphore_mem>>) src(%dma_wait3A_397 : memref<10000x128xf32, #tpu.memory_space<hbm>>) dst(%dma_wait3A_393 : memref<80x128xf32, #tpu.memory_space<vmem>>)
      %sub3A_398 = arith.constant 2 : i32
      %sub3A_399 = arith.subi %add3A_360, %sub3A_398 : i32
      %mul3A_400 = arith.constant 80 : i32
      %mul3A_401 = arith.muli %sub3A_399, %mul3A_400 : i32
      %add3A_402 = arith.addi %mul3A_18, %mul3A_401 : i32
      %dma_wait3A_403 = tpu.memref_slice %arg4[%add3A_402] : memref<320000xi32, #tpu.memory_space<hbm>> -> memref<80xi32, #tpu.memory_space<hbm>>
      %dma_wait3A_404 = tpu.memref_slice %arg4[%add3A_402] : memref<320000xi32, #tpu.memory_space<hbm>> -> memref<80xi32, #tpu.memory_space<hbm>>
      tpu.wait_dma2 semaphore(%arg13 : memref<!tpu.dma_semaphore, #tpu.memory_space<semaphore_mem>>) src(%dma_wait3A_404 : memref<80xi32, #tpu.memory_space<hbm>>) dst(%arg9 : memref<80xi32, #tpu.memory_space<vmem>>)
      %dma_start3A_405 = arith.constant 0 : i32
      %dma_start3A_406 = arith.constant 0 : i32
      %dma_start3A_407 = arith.constant 0 : i32
      %dma_start3A_408 = tpu.memref_slice %arg12[%dma_start3A_405, %dma_start3A_406, %dma_start3A_407] : memref<3x80x128xf32, #tpu.memory_space<vmem>> -> memref<1x80x128xf32, #tpu.memory_space<vmem>>
      %dma_start3A_409 = tpu.memref_squeeze %dma_start3A_408 : memref<1x80x128xf32, #tpu.memory_space<vmem>> -> memref<80x128xf32, #tpu.memory_space<vmem>>
      %dma_start3A_410 = arith.constant 0 : i32
      %dma_start3A_411 = arith.constant 0 : i32
      %dma_start3A_412 = tpu.memref_slice %arg7[%dma_start3A_410, %dma_start3A_411] : memref<10240x128xf32, #tpu.memory_space<vmem_shared>> -> memref<10240x128xf32, #tpu.memory_space<vmem_shared>>
      tpu.enqueue_indirect_dma source(%dma_start3A_409 : memref<80x128xf32, #tpu.memory_space<vmem>>) target(%dma_start3A_412 : memref<10240x128xf32, #tpu.memory_space<vmem_shared>>) offsets(%arg9 : memref<80xi32, #tpu.memory_space<vmem>>) semaphore(%arg19 : memref<!tpu.dma_semaphore, #tpu.memory_space<semaphore_mem>>) {add = true}
    }
    %scan3A_85 = arith.constant 40 : i32
    %dma_wait3A_86 = arith.constant 0 : i32
    %dma_wait3A_87 = arith.constant 0 : i32
    %dma_wait3A_88 = arith.constant 0 : i32
    %dma_wait3A_89 = tpu.memref_slice %arg12[%dma_wait3A_86, %dma_wait3A_87, %dma_wait3A_88] : memref<3x80x128xf32, #tpu.memory_space<vmem>> -> memref<1x80x128xf32, #tpu.memory_space<vmem>>
    %dma_wait3A_90 = tpu.memref_squeeze %dma_wait3A_89 : memref<1x80x128xf32, #tpu.memory_space<vmem>> -> memref<80x128xf32, #tpu.memory_space<vmem>>
    %dma_wait3A_91 = arith.constant 0 : i32
    %dma_wait3A_92 = arith.constant 0 : i32
    %dma_wait3A_93 = tpu.memref_slice %arg7[%dma_wait3A_91, %dma_wait3A_92] : memref<10240x128xf32, #tpu.memory_space<vmem_shared>> -> memref<10240x128xf32, #tpu.memory_space<vmem_shared>>
    tpu.wait_indirect_dma semaphore(%arg19 : memref<!tpu.dma_semaphore, #tpu.memory_space<semaphore_mem>>) src(%dma_wait3A_90 : memref<80x128xf32, #tpu.memory_space<vmem>>) dst(%dma_wait3A_93 : memref<10240x128xf32, #tpu.memory_space<vmem_shared>>)
    %add3A_94 = arith.constant 9840 : i32
    %add3A_95 = arith.addi %mul3A_18, %add3A_94 : i32
    %dma_start3A_96 = tpu.memref_slice %arg4[%add3A_95] : memref<320000xi32, #tpu.memory_space<hbm>> -> memref<80xi32, #tpu.memory_space<hbm>>
    %dma_start3A_97 = tpu.memref_slice %arg4[%add3A_95] : memref<320000xi32, #tpu.memory_space<hbm>> -> memref<80xi32, #tpu.memory_space<hbm>>
    tpu.enqueue_dma source(%dma_start3A_97 : memref<80xi32, #tpu.memory_space<hbm>>) target(%arg9 : memref<80xi32, #tpu.memory_space<vmem>>) target_semaphore(%arg13 : memref<!tpu.dma_semaphore, #tpu.memory_space<semaphore_mem>>)
    %dma_start3A_98 = arith.constant 0 : i32
    %dma_start3A_99 = arith.constant 0 : i32
    %dma_start3A_100 = arith.constant 0 : i32
    %dma_start3A_101 = tpu.memref_slice %arg12[%dma_start3A_98, %dma_start3A_99, %dma_start3A_100] : memref<3x80x128xf32, #tpu.memory_space<vmem>> -> memref<1x80x128xf32, #tpu.memory_space<vmem>>
    %dma_start3A_102 = tpu.memref_squeeze %dma_start3A_101 : memref<1x80x128xf32, #tpu.memory_space<vmem>> -> memref<80x128xf32, #tpu.memory_space<vmem>>
    %dma_start3A_103 = arith.constant 9840 : i32
    %dma_start3A_104 = tpu.memref_slice %arg8[%dma_start3A_103] : memref<10000xi32, #tpu.memory_space<vmem>> -> memref<80xi32, #tpu.memory_space<vmem>>
    %dma_start3A_105 = arith.constant 0 : i32
    %dma_start3A_106 = arith.constant 0 : i32
    %dma_start3A_107 = tpu.memref_slice %arg2[%dma_start3A_105, %dma_start3A_106] : memref<10000x128xf32, #tpu.memory_space<hbm>> -> memref<10000x128xf32, #tpu.memory_space<hbm>>
    tpu.enqueue_indirect_dma source(%dma_start3A_107 : memref<10000x128xf32, #tpu.memory_space<hbm>>) target(%dma_start3A_102 : memref<80x128xf32, #tpu.memory_space<vmem>>) offsets(%dma_start3A_104 : memref<80xi32, #tpu.memory_space<vmem>>) semaphore(%arg16 : memref<!tpu.dma_semaphore, #tpu.memory_space<semaphore_mem>>)
    %dma_wait3A_108 = arith.constant 1 : i32
    %dma_wait3A_109 = arith.constant 0 : i32
    %dma_wait3A_110 = arith.constant 0 : i32
    %dma_wait3A_111 = tpu.memref_slice %arg12[%dma_wait3A_108, %dma_wait3A_109, %dma_wait3A_110] : memref<3x80x128xf32, #tpu.memory_space<vmem>> -> memref<1x80x128xf32, #tpu.memory_space<vmem>>
    %dma_wait3A_112 = tpu.memref_squeeze %dma_wait3A_111 : memref<1x80x128xf32, #tpu.memory_space<vmem>> -> memref<80x128xf32, #tpu.memory_space<vmem>>
    %dma_wait3A_113 = arith.constant 9680 : i32
    %dma_wait3A_114 = tpu.memref_slice %arg8[%dma_wait3A_113] : memref<10000xi32, #tpu.memory_space<vmem>> -> memref<80xi32, #tpu.memory_space<vmem>>
    %dma_wait3A_115 = arith.constant 0 : i32
    %dma_wait3A_116 = arith.constant 0 : i32
    %dma_wait3A_117 = tpu.memref_slice %arg2[%dma_wait3A_115, %dma_wait3A_116] : memref<10000x128xf32, #tpu.memory_space<hbm>> -> memref<10000x128xf32, #tpu.memory_space<hbm>>
    tpu.wait_indirect_dma semaphore(%arg17 : memref<!tpu.dma_semaphore, #tpu.memory_space<semaphore_mem>>) src(%dma_wait3A_117 : memref<10000x128xf32, #tpu.memory_space<hbm>>) dst(%dma_wait3A_112 : memref<80x128xf32, #tpu.memory_space<vmem>>)
    %add3A_118 = arith.constant 9680 : i32
    %add3A_119 = arith.addi %mul3A_18, %add3A_118 : i32
    %dma_wait3A_120 = tpu.memref_slice %arg4[%add3A_119] : memref<320000xi32, #tpu.memory_space<hbm>> -> memref<80xi32, #tpu.memory_space<hbm>>
    %dma_wait3A_121 = tpu.memref_slice %arg4[%add3A_119] : memref<320000xi32, #tpu.memory_space<hbm>> -> memref<80xi32, #tpu.memory_space<hbm>>
    tpu.wait_dma2 semaphore(%arg14 : memref<!tpu.dma_semaphore, #tpu.memory_space<semaphore_mem>>) src(%dma_wait3A_121 : memref<80xi32, #tpu.memory_space<hbm>>) dst(%arg10 : memref<80xi32, #tpu.memory_space<vmem>>)
    %dma_start3A_122 = arith.constant 1 : i32
    %dma_start3A_123 = arith.constant 0 : i32
    %dma_start3A_124 = arith.constant 0 : i32
    %dma_start3A_125 = tpu.memref_slice %arg12[%dma_start3A_122, %dma_start3A_123, %dma_start3A_124] : memref<3x80x128xf32, #tpu.memory_space<vmem>> -> memref<1x80x128xf32, #tpu.memory_space<vmem>>
    %dma_start3A_126 = tpu.memref_squeeze %dma_start3A_125 : memref<1x80x128xf32, #tpu.memory_space<vmem>> -> memref<80x128xf32, #tpu.memory_space<vmem>>
    %dma_start3A_127 = arith.constant 0 : i32
    %dma_start3A_128 = arith.constant 0 : i32
    %dma_start3A_129 = tpu.memref_slice %arg7[%dma_start3A_127, %dma_start3A_128] : memref<10240x128xf32, #tpu.memory_space<vmem_shared>> -> memref<10240x128xf32, #tpu.memory_space<vmem_shared>>
    tpu.enqueue_indirect_dma source(%dma_start3A_126 : memref<80x128xf32, #tpu.memory_space<vmem>>) target(%dma_start3A_129 : memref<10240x128xf32, #tpu.memory_space<vmem_shared>>) offsets(%arg10 : memref<80xi32, #tpu.memory_space<vmem>>) semaphore(%arg20 : memref<!tpu.dma_semaphore, #tpu.memory_space<semaphore_mem>>) {add = true}
    %dma_wait3A_130 = arith.constant 1 : i32
    %dma_wait3A_131 = arith.constant 0 : i32
    %dma_wait3A_132 = arith.constant 0 : i32
    %dma_wait3A_133 = tpu.memref_slice %arg12[%dma_wait3A_130, %dma_wait3A_131, %dma_wait3A_132] : memref<3x80x128xf32, #tpu.memory_space<vmem>> -> memref<1x80x128xf32, #tpu.memory_space<vmem>>
    %dma_wait3A_134 = tpu.memref_squeeze %dma_wait3A_133 : memref<1x80x128xf32, #tpu.memory_space<vmem>> -> memref<80x128xf32, #tpu.memory_space<vmem>>
    %dma_wait3A_135 = arith.constant 0 : i32
    %dma_wait3A_136 = arith.constant 0 : i32
    %dma_wait3A_137 = tpu.memref_slice %arg7[%dma_wait3A_135, %dma_wait3A_136] : memref<10240x128xf32, #tpu.memory_space<vmem_shared>> -> memref<10240x128xf32, #tpu.memory_space<vmem_shared>>
    tpu.wait_indirect_dma semaphore(%arg20 : memref<!tpu.dma_semaphore, #tpu.memory_space<semaphore_mem>>) src(%dma_wait3A_134 : memref<80x128xf32, #tpu.memory_space<vmem>>) dst(%dma_wait3A_137 : memref<10240x128xf32, #tpu.memory_space<vmem_shared>>)
    %add3A_138 = arith.constant 9920 : i32
    %add3A_139 = arith.addi %mul3A_18, %add3A_138 : i32
    %dma_start3A_140 = tpu.memref_slice %arg4[%add3A_139] : memref<320000xi32, #tpu.memory_space<hbm>> -> memref<80xi32, #tpu.memory_space<hbm>>
    %dma_start3A_141 = tpu.memref_slice %arg4[%add3A_139] : memref<320000xi32, #tpu.memory_space<hbm>> -> memref<80xi32, #tpu.memory_space<hbm>>
    tpu.enqueue_dma source(%dma_start3A_141 : memref<80xi32, #tpu.memory_space<hbm>>) target(%arg10 : memref<80xi32, #tpu.memory_space<vmem>>) target_semaphore(%arg14 : memref<!tpu.dma_semaphore, #tpu.memory_space<semaphore_mem>>)
    %dma_start3A_142 = arith.constant 1 : i32
    %dma_start3A_143 = arith.constant 0 : i32
    %dma_start3A_144 = arith.constant 0 : i32
    %dma_start3A_145 = tpu.memref_slice %arg12[%dma_start3A_142, %dma_start3A_143, %dma_start3A_144] : memref<3x80x128xf32, #tpu.memory_space<vmem>> -> memref<1x80x128xf32, #tpu.memory_space<vmem>>
    %dma_start3A_146 = tpu.memref_squeeze %dma_start3A_145 : memref<1x80x128xf32, #tpu.memory_space<vmem>> -> memref<80x128xf32, #tpu.memory_space<vmem>>
    %dma_start3A_147 = arith.constant 9920 : i32
    %dma_start3A_148 = tpu.memref_slice %arg8[%dma_start3A_147] : memref<10000xi32, #tpu.memory_space<vmem>> -> memref<80xi32, #tpu.memory_space<vmem>>
    %dma_start3A_149 = arith.constant 0 : i32
    %dma_start3A_150 = arith.constant 0 : i32
    %dma_start3A_151 = tpu.memref_slice %arg2[%dma_start3A_149, %dma_start3A_150] : memref<10000x128xf32, #tpu.memory_space<hbm>> -> memref<10000x128xf32, #tpu.memory_space<hbm>>
    tpu.enqueue_indirect_dma source(%dma_start3A_151 : memref<10000x128xf32, #tpu.memory_space<hbm>>) target(%dma_start3A_146 : memref<80x128xf32, #tpu.memory_space<vmem>>) offsets(%dma_start3A_148 : memref<80xi32, #tpu.memory_space<vmem>>) semaphore(%arg17 : memref<!tpu.dma_semaphore, #tpu.memory_space<semaphore_mem>>)
    %dma_wait3A_152 = arith.constant 2 : i32
    %dma_wait3A_153 = arith.constant 0 : i32
    %dma_wait3A_154 = arith.constant 0 : i32
    %dma_wait3A_155 = tpu.memref_slice %arg12[%dma_wait3A_152, %dma_wait3A_153, %dma_wait3A_154] : memref<3x80x128xf32, #tpu.memory_space<vmem>> -> memref<1x80x128xf32, #tpu.memory_space<vmem>>
    %dma_wait3A_156 = tpu.memref_squeeze %dma_wait3A_155 : memref<1x80x128xf32, #tpu.memory_space<vmem>> -> memref<80x128xf32, #tpu.memory_space<vmem>>
    %dma_wait3A_157 = arith.constant 9760 : i32
    %dma_wait3A_158 = tpu.memref_slice %arg8[%dma_wait3A_157] : memref<10000xi32, #tpu.memory_space<vmem>> -> memref<80xi32, #tpu.memory_space<vmem>>
    %dma_wait3A_159 = arith.constant 0 : i32
    %dma_wait3A_160 = arith.constant 0 : i32
    %dma_wait3A_161 = tpu.memref_slice %arg2[%dma_wait3A_159, %dma_wait3A_160] : memref<10000x128xf32, #tpu.memory_space<hbm>> -> memref<10000x128xf32, #tpu.memory_space<hbm>>
    tpu.wait_indirect_dma semaphore(%arg18 : memref<!tpu.dma_semaphore, #tpu.memory_space<semaphore_mem>>) src(%dma_wait3A_161 : memref<10000x128xf32, #tpu.memory_space<hbm>>) dst(%dma_wait3A_156 : memref<80x128xf32, #tpu.memory_space<vmem>>)
    %add3A_162 = arith.constant 9760 : i32
    %add3A_163 = arith.addi %mul3A_18, %add3A_162 : i32
    %dma_wait3A_164 = tpu.memref_slice %arg4[%add3A_163] : memref<320000xi32, #tpu.memory_space<hbm>> -> memref<80xi32, #tpu.memory_space<hbm>>
    %dma_wait3A_165 = tpu.memref_slice %arg4[%add3A_163] : memref<320000xi32, #tpu.memory_space<hbm>> -> memref<80xi32, #tpu.memory_space<hbm>>
    tpu.wait_dma2 semaphore(%arg15 : memref<!tpu.dma_semaphore, #tpu.memory_space<semaphore_mem>>) src(%dma_wait3A_165 : memref<80xi32, #tpu.memory_space<hbm>>) dst(%arg11 : memref<80xi32, #tpu.memory_space<vmem>>)
    %dma_start3A_166 = arith.constant 2 : i32
    %dma_start3A_167 = arith.constant 0 : i32
    %dma_start3A_168 = arith.constant 0 : i32
    %dma_start3A_169 = tpu.memref_slice %arg12[%dma_start3A_166, %dma_start3A_167, %dma_start3A_168] : memref<3x80x128xf32, #tpu.memory_space<vmem>> -> memref<1x80x128xf32, #tpu.memory_space<vmem>>
    %dma_start3A_170 = tpu.memref_squeeze %dma_start3A_169 : memref<1x80x128xf32, #tpu.memory_space<vmem>> -> memref<80x128xf32, #tpu.memory_space<vmem>>
    %dma_start3A_171 = arith.constant 0 : i32
    %dma_start3A_172 = arith.constant 0 : i32
    %dma_start3A_173 = tpu.memref_slice %arg7[%dma_start3A_171, %dma_start3A_172] : memref<10240x128xf32, #tpu.memory_space<vmem_shared>> -> memref<10240x128xf32, #tpu.memory_space<vmem_shared>>
    tpu.enqueue_indirect_dma source(%dma_start3A_170 : memref<80x128xf32, #tpu.memory_space<vmem>>) target(%dma_start3A_173 : memref<10240x128xf32, #tpu.memory_space<vmem_shared>>) offsets(%arg11 : memref<80xi32, #tpu.memory_space<vmem>>) semaphore(%arg21 : memref<!tpu.dma_semaphore, #tpu.memory_space<semaphore_mem>>) {add = true}
    %dma_wait3A_174 = arith.constant 0 : i32
    %dma_wait3A_175 = arith.constant 0 : i32
    %dma_wait3A_176 = arith.constant 0 : i32
    %dma_wait3A_177 = tpu.memref_slice %arg12[%dma_wait3A_174, %dma_wait3A_175, %dma_wait3A_176] : memref<3x80x128xf32, #tpu.memory_space<vmem>> -> memref<1x80x128xf32, #tpu.memory_space<vmem>>
    %dma_wait3A_178 = tpu.memref_squeeze %dma_wait3A_177 : memref<1x80x128xf32, #tpu.memory_space<vmem>> -> memref<80x128xf32, #tpu.memory_space<vmem>>
    %dma_wait3A_179 = arith.constant 9840 : i32
    %dma_wait3A_180 = tpu.memref_slice %arg8[%dma_wait3A_179] : memref<10000xi32, #tpu.memory_space<vmem>> -> memref<80xi32, #tpu.memory_space<vmem>>
    %dma_wait3A_181 = arith.constant 0 : i32
    %dma_wait3A_182 = arith.constant 0 : i32
    %dma_wait3A_183 = tpu.memref_slice %arg2[%dma_wait3A_181, %dma_wait3A_182] : memref<10000x128xf32, #tpu.memory_space<hbm>> -> memref<10000x128xf32, #tpu.memory_space<hbm>>
    tpu.wait_indirect_dma semaphore(%arg16 : memref<!tpu.dma_semaphore, #tpu.memory_space<semaphore_mem>>) src(%dma_wait3A_183 : memref<10000x128xf32, #tpu.memory_space<hbm>>) dst(%dma_wait3A_178 : memref<80x128xf32, #tpu.memory_space<vmem>>)
    %add3A_184 = arith.constant 9840 : i32
    %add3A_185 = arith.addi %mul3A_18, %add3A_184 : i32
    %dma_wait3A_186 = tpu.memref_slice %arg4[%add3A_185] : memref<320000xi32, #tpu.memory_space<hbm>> -> memref<80xi32, #tpu.memory_space<hbm>>
    %dma_wait3A_187 = tpu.memref_slice %arg4[%add3A_185] : memref<320000xi32, #tpu.memory_space<hbm>> -> memref<80xi32, #tpu.memory_space<hbm>>
    tpu.wait_dma2 semaphore(%arg13 : memref<!tpu.dma_semaphore, #tpu.memory_space<semaphore_mem>>) src(%dma_wait3A_187 : memref<80xi32, #tpu.memory_space<hbm>>) dst(%arg9 : memref<80xi32, #tpu.memory_space<vmem>>)
    %dma_start3A_188 = arith.constant 0 : i32
    %dma_start3A_189 = arith.constant 0 : i32
    %dma_start3A_190 = arith.constant 0 : i32
    %dma_start3A_191 = tpu.memref_slice %arg12[%dma_start3A_188, %dma_start3A_189, %dma_start3A_190] : memref<3x80x128xf32, #tpu.memory_space<vmem>> -> memref<1x80x128xf32, #tpu.memory_space<vmem>>
    %dma_start3A_192 = tpu.memref_squeeze %dma_start3A_191 : memref<1x80x128xf32, #tpu.memory_space<vmem>> -> memref<80x128xf32, #tpu.memory_space<vmem>>
    %dma_start3A_193 = arith.constant 0 : i32
    %dma_start3A_194 = arith.constant 0 : i32
    %dma_start3A_195 = tpu.memref_slice %arg7[%dma_start3A_193, %dma_start3A_194] : memref<10240x128xf32, #tpu.memory_space<vmem_shared>> -> memref<10240x128xf32, #tpu.memory_space<vmem_shared>>
    tpu.enqueue_indirect_dma source(%dma_start3A_192 : memref<80x128xf32, #tpu.memory_space<vmem>>) target(%dma_start3A_195 : memref<10240x128xf32, #tpu.memory_space<vmem_shared>>) offsets(%arg9 : memref<80xi32, #tpu.memory_space<vmem>>) semaphore(%arg19 : memref<!tpu.dma_semaphore, #tpu.memory_space<semaphore_mem>>) {add = true}
    %dma_wait3A_196 = arith.constant 1 : i32
    %dma_wait3A_197 = arith.constant 0 : i32
    %dma_wait3A_198 = arith.constant 0 : i32
    %dma_wait3A_199 = tpu.memref_slice %arg12[%dma_wait3A_196, %dma_wait3A_197, %dma_wait3A_198] : memref<3x80x128xf32, #tpu.memory_space<vmem>> -> memref<1x80x128xf32, #tpu.memory_space<vmem>>
    %dma_wait3A_200 = tpu.memref_squeeze %dma_wait3A_199 : memref<1x80x128xf32, #tpu.memory_space<vmem>> -> memref<80x128xf32, #tpu.memory_space<vmem>>
    %dma_wait3A_201 = arith.constant 9920 : i32
    %dma_wait3A_202 = tpu.memref_slice %arg8[%dma_wait3A_201] : memref<10000xi32, #tpu.memory_space<vmem>> -> memref<80xi32, #tpu.memory_space<vmem>>
    %dma_wait3A_203 = arith.constant 0 : i32
    %dma_wait3A_204 = arith.constant 0 : i32
    %dma_wait3A_205 = tpu.memref_slice %arg2[%dma_wait3A_203, %dma_wait3A_204] : memref<10000x128xf32, #tpu.memory_space<hbm>> -> memref<10000x128xf32, #tpu.memory_space<hbm>>
    tpu.wait_indirect_dma semaphore(%arg17 : memref<!tpu.dma_semaphore, #tpu.memory_space<semaphore_mem>>) src(%dma_wait3A_205 : memref<10000x128xf32, #tpu.memory_space<hbm>>) dst(%dma_wait3A_200 : memref<80x128xf32, #tpu.memory_space<vmem>>)
    %add3A_206 = arith.constant 9920 : i32
    %add3A_207 = arith.addi %mul3A_18, %add3A_206 : i32
    %dma_wait3A_208 = tpu.memref_slice %arg4[%add3A_207] : memref<320000xi32, #tpu.memory_space<hbm>> -> memref<80xi32, #tpu.memory_space<hbm>>
    %dma_wait3A_209 = tpu.memref_slice %arg4[%add3A_207] : memref<320000xi32, #tpu.memory_space<hbm>> -> memref<80xi32, #tpu.memory_space<hbm>>
    tpu.wait_dma2 semaphore(%arg14 : memref<!tpu.dma_semaphore, #tpu.memory_space<semaphore_mem>>) src(%dma_wait3A_209 : memref<80xi32, #tpu.memory_space<hbm>>) dst(%arg10 : memref<80xi32, #tpu.memory_space<vmem>>)
    %dma_start3A_210 = arith.constant 1 : i32
    %dma_start3A_211 = arith.constant 0 : i32
    %dma_start3A_212 = arith.constant 0 : i32
    %dma_start3A_213 = tpu.memref_slice %arg12[%dma_start3A_210, %dma_start3A_211, %dma_start3A_212] : memref<3x80x128xf32, #tpu.memory_space<vmem>> -> memref<1x80x128xf32, #tpu.memory_space<vmem>>
    %dma_start3A_214 = tpu.memref_squeeze %dma_start3A_213 : memref<1x80x128xf32, #tpu.memory_space<vmem>> -> memref<80x128xf32, #tpu.memory_space<vmem>>
    %dma_start3A_215 = arith.constant 0 : i32
    %dma_start3A_216 = arith.constant 0 : i32
    %dma_start3A_217 = tpu.memref_slice %arg7[%dma_start3A_215, %dma_start3A_216] : memref<10240x128xf32, #tpu.memory_space<vmem_shared>> -> memref<10240x128xf32, #tpu.memory_space<vmem_shared>>
    tpu.enqueue_indirect_dma source(%dma_start3A_214 : memref<80x128xf32, #tpu.memory_space<vmem>>) target(%dma_start3A_217 : memref<10240x128xf32, #tpu.memory_space<vmem_shared>>) offsets(%arg10 : memref<80xi32, #tpu.memory_space<vmem>>) semaphore(%arg20 : memref<!tpu.dma_semaphore, #tpu.memory_space<semaphore_mem>>) {add = true}
    %dma_wait3A_218 = arith.constant 2 : i32
    %dma_wait3A_219 = arith.constant 0 : i32
    %dma_wait3A_220 = arith.constant 0 : i32
    %dma_wait3A_221 = tpu.memref_slice %arg12[%dma_wait3A_218, %dma_wait3A_219, %dma_wait3A_220] : memref<3x80x128xf32, #tpu.memory_space<vmem>> -> memref<1x80x128xf32, #tpu.memory_space<vmem>>
    %dma_wait3A_222 = tpu.memref_squeeze %dma_wait3A_221 : memref<1x80x128xf32, #tpu.memory_space<vmem>> -> memref<80x128xf32, #tpu.memory_space<vmem>>
    %dma_wait3A_223 = arith.constant 0 : i32
    %dma_wait3A_224 = arith.constant 0 : i32
    %dma_wait3A_225 = tpu.memref_slice %arg7[%dma_wait3A_223, %dma_wait3A_224] : memref<10240x128xf32, #tpu.memory_space<vmem_shared>> -> memref<10240x128xf32, #tpu.memory_space<vmem_shared>>
    tpu.wait_indirect_dma semaphore(%arg21 : memref<!tpu.dma_semaphore, #tpu.memory_space<semaphore_mem>>) src(%dma_wait3A_222 : memref<80x128xf32, #tpu.memory_space<vmem>>) dst(%dma_wait3A_225 : memref<10240x128xf32, #tpu.memory_space<vmem_shared>>)
    %dma_wait3A_226 = arith.constant 0 : i32
    %dma_wait3A_227 = arith.constant 0 : i32
    %dma_wait3A_228 = arith.constant 0 : i32
    %dma_wait3A_229 = tpu.memref_slice %arg12[%dma_wait3A_226, %dma_wait3A_227, %dma_wait3A_228] : memref<3x80x128xf32, #tpu.memory_space<vmem>> -> memref<1x80x128xf32, #tpu.memory_space<vmem>>
    %dma_wait3A_230 = tpu.memref_squeeze %dma_wait3A_229 : memref<1x80x128xf32, #tpu.memory_space<vmem>> -> memref<80x128xf32, #tpu.memory_space<vmem>>
    %dma_wait3A_231 = arith.constant 0 : i32
    %dma_wait3A_232 = arith.constant 0 : i32
    %dma_wait3A_233 = tpu.memref_slice %arg7[%dma_wait3A_231, %dma_wait3A_232] : memref<10240x128xf32, #tpu.memory_space<vmem_shared>> -> memref<10240x128xf32, #tpu.memory_space<vmem_shared>>
    tpu.wait_indirect_dma semaphore(%arg19 : memref<!tpu.dma_semaphore, #tpu.memory_space<semaphore_mem>>) src(%dma_wait3A_230 : memref<80x128xf32, #tpu.memory_space<vmem>>) dst(%dma_wait3A_233 : memref<10240x128xf32, #tpu.memory_space<vmem_shared>>)
    %dma_wait3A_234 = arith.constant 1 : i32
    %dma_wait3A_235 = arith.constant 0 : i32
    %dma_wait3A_236 = arith.constant 0 : i32
    %dma_wait3A_237 = tpu.memref_slice %arg12[%dma_wait3A_234, %dma_wait3A_235, %dma_wait3A_236] : memref<3x80x128xf32, #tpu.memory_space<vmem>> -> memref<1x80x128xf32, #tpu.memory_space<vmem>>
    %dma_wait3A_238 = tpu.memref_squeeze %dma_wait3A_237 : memref<1x80x128xf32, #tpu.memory_space<vmem>> -> memref<80x128xf32, #tpu.memory_space<vmem>>
    %dma_wait3A_239 = arith.constant 0 : i32
    %dma_wait3A_240 = arith.constant 0 : i32
    %dma_wait3A_241 = tpu.memref_slice %arg7[%dma_wait3A_239, %dma_wait3A_240] : memref<10240x128xf32, #tpu.memory_space<vmem_shared>> -> memref<10240x128xf32, #tpu.memory_space<vmem_shared>>
    tpu.wait_indirect_dma semaphore(%arg20 : memref<!tpu.dma_semaphore, #tpu.memory_space<semaphore_mem>>) src(%dma_wait3A_238 : memref<80x128xf32, #tpu.memory_space<vmem>>) dst(%dma_wait3A_241 : memref<10240x128xf32, #tpu.memory_space<vmem_shared>>)
    %barrier3A_242 = arith.constant 0 : index
    tpu.barrier barrier_id(%barrier3A_242)
    %mul3A_243 = arith.constant 640 : i32
    %mul3A_244 = arith.muli %arg1, %mul3A_243 : i32
    %mul3A_245 = arith.constant 640 : i32
    %mul3A_246 = arith.muli %arg1, %mul3A_245 : i32
    "tpu.region"() ({
      %run_scoped3A = tpu.sem_alloc : memref<!tpu.dma_semaphore, #tpu.memory_space<semaphore_mem>>
      %dma_start3A_247 = arith.constant 0 : i32
      %dma_start3A_248 = tpu.memref_slice %arg6[%arg0, %mul3A_246, %dma_start3A_247] : memref<2x10240x128xf32, #tpu.memory_space<hbm>> -> memref<1x640x128xf32, #tpu.memory_space<hbm>>
      %dma_start3A_249 = tpu.memref_squeeze %dma_start3A_248 : memref<1x640x128xf32, #tpu.memory_space<hbm>> -> memref<640x128xf32, #tpu.memory_space<hbm>>
      %dma_start3A_250 = arith.constant 0 : i32
      %dma_start3A_251 = tpu.memref_slice %arg7[%mul3A_244, %dma_start3A_250] : memref<10240x128xf32, #tpu.memory_space<vmem_shared>> -> memref<640x128xf32, #tpu.memory_space<vmem_shared>>
      tpu.enqueue_dma source(%dma_start3A_251 : memref<640x128xf32, #tpu.memory_space<vmem_shared>>) target(%dma_start3A_249 : memref<640x128xf32, #tpu.memory_space<hbm>>) target_semaphore(%run_scoped3A : memref<!tpu.dma_semaphore, #tpu.memory_space<semaphore_mem>>)
      %dma_wait3A_252 = arith.constant 0 : i32
      %dma_wait3A_253 = tpu.memref_slice %arg6[%arg0, %mul3A_246, %dma_wait3A_252] : memref<2x10240x128xf32, #tpu.memory_space<hbm>> -> memref<1x640x128xf32, #tpu.memory_space<hbm>>
      %dma_wait3A_254 = tpu.memref_squeeze %dma_wait3A_253 : memref<1x640x128xf32, #tpu.memory_space<hbm>> -> memref<640x128xf32, #tpu.memory_space<hbm>>
      %dma_wait3A_255 = arith.constant 0 : i32
      %dma_wait3A_256 = tpu.memref_slice %arg7[%mul3A_244, %dma_wait3A_255] : memref<10240x128xf32, #tpu.memory_space<vmem_shared>> -> memref<640x128xf32, #tpu.memory_space<vmem_shared>>
      tpu.wait_dma2 semaphore(%run_scoped3A : memref<!tpu.dma_semaphore, #tpu.memory_space<semaphore_mem>>) src(%dma_wait3A_256 : memref<640x128xf32, #tpu.memory_space<vmem_shared>>) dst(%dma_wait3A_254 : memref<640x128xf32, #tpu.memory_space<hbm>>)
      tpu.yield
    }) : () -> ()
    return
  }
}

#map = affine_map<(d0, d1) -> (0, 0, 0)>
#map1 = affine_map<(d0, d1) -> (0)>
#map2 = affine_map<(d0, d1) -> (0, 0)>
module attributes {stable_mosaic.version = 14 : i64} {
  func.func @_deg_body(%arg0: i32, %arg1: i32, %arg2: memref<32x125x80xi32, #tpu.memory_space<hbm>>, %arg3: memref<640xf32, #tpu.memory_space<hbm>>, %arg4: memref<80xf32, #tpu.memory_space<hbm>>, %arg5: memref<2x10240xf32, #tpu.memory_space<hbm>>, %arg6: memref<10240xf32, #tpu.memory_space<vmem_shared>>, %arg7: memref<125x80xi32, #tpu.memory_space<vmem>>, %arg8: memref<80xf32, #tpu.memory_space<vmem>>, %arg9: memref<!tpu.dma_semaphore, #tpu.memory_space<semaphore_mem>>) attributes {dimension_semantics = [#tpu.dimension_semantics<core_parallel>, #tpu.dimension_semantics<subcore_parallel>], iteration_bounds = array<i64: 2, 16>, scalar_prefetch = 0 : i64, scratch_operands = 4 : i64, tpu.core_type = #tpu.core_type<sc_vector_subcore>, window_params = [{transform_indices = #map}, {transform_indices = #map1}, {transform_indices = #map1}, {transform_indices = #map2}]} {
    %mul3A = arith.constant 2 : i32
    %mul3A_0 = arith.muli %arg1, %mul3A : i32
    %add3A = arith.addi %mul3A_0, %arg0 : i32
    %mul3A_1 = arith.constant 640 : i32
    %mul3A_2 = arith.muli %arg1, %mul3A_1 : i32
    "tpu.region"() ({
      %run_scoped3A = tpu.sem_alloc : memref<!tpu.dma_semaphore, #tpu.memory_space<semaphore_mem>>
      %dma_start3A_71 = tpu.memref_slice %arg6[%mul3A_2] : memref<10240xf32, #tpu.memory_space<vmem_shared>> -> memref<640xf32, #tpu.memory_space<vmem_shared>>
      tpu.enqueue_dma source(%arg3 : memref<640xf32, #tpu.memory_space<hbm>>) target(%dma_start3A_71 : memref<640xf32, #tpu.memory_space<vmem_shared>>) target_semaphore(%run_scoped3A : memref<!tpu.dma_semaphore, #tpu.memory_space<semaphore_mem>>)
      %dma_wait3A_72 = tpu.memref_slice %arg6[%mul3A_2] : memref<10240xf32, #tpu.memory_space<vmem_shared>> -> memref<640xf32, #tpu.memory_space<vmem_shared>>
      tpu.wait_dma2 semaphore(%run_scoped3A : memref<!tpu.dma_semaphore, #tpu.memory_space<semaphore_mem>>) src(%arg3 : memref<640xf32, #tpu.memory_space<hbm>>) dst(%dma_wait3A_72 : memref<640xf32, #tpu.memory_space<vmem_shared>>)
      tpu.yield
    }) : () -> ()
    "tpu.region"() ({
      %run_scoped3A = tpu.sem_alloc : memref<!tpu.dma_semaphore, #tpu.memory_space<semaphore_mem>>
      %dma_start3A_71 = arith.constant 0 : i32
      %dma_start3A_72 = arith.constant 0 : i32
      %dma_start3A_73 = tpu.memref_slice %arg2[%add3A, %dma_start3A_71, %dma_start3A_72] : memref<32x125x80xi32, #tpu.memory_space<hbm>> -> memref<1x125x80xi32, #tpu.memory_space<hbm>>
      %dma_start3A_74 = tpu.memref_squeeze %dma_start3A_73 : memref<1x125x80xi32, #tpu.memory_space<hbm>> -> memref<125x80xi32, #tpu.memory_space<hbm>>
      %dma_start3A_75 = arith.constant 0 : i32
      %dma_start3A_76 = arith.constant 0 : i32
      %dma_start3A_77 = tpu.memref_slice %arg2[%add3A, %dma_start3A_75, %dma_start3A_76] : memref<32x125x80xi32, #tpu.memory_space<hbm>> -> memref<1x125x80xi32, #tpu.memory_space<hbm>>
      %dma_start3A_78 = tpu.memref_squeeze %dma_start3A_77 : memref<1x125x80xi32, #tpu.memory_space<hbm>> -> memref<125x80xi32, #tpu.memory_space<hbm>>
      tpu.enqueue_dma source(%dma_start3A_78 : memref<125x80xi32, #tpu.memory_space<hbm>>) target(%arg7 : memref<125x80xi32, #tpu.memory_space<vmem>>) target_semaphore(%run_scoped3A : memref<!tpu.dma_semaphore, #tpu.memory_space<semaphore_mem>>)
      %dma_wait3A_79 = arith.constant 0 : i32
      %dma_wait3A_80 = arith.constant 0 : i32
      %dma_wait3A_81 = tpu.memref_slice %arg2[%add3A, %dma_wait3A_79, %dma_wait3A_80] : memref<32x125x80xi32, #tpu.memory_space<hbm>> -> memref<1x125x80xi32, #tpu.memory_space<hbm>>
      %dma_wait3A_82 = tpu.memref_squeeze %dma_wait3A_81 : memref<1x125x80xi32, #tpu.memory_space<hbm>> -> memref<125x80xi32, #tpu.memory_space<hbm>>
      %dma_wait3A_83 = arith.constant 0 : i32
      %dma_wait3A_84 = arith.constant 0 : i32
      %dma_wait3A_85 = tpu.memref_slice %arg2[%add3A, %dma_wait3A_83, %dma_wait3A_84] : memref<32x125x80xi32, #tpu.memory_space<hbm>> -> memref<1x125x80xi32, #tpu.memory_space<hbm>>
      %dma_wait3A_86 = tpu.memref_squeeze %dma_wait3A_85 : memref<1x125x80xi32, #tpu.memory_space<hbm>> -> memref<125x80xi32, #tpu.memory_space<hbm>>
      tpu.wait_dma2 semaphore(%run_scoped3A : memref<!tpu.dma_semaphore, #tpu.memory_space<semaphore_mem>>) src(%dma_wait3A_86 : memref<125x80xi32, #tpu.memory_space<hbm>>) dst(%arg7 : memref<125x80xi32, #tpu.memory_space<vmem>>)
      tpu.yield
    }) : () -> ()
    "tpu.region"() ({
      %run_scoped3A = tpu.sem_alloc : memref<!tpu.dma_semaphore, #tpu.memory_space<semaphore_mem>>
      tpu.enqueue_dma source(%arg4 : memref<80xf32, #tpu.memory_space<hbm>>) target(%arg8 : memref<80xf32, #tpu.memory_space<vmem>>) target_semaphore(%run_scoped3A : memref<!tpu.dma_semaphore, #tpu.memory_space<semaphore_mem>>)
      tpu.wait_dma2 semaphore(%run_scoped3A : memref<!tpu.dma_semaphore, #tpu.memory_space<semaphore_mem>>) src(%arg4 : memref<80xf32, #tpu.memory_space<hbm>>) dst(%arg8 : memref<80xf32, #tpu.memory_space<vmem>>)
      tpu.yield
    }) : () -> ()
    %barrier3A = arith.constant 0 : index
    tpu.barrier barrier_id(%barrier3A)
    %dma_start3A = arith.constant 0 : i32
    %dma_start3A_3 = arith.constant 0 : i32
    %dma_start3A_4 = tpu.memref_slice %arg7[%dma_start3A, %dma_start3A_3] : memref<125x80xi32, #tpu.memory_space<vmem>> -> memref<1x80xi32, #tpu.memory_space<vmem>>
    %dma_start3A_5 = tpu.memref_squeeze %dma_start3A_4 : memref<1x80xi32, #tpu.memory_space<vmem>> -> memref<80xi32, #tpu.memory_space<vmem>>
    %dma_start3A_6 = arith.constant 0 : i32
    %dma_start3A_7 = tpu.memref_slice %arg6[%dma_start3A_6] : memref<10240xf32, #tpu.memory_space<vmem_shared>> -> memref<10240xf32, #tpu.memory_space<vmem_shared>>
    tpu.enqueue_indirect_dma source(%arg8 : memref<80xf32, #tpu.memory_space<vmem>>) target(%dma_start3A_7 : memref<10240xf32, #tpu.memory_space<vmem_shared>>) offsets(%dma_start3A_5 : memref<80xi32, #tpu.memory_space<vmem>>) semaphore(%arg9 : memref<!tpu.dma_semaphore, #tpu.memory_space<semaphore_mem>>) {add = true}
    %dma_start3A_8 = arith.constant 1 : i32
    %dma_start3A_9 = arith.constant 0 : i32
    %dma_start3A_10 = tpu.memref_slice %arg7[%dma_start3A_8, %dma_start3A_9] : memref<125x80xi32, #tpu.memory_space<vmem>> -> memref<1x80xi32, #tpu.memory_space<vmem>>
    %dma_start3A_11 = tpu.memref_squeeze %dma_start3A_10 : memref<1x80xi32, #tpu.memory_space<vmem>> -> memref<80xi32, #tpu.memory_space<vmem>>
    %dma_start3A_12 = arith.constant 0 : i32
    %dma_start3A_13 = tpu.memref_slice %arg6[%dma_start3A_12] : memref<10240xf32, #tpu.memory_space<vmem_shared>> -> memref<10240xf32, #tpu.memory_space<vmem_shared>>
    tpu.enqueue_indirect_dma source(%arg8 : memref<80xf32, #tpu.memory_space<vmem>>) target(%dma_start3A_13 : memref<10240xf32, #tpu.memory_space<vmem_shared>>) offsets(%dma_start3A_11 : memref<80xi32, #tpu.memory_space<vmem>>) semaphore(%arg9 : memref<!tpu.dma_semaphore, #tpu.memory_space<semaphore_mem>>) {add = true}
    %dma_start3A_14 = arith.constant 2 : i32
    %dma_start3A_15 = arith.constant 0 : i32
    %dma_start3A_16 = tpu.memref_slice %arg7[%dma_start3A_14, %dma_start3A_15] : memref<125x80xi32, #tpu.memory_space<vmem>> -> memref<1x80xi32, #tpu.memory_space<vmem>>
    %dma_start3A_17 = tpu.memref_squeeze %dma_start3A_16 : memref<1x80xi32, #tpu.memory_space<vmem>> -> memref<80xi32, #tpu.memory_space<vmem>>
    %dma_start3A_18 = arith.constant 0 : i32
    %dma_start3A_19 = tpu.memref_slice %arg6[%dma_start3A_18] : memref<10240xf32, #tpu.memory_space<vmem_shared>> -> memref<10240xf32, #tpu.memory_space<vmem_shared>>
    tpu.enqueue_indirect_dma source(%arg8 : memref<80xf32, #tpu.memory_space<vmem>>) target(%dma_start3A_19 : memref<10240xf32, #tpu.memory_space<vmem_shared>>) offsets(%dma_start3A_17 : memref<80xi32, #tpu.memory_space<vmem>>) semaphore(%arg9 : memref<!tpu.dma_semaphore, #tpu.memory_space<semaphore_mem>>) {add = true}
    %dma_start3A_20 = arith.constant 3 : i32
    %dma_start3A_21 = arith.constant 0 : i32
    %dma_start3A_22 = tpu.memref_slice %arg7[%dma_start3A_20, %dma_start3A_21] : memref<125x80xi32, #tpu.memory_space<vmem>> -> memref<1x80xi32, #tpu.memory_space<vmem>>
    %dma_start3A_23 = tpu.memref_squeeze %dma_start3A_22 : memref<1x80xi32, #tpu.memory_space<vmem>> -> memref<80xi32, #tpu.memory_space<vmem>>
    %dma_start3A_24 = arith.constant 0 : i32
    %dma_start3A_25 = tpu.memref_slice %arg6[%dma_start3A_24] : memref<10240xf32, #tpu.memory_space<vmem_shared>> -> memref<10240xf32, #tpu.memory_space<vmem_shared>>
    tpu.enqueue_indirect_dma source(%arg8 : memref<80xf32, #tpu.memory_space<vmem>>) target(%dma_start3A_25 : memref<10240xf32, #tpu.memory_space<vmem_shared>>) offsets(%dma_start3A_23 : memref<80xi32, #tpu.memory_space<vmem>>) semaphore(%arg9 : memref<!tpu.dma_semaphore, #tpu.memory_space<semaphore_mem>>) {add = true}
    %dma_start3A_26 = arith.constant 4 : i32
    %dma_start3A_27 = arith.constant 0 : i32
    %dma_start3A_28 = tpu.memref_slice %arg7[%dma_start3A_26, %dma_start3A_27] : memref<125x80xi32, #tpu.memory_space<vmem>> -> memref<1x80xi32, #tpu.memory_space<vmem>>
    %dma_start3A_29 = tpu.memref_squeeze %dma_start3A_28 : memref<1x80xi32, #tpu.memory_space<vmem>> -> memref<80xi32, #tpu.memory_space<vmem>>
    %dma_start3A_30 = arith.constant 0 : i32
    %dma_start3A_31 = tpu.memref_slice %arg6[%dma_start3A_30] : memref<10240xf32, #tpu.memory_space<vmem_shared>> -> memref<10240xf32, #tpu.memory_space<vmem_shared>>
    tpu.enqueue_indirect_dma source(%arg8 : memref<80xf32, #tpu.memory_space<vmem>>) target(%dma_start3A_31 : memref<10240xf32, #tpu.memory_space<vmem_shared>>) offsets(%dma_start3A_29 : memref<80xi32, #tpu.memory_space<vmem>>) semaphore(%arg9 : memref<!tpu.dma_semaphore, #tpu.memory_space<semaphore_mem>>) {add = true}
    %scan3A = arith.constant 0 : i32
    %scan3A_32 = arith.constant 1 : i32
    %scan3A_33 = arith.constant 24 : i32
    %scan3A_34 = arith.addi %scan3A_32, %scan3A_33 : i32
    %scan3A_35 = arith.constant 1 : i32
    scf.for %scan3A_71 = %scan3A_32 to %scan3A_34 step %scan3A_35  : i32 {
      %mul3A_72 = arith.constant 5 : i32
      %mul3A_73 = arith.muli %scan3A_71, %mul3A_72 : i32
      %add3A_74 = arith.constant 0 : i32
      %add3A_75 = arith.addi %mul3A_73, %add3A_74 : i32
      %dma_start3A_76 = arith.constant 0 : i32
      %dma_start3A_77 = tpu.memref_slice %arg7[%add3A_75, %dma_start3A_76] : memref<125x80xi32, #tpu.memory_space<vmem>> -> memref<1x80xi32, #tpu.memory_space<vmem>>
      %dma_start3A_78 = tpu.memref_squeeze %dma_start3A_77 : memref<1x80xi32, #tpu.memory_space<vmem>> -> memref<80xi32, #tpu.memory_space<vmem>>
      %dma_start3A_79 = arith.constant 0 : i32
      %dma_start3A_80 = tpu.memref_slice %arg6[%dma_start3A_79] : memref<10240xf32, #tpu.memory_space<vmem_shared>> -> memref<10240xf32, #tpu.memory_space<vmem_shared>>
      tpu.enqueue_indirect_dma source(%arg8 : memref<80xf32, #tpu.memory_space<vmem>>) target(%dma_start3A_80 : memref<10240xf32, #tpu.memory_space<vmem_shared>>) offsets(%dma_start3A_78 : memref<80xi32, #tpu.memory_space<vmem>>) semaphore(%arg9 : memref<!tpu.dma_semaphore, #tpu.memory_space<semaphore_mem>>) {add = true}
      %mul3A_81 = arith.constant 5 : i32
      %mul3A_82 = arith.muli %scan3A_71, %mul3A_81 : i32
      %add3A_83 = arith.constant 1 : i32
      %add3A_84 = arith.addi %mul3A_82, %add3A_83 : i32
      %dma_start3A_85 = arith.constant 0 : i32
      %dma_start3A_86 = tpu.memref_slice %arg7[%add3A_84, %dma_start3A_85] : memref<125x80xi32, #tpu.memory_space<vmem>> -> memref<1x80xi32, #tpu.memory_space<vmem>>
      %dma_start3A_87 = tpu.memref_squeeze %dma_start3A_86 : memref<1x80xi32, #tpu.memory_space<vmem>> -> memref<80xi32, #tpu.memory_space<vmem>>
      %dma_start3A_88 = arith.constant 0 : i32
      %dma_start3A_89 = tpu.memref_slice %arg6[%dma_start3A_88] : memref<10240xf32, #tpu.memory_space<vmem_shared>> -> memref<10240xf32, #tpu.memory_space<vmem_shared>>
      tpu.enqueue_indirect_dma source(%arg8 : memref<80xf32, #tpu.memory_space<vmem>>) target(%dma_start3A_89 : memref<10240xf32, #tpu.memory_space<vmem_shared>>) offsets(%dma_start3A_87 : memref<80xi32, #tpu.memory_space<vmem>>) semaphore(%arg9 : memref<!tpu.dma_semaphore, #tpu.memory_space<semaphore_mem>>) {add = true}
      %mul3A_90 = arith.constant 5 : i32
      %mul3A_91 = arith.muli %scan3A_71, %mul3A_90 : i32
      %add3A_92 = arith.constant 2 : i32
      %add3A_93 = arith.addi %mul3A_91, %add3A_92 : i32
      %dma_start3A_94 = arith.constant 0 : i32
      %dma_start3A_95 = tpu.memref_slice %arg7[%add3A_93, %dma_start3A_94] : memref<125x80xi32, #tpu.memory_space<vmem>> -> memref<1x80xi32, #tpu.memory_space<vmem>>
      %dma_start3A_96 = tpu.memref_squeeze %dma_start3A_95 : memref<1x80xi32, #tpu.memory_space<vmem>> -> memref<80xi32, #tpu.memory_space<vmem>>
      %dma_start3A_97 = arith.constant 0 : i32
      %dma_start3A_98 = tpu.memref_slice %arg6[%dma_start3A_97] : memref<10240xf32, #tpu.memory_space<vmem_shared>> -> memref<10240xf32, #tpu.memory_space<vmem_shared>>
      tpu.enqueue_indirect_dma source(%arg8 : memref<80xf32, #tpu.memory_space<vmem>>) target(%dma_start3A_98 : memref<10240xf32, #tpu.memory_space<vmem_shared>>) offsets(%dma_start3A_96 : memref<80xi32, #tpu.memory_space<vmem>>) semaphore(%arg9 : memref<!tpu.dma_semaphore, #tpu.memory_space<semaphore_mem>>) {add = true}
      %mul3A_99 = arith.constant 5 : i32
      %mul3A_100 = arith.muli %scan3A_71, %mul3A_99 : i32
      %add3A_101 = arith.constant 3 : i32
      %add3A_102 = arith.addi %mul3A_100, %add3A_101 : i32
      %dma_start3A_103 = arith.constant 0 : i32
      %dma_start3A_104 = tpu.memref_slice %arg7[%add3A_102, %dma_start3A_103] : memref<125x80xi32, #tpu.memory_space<vmem>> -> memref<1x80xi32, #tpu.memory_space<vmem>>
      %dma_start3A_105 = tpu.memref_squeeze %dma_start3A_104 : memref<1x80xi32, #tpu.memory_space<vmem>> -> memref<80xi32, #tpu.memory_space<vmem>>
      %dma_start3A_106 = arith.constant 0 : i32
      %dma_start3A_107 = tpu.memref_slice %arg6[%dma_start3A_106] : memref<10240xf32, #tpu.memory_space<vmem_shared>> -> memref<10240xf32, #tpu.memory_space<vmem_shared>>
      tpu.enqueue_indirect_dma source(%arg8 : memref<80xf32, #tpu.memory_space<vmem>>) target(%dma_start3A_107 : memref<10240xf32, #tpu.memory_space<vmem_shared>>) offsets(%dma_start3A_105 : memref<80xi32, #tpu.memory_space<vmem>>) semaphore(%arg9 : memref<!tpu.dma_semaphore, #tpu.memory_space<semaphore_mem>>) {add = true}
      %mul3A_108 = arith.constant 5 : i32
      %mul3A_109 = arith.muli %scan3A_71, %mul3A_108 : i32
      %add3A_110 = arith.constant 4 : i32
      %add3A_111 = arith.addi %mul3A_109, %add3A_110 : i32
      %dma_start3A_112 = arith.constant 0 : i32
      %dma_start3A_113 = tpu.memref_slice %arg7[%add3A_111, %dma_start3A_112] : memref<125x80xi32, #tpu.memory_space<vmem>> -> memref<1x80xi32, #tpu.memory_space<vmem>>
      %dma_start3A_114 = tpu.memref_squeeze %dma_start3A_113 : memref<1x80xi32, #tpu.memory_space<vmem>> -> memref<80xi32, #tpu.memory_space<vmem>>
      %dma_start3A_115 = arith.constant 0 : i32
      %dma_start3A_116 = tpu.memref_slice %arg6[%dma_start3A_115] : memref<10240xf32, #tpu.memory_space<vmem_shared>> -> memref<10240xf32, #tpu.memory_space<vmem_shared>>
      tpu.enqueue_indirect_dma source(%arg8 : memref<80xf32, #tpu.memory_space<vmem>>) target(%dma_start3A_116 : memref<10240xf32, #tpu.memory_space<vmem_shared>>) offsets(%dma_start3A_114 : memref<80xi32, #tpu.memory_space<vmem>>) semaphore(%arg9 : memref<!tpu.dma_semaphore, #tpu.memory_space<semaphore_mem>>) {add = true}
      %sub3A = arith.constant 1 : i32
      %sub3A_117 = arith.subi %scan3A_71, %sub3A : i32
      %mul3A_118 = arith.constant 5 : i32
      %mul3A_119 = arith.muli %sub3A_117, %mul3A_118 : i32
      %add3A_120 = arith.constant 0 : i32
      %add3A_121 = arith.addi %mul3A_119, %add3A_120 : i32
      %dma_wait3A_122 = arith.constant 0 : i32
      %dma_wait3A_123 = tpu.memref_slice %arg7[%add3A_121, %dma_wait3A_122] : memref<125x80xi32, #tpu.memory_space<vmem>> -> memref<1x80xi32, #tpu.memory_space<vmem>>
      %dma_wait3A_124 = tpu.memref_squeeze %dma_wait3A_123 : memref<1x80xi32, #tpu.memory_space<vmem>> -> memref<80xi32, #tpu.memory_space<vmem>>
      %dma_wait3A_125 = arith.constant 0 : i32
      %dma_wait3A_126 = tpu.memref_slice %arg6[%dma_wait3A_125] : memref<10240xf32, #tpu.memory_space<vmem_shared>> -> memref<10240xf32, #tpu.memory_space<vmem_shared>>
      tpu.wait_indirect_dma semaphore(%arg9 : memref<!tpu.dma_semaphore, #tpu.memory_space<semaphore_mem>>) src(%arg8 : memref<80xf32, #tpu.memory_space<vmem>>) dst(%dma_wait3A_126 : memref<10240xf32, #tpu.memory_space<vmem_shared>>)
      %sub3A_127 = arith.constant 1 : i32
      %sub3A_128 = arith.subi %scan3A_71, %sub3A_127 : i32
      %mul3A_129 = arith.constant 5 : i32
      %mul3A_130 = arith.muli %sub3A_128, %mul3A_129 : i32
      %add3A_131 = arith.constant 1 : i32
      %add3A_132 = arith.addi %mul3A_130, %add3A_131 : i32
      %dma_wait3A_133 = arith.constant 0 : i32
      %dma_wait3A_134 = tpu.memref_slice %arg7[%add3A_132, %dma_wait3A_133] : memref<125x80xi32, #tpu.memory_space<vmem>> -> memref<1x80xi32, #tpu.memory_space<vmem>>
      %dma_wait3A_135 = tpu.memref_squeeze %dma_wait3A_134 : memref<1x80xi32, #tpu.memory_space<vmem>> -> memref<80xi32, #tpu.memory_space<vmem>>
      %dma_wait3A_136 = arith.constant 0 : i32
      %dma_wait3A_137 = tpu.memref_slice %arg6[%dma_wait3A_136] : memref<10240xf32, #tpu.memory_space<vmem_shared>> -> memref<10240xf32, #tpu.memory_space<vmem_shared>>
      tpu.wait_indirect_dma semaphore(%arg9 : memref<!tpu.dma_semaphore, #tpu.memory_space<semaphore_mem>>) src(%arg8 : memref<80xf32, #tpu.memory_space<vmem>>) dst(%dma_wait3A_137 : memref<10240xf32, #tpu.memory_space<vmem_shared>>)
      %sub3A_138 = arith.constant 1 : i32
      %sub3A_139 = arith.subi %scan3A_71, %sub3A_138 : i32
      %mul3A_140 = arith.constant 5 : i32
      %mul3A_141 = arith.muli %sub3A_139, %mul3A_140 : i32
      %add3A_142 = arith.constant 2 : i32
      %add3A_143 = arith.addi %mul3A_141, %add3A_142 : i32
      %dma_wait3A_144 = arith.constant 0 : i32
      %dma_wait3A_145 = tpu.memref_slice %arg7[%add3A_143, %dma_wait3A_144] : memref<125x80xi32, #tpu.memory_space<vmem>> -> memref<1x80xi32, #tpu.memory_space<vmem>>
      %dma_wait3A_146 = tpu.memref_squeeze %dma_wait3A_145 : memref<1x80xi32, #tpu.memory_space<vmem>> -> memref<80xi32, #tpu.memory_space<vmem>>
      %dma_wait3A_147 = arith.constant 0 : i32
      %dma_wait3A_148 = tpu.memref_slice %arg6[%dma_wait3A_147] : memref<10240xf32, #tpu.memory_space<vmem_shared>> -> memref<10240xf32, #tpu.memory_space<vmem_shared>>
      tpu.wait_indirect_dma semaphore(%arg9 : memref<!tpu.dma_semaphore, #tpu.memory_space<semaphore_mem>>) src(%arg8 : memref<80xf32, #tpu.memory_space<vmem>>) dst(%dma_wait3A_148 : memref<10240xf32, #tpu.memory_space<vmem_shared>>)
      %sub3A_149 = arith.constant 1 : i32
      %sub3A_150 = arith.subi %scan3A_71, %sub3A_149 : i32
      %mul3A_151 = arith.constant 5 : i32
      %mul3A_152 = arith.muli %sub3A_150, %mul3A_151 : i32
      %add3A_153 = arith.constant 3 : i32
      %add3A_154 = arith.addi %mul3A_152, %add3A_153 : i32
      %dma_wait3A_155 = arith.constant 0 : i32
      %dma_wait3A_156 = tpu.memref_slice %arg7[%add3A_154, %dma_wait3A_155] : memref<125x80xi32, #tpu.memory_space<vmem>> -> memref<1x80xi32, #tpu.memory_space<vmem>>
      %dma_wait3A_157 = tpu.memref_squeeze %dma_wait3A_156 : memref<1x80xi32, #tpu.memory_space<vmem>> -> memref<80xi32, #tpu.memory_space<vmem>>
      %dma_wait3A_158 = arith.constant 0 : i32
      %dma_wait3A_159 = tpu.memref_slice %arg6[%dma_wait3A_158] : memref<10240xf32, #tpu.memory_space<vmem_shared>> -> memref<10240xf32, #tpu.memory_space<vmem_shared>>
      tpu.wait_indirect_dma semaphore(%arg9 : memref<!tpu.dma_semaphore, #tpu.memory_space<semaphore_mem>>) src(%arg8 : memref<80xf32, #tpu.memory_space<vmem>>) dst(%dma_wait3A_159 : memref<10240xf32, #tpu.memory_space<vmem_shared>>)
      %sub3A_160 = arith.constant 1 : i32
      %sub3A_161 = arith.subi %scan3A_71, %sub3A_160 : i32
      %mul3A_162 = arith.constant 5 : i32
      %mul3A_163 = arith.muli %sub3A_161, %mul3A_162 : i32
      %add3A_164 = arith.constant 4 : i32
      %add3A_165 = arith.addi %mul3A_163, %add3A_164 : i32
      %dma_wait3A_166 = arith.constant 0 : i32
      %dma_wait3A_167 = tpu.memref_slice %arg7[%add3A_165, %dma_wait3A_166] : memref<125x80xi32, #tpu.memory_space<vmem>> -> memref<1x80xi32, #tpu.memory_space<vmem>>
      %dma_wait3A_168 = tpu.memref_squeeze %dma_wait3A_167 : memref<1x80xi32, #tpu.memory_space<vmem>> -> memref<80xi32, #tpu.memory_space<vmem>>
      %dma_wait3A_169 = arith.constant 0 : i32
      %dma_wait3A_170 = tpu.memref_slice %arg6[%dma_wait3A_169] : memref<10240xf32, #tpu.memory_space<vmem_shared>> -> memref<10240xf32, #tpu.memory_space<vmem_shared>>
      tpu.wait_indirect_dma semaphore(%arg9 : memref<!tpu.dma_semaphore, #tpu.memory_space<semaphore_mem>>) src(%arg8 : memref<80xf32, #tpu.memory_space<vmem>>) dst(%dma_wait3A_170 : memref<10240xf32, #tpu.memory_space<vmem_shared>>)
    }
    %scan3A_36 = arith.constant 24 : i32
    %dma_wait3A = arith.constant 120 : i32
    %dma_wait3A_37 = arith.constant 0 : i32
    %dma_wait3A_38 = tpu.memref_slice %arg7[%dma_wait3A, %dma_wait3A_37] : memref<125x80xi32, #tpu.memory_space<vmem>> -> memref<1x80xi32, #tpu.memory_space<vmem>>
    %dma_wait3A_39 = tpu.memref_squeeze %dma_wait3A_38 : memref<1x80xi32, #tpu.memory_space<vmem>> -> memref<80xi32, #tpu.memory_space<vmem>>
    %dma_wait3A_40 = arith.constant 0 : i32
    %dma_wait3A_41 = tpu.memref_slice %arg6[%dma_wait3A_40] : memref<10240xf32, #tpu.memory_space<vmem_shared>> -> memref<10240xf32, #tpu.memory_space<vmem_shared>>
    tpu.wait_indirect_dma semaphore(%arg9 : memref<!tpu.dma_semaphore, #tpu.memory_space<semaphore_mem>>) src(%arg8 : memref<80xf32, #tpu.memory_space<vmem>>) dst(%dma_wait3A_41 : memref<10240xf32, #tpu.memory_space<vmem_shared>>)
    %dma_wait3A_42 = arith.constant 121 : i32
    %dma_wait3A_43 = arith.constant 0 : i32
    %dma_wait3A_44 = tpu.memref_slice %arg7[%dma_wait3A_42, %dma_wait3A_43] : memref<125x80xi32, #tpu.memory_space<vmem>> -> memref<1x80xi32, #tpu.memory_space<vmem>>
    %dma_wait3A_45 = tpu.memref_squeeze %dma_wait3A_44 : memref<1x80xi32, #tpu.memory_space<vmem>> -> memref<80xi32, #tpu.memory_space<vmem>>
    %dma_wait3A_46 = arith.constant 0 : i32
    %dma_wait3A_47 = tpu.memref_slice %arg6[%dma_wait3A_46] : memref<10240xf32, #tpu.memory_space<vmem_shared>> -> memref<10240xf32, #tpu.memory_space<vmem_shared>>
    tpu.wait_indirect_dma semaphore(%arg9 : memref<!tpu.dma_semaphore, #tpu.memory_space<semaphore_mem>>) src(%arg8 : memref<80xf32, #tpu.memory_space<vmem>>) dst(%dma_wait3A_47 : memref<10240xf32, #tpu.memory_space<vmem_shared>>)
    %dma_wait3A_48 = arith.constant 122 : i32
    %dma_wait3A_49 = arith.constant 0 : i32
    %dma_wait3A_50 = tpu.memref_slice %arg7[%dma_wait3A_48, %dma_wait3A_49] : memref<125x80xi32, #tpu.memory_space<vmem>> -> memref<1x80xi32, #tpu.memory_space<vmem>>
    %dma_wait3A_51 = tpu.memref_squeeze %dma_wait3A_50 : memref<1x80xi32, #tpu.memory_space<vmem>> -> memref<80xi32, #tpu.memory_space<vmem>>
    %dma_wait3A_52 = arith.constant 0 : i32
    %dma_wait3A_53 = tpu.memref_slice %arg6[%dma_wait3A_52] : memref<10240xf32, #tpu.memory_space<vmem_shared>> -> memref<10240xf32, #tpu.memory_space<vmem_shared>>
    tpu.wait_indirect_dma semaphore(%arg9 : memref<!tpu.dma_semaphore, #tpu.memory_space<semaphore_mem>>) src(%arg8 : memref<80xf32, #tpu.memory_space<vmem>>) dst(%dma_wait3A_53 : memref<10240xf32, #tpu.memory_space<vmem_shared>>)
    %dma_wait3A_54 = arith.constant 123 : i32
    %dma_wait3A_55 = arith.constant 0 : i32
    %dma_wait3A_56 = tpu.memref_slice %arg7[%dma_wait3A_54, %dma_wait3A_55] : memref<125x80xi32, #tpu.memory_space<vmem>> -> memref<1x80xi32, #tpu.memory_space<vmem>>
    %dma_wait3A_57 = tpu.memref_squeeze %dma_wait3A_56 : memref<1x80xi32, #tpu.memory_space<vmem>> -> memref<80xi32, #tpu.memory_space<vmem>>
    %dma_wait3A_58 = arith.constant 0 : i32
    %dma_wait3A_59 = tpu.memref_slice %arg6[%dma_wait3A_58] : memref<10240xf32, #tpu.memory_space<vmem_shared>> -> memref<10240xf32, #tpu.memory_space<vmem_shared>>
    tpu.wait_indirect_dma semaphore(%arg9 : memref<!tpu.dma_semaphore, #tpu.memory_space<semaphore_mem>>) src(%arg8 : memref<80xf32, #tpu.memory_space<vmem>>) dst(%dma_wait3A_59 : memref<10240xf32, #tpu.memory_space<vmem_shared>>)
    %dma_wait3A_60 = arith.constant 124 : i32
    %dma_wait3A_61 = arith.constant 0 : i32
    %dma_wait3A_62 = tpu.memref_slice %arg7[%dma_wait3A_60, %dma_wait3A_61] : memref<125x80xi32, #tpu.memory_space<vmem>> -> memref<1x80xi32, #tpu.memory_space<vmem>>
    %dma_wait3A_63 = tpu.memref_squeeze %dma_wait3A_62 : memref<1x80xi32, #tpu.memory_space<vmem>> -> memref<80xi32, #tpu.memory_space<vmem>>
    %dma_wait3A_64 = arith.constant 0 : i32
    %dma_wait3A_65 = tpu.memref_slice %arg6[%dma_wait3A_64] : memref<10240xf32, #tpu.memory_space<vmem_shared>> -> memref<10240xf32, #tpu.memory_space<vmem_shared>>
    tpu.wait_indirect_dma semaphore(%arg9 : memref<!tpu.dma_semaphore, #tpu.memory_space<semaphore_mem>>) src(%arg8 : memref<80xf32, #tpu.memory_space<vmem>>) dst(%dma_wait3A_65 : memref<10240xf32, #tpu.memory_space<vmem_shared>>)
    %barrier3A_66 = arith.constant 0 : index
    tpu.barrier barrier_id(%barrier3A_66)
    %mul3A_67 = arith.constant 640 : i32
    %mul3A_68 = arith.muli %arg1, %mul3A_67 : i32
    %mul3A_69 = arith.constant 640 : i32
    %mul3A_70 = arith.muli %arg1, %mul3A_69 : i32
    "tpu.region"() ({
      %run_scoped3A = tpu.sem_alloc : memref<!tpu.dma_semaphore, #tpu.memory_space<semaphore_mem>>
      %dma_start3A_71 = tpu.memref_slice %arg5[%arg0, %mul3A_70] : memref<2x10240xf32, #tpu.memory_space<hbm>> -> memref<1x640xf32, #tpu.memory_space<hbm>>
      %dma_start3A_72 = tpu.memref_squeeze %dma_start3A_71 : memref<1x640xf32, #tpu.memory_space<hbm>> -> memref<640xf32, #tpu.memory_space<hbm>>
      %dma_start3A_73 = tpu.memref_slice %arg6[%mul3A_68] : memref<10240xf32, #tpu.memory_space<vmem_shared>> -> memref<640xf32, #tpu.memory_space<vmem_shared>>
      tpu.enqueue_dma source(%dma_start3A_73 : memref<640xf32, #tpu.memory_space<vmem_shared>>) target(%dma_start3A_72 : memref<640xf32, #tpu.memory_space<hbm>>) target_semaphore(%run_scoped3A : memref<!tpu.dma_semaphore, #tpu.memory_space<semaphore_mem>>)
      %dma_wait3A_74 = tpu.memref_slice %arg5[%arg0, %mul3A_70] : memref<2x10240xf32, #tpu.memory_space<hbm>> -> memref<1x640xf32, #tpu.memory_space<hbm>>
      %dma_wait3A_75 = tpu.memref_squeeze %dma_wait3A_74 : memref<1x640xf32, #tpu.memory_space<hbm>> -> memref<640xf32, #tpu.memory_space<hbm>>
      %dma_wait3A_76 = tpu.memref_slice %arg6[%mul3A_68] : memref<10240xf32, #tpu.memory_space<vmem_shared>> -> memref<640xf32, #tpu.memory_space<vmem_shared>>
      tpu.wait_dma2 semaphore(%run_scoped3A : memref<!tpu.dma_semaphore, #tpu.memory_space<semaphore_mem>>) src(%dma_wait3A_76 : memref<640xf32, #tpu.memory_space<vmem_shared>>) dst(%dma_wait3A_75 : memref<640xf32, #tpu.memory_space<hbm>>)
      tpu.yield
    }) : () -> ()
    return
  }
}

#map = affine_map<(d0, d1) -> (0, 0)>
#map1 = affine_map<(d0, d1) -> (0)>
#map2 = affine_map<(d0, d1) -> (0, 0, 0)>
module attributes {stable_mosaic.version = 14 : i64} {
  func.func @_seg_body(%arg0: i32, %arg1: i32, %arg2: memref<10000x128xf32, #tpu.memory_space<hbm>>, %arg3: memref<32x10000xi32, #tpu.memory_space<hbm>>, %arg4: memref<320000xi32, #tpu.memory_space<hbm>>, %arg5: memref<640x128xf32, #tpu.memory_space<hbm>>, %arg6: memref<2x10240x128xf32, #tpu.memory_space<hbm>>, %arg7: memref<10240x128xf32, #tpu.memory_space<vmem_shared>>, %arg8: memref<10000xi32, #tpu.memory_space<vmem>>, %arg9: memref<80xi32, #tpu.memory_space<vmem>>, %arg10: memref<80xi32, #tpu.memory_space<vmem>>, %arg11: memref<80xi32, #tpu.memory_space<vmem>>, %arg12: memref<3x80x128xf32, #tpu.memory_space<vmem>>, %arg13: memref<!tpu.dma_semaphore, #tpu.memory_space<semaphore_mem>>, %arg14: memref<!tpu.dma_semaphore, #tpu.memory_space<semaphore_mem>>, %arg15: memref<!tpu.dma_semaphore, #tpu.memory_space<semaphore_mem>>, %arg16: memref<!tpu.dma_semaphore, #tpu.memory_space<semaphore_mem>>, %arg17: memref<!tpu.dma_semaphore, #tpu.memory_space<semaphore_mem>>, %arg18: memref<!tpu.dma_semaphore, #tpu.memory_space<semaphore_mem>>, %arg19: memref<!tpu.dma_semaphore, #tpu.memory_space<semaphore_mem>>, %arg20: memref<!tpu.dma_semaphore, #tpu.memory_space<semaphore_mem>>, %arg21: memref<!tpu.dma_semaphore, #tpu.memory_space<semaphore_mem>>) attributes {dimension_semantics = [#tpu.dimension_semantics<core_parallel>, #tpu.dimension_semantics<subcore_parallel>], iteration_bounds = array<i64: 2, 16>, scalar_prefetch = 0 : i64, scratch_operands = 15 : i64, tpu.core_type = #tpu.core_type<sc_vector_subcore>, window_params = [{transform_indices = #map}, {transform_indices = #map}, {transform_indices = #map1}, {transform_indices = #map}, {transform_indices = #map2}]} {
    %mul3A = arith.constant 2 : i32
    %mul3A_0 = arith.muli %arg1, %mul3A : i32
    %add3A = arith.addi %mul3A_0, %arg0 : i32
    %eq3A = arith.constant 0 : i32
    %eq3A_1 = arith.cmpi eq, %arg0, %eq3A : i32
    %lt3A = arith.constant 15 : i32
    %lt3A_2 = arith.cmpi slt, %arg1, %lt3A : i32
    %and3A = arith.andi %eq3A_1, %lt3A_2 : i1
    %convert_element_type3A = arith.extui %and3A : i1 to i32
    %cond3A = arith.constant 0 : i32
    %cond3A_3 = arith.cmpi ne, %convert_element_type3A, %cond3A : i32
    scf.if %cond3A_3 {
      %mul3A_247 = arith.constant 640 : i32
      %mul3A_248 = arith.muli %arg1, %mul3A_247 : i32
      %mul3A_249 = arith.constant 640 : i32
      %mul3A_250 = arith.muli %arg1, %mul3A_249 : i32
      "tpu.region"() ({
        %run_scoped3A = tpu.sem_alloc : memref<!tpu.dma_semaphore, #tpu.memory_space<semaphore_mem>>
        %dma_start3A_251 = arith.constant 0 : i32
        %dma_start3A_252 = tpu.memref_slice %arg7[%mul3A_250, %dma_start3A_251] : memref<10240x128xf32, #tpu.memory_space<vmem_shared>> -> memref<640x128xf32, #tpu.memory_space<vmem_shared>>
        %dma_start3A_253 = arith.constant 0 : i32
        %dma_start3A_254 = tpu.memref_slice %arg2[%mul3A_248, %dma_start3A_253] : memref<10000x128xf32, #tpu.memory_space<hbm>> -> memref<640x128xf32, #tpu.memory_space<hbm>>
        tpu.enqueue_dma source(%dma_start3A_254 : memref<640x128xf32, #tpu.memory_space<hbm>>) target(%dma_start3A_252 : memref<640x128xf32, #tpu.memory_space<vmem_shared>>) target_semaphore(%run_scoped3A : memref<!tpu.dma_semaphore, #tpu.memory_space<semaphore_mem>>)
        %dma_wait3A_255 = arith.constant 0 : i32
        %dma_wait3A_256 = tpu.memref_slice %arg7[%mul3A_250, %dma_wait3A_255] : memref<10240x128xf32, #tpu.memory_space<vmem_shared>> -> memref<640x128xf32, #tpu.memory_space<vmem_shared>>
        %dma_wait3A_257 = arith.constant 0 : i32
        %dma_wait3A_258 = tpu.memref_slice %arg2[%mul3A_248, %dma_wait3A_257] : memref<10000x128xf32, #tpu.memory_space<hbm>> -> memref<640x128xf32, #tpu.memory_space<hbm>>
        tpu.wait_dma2 semaphore(%run_scoped3A : memref<!tpu.dma_semaphore, #tpu.memory_space<semaphore_mem>>) src(%dma_wait3A_258 : memref<640x128xf32, #tpu.memory_space<hbm>>) dst(%dma_wait3A_256 : memref<640x128xf32, #tpu.memory_space<vmem_shared>>)
        tpu.yield
      }) : () -> ()
    } else {
    }
    %eq3A_4 = arith.constant 0 : i32
    %eq3A_5 = arith.cmpi eq, %arg0, %eq3A_4 : i32
    %eq3A_6 = arith.constant 15 : i32
    %eq3A_7 = arith.cmpi eq, %arg1, %eq3A_6 : i32
    %and3A_8 = arith.andi %eq3A_5, %eq3A_7 : i1
    %convert_element_type3A_9 = arith.extui %and3A_8 : i1 to i32
    %cond3A_10 = arith.constant 0 : i32
    %cond3A_11 = arith.cmpi ne, %convert_element_type3A_9, %cond3A_10 : i32
    scf.if %cond3A_11 {
      "tpu.region"() ({
        %run_scoped3A = tpu.sem_alloc : memref<!tpu.dma_semaphore, #tpu.memory_space<semaphore_mem>>
        %dma_start3A_247 = arith.constant 9600 : i32
        %dma_start3A_248 = arith.constant 0 : i32
        %dma_start3A_249 = tpu.memref_slice %arg7[%dma_start3A_247, %dma_start3A_248] : memref<10240x128xf32, #tpu.memory_space<vmem_shared>> -> memref<400x128xf32, #tpu.memory_space<vmem_shared>>
        %dma_start3A_250 = arith.constant 9600 : i32
        %dma_start3A_251 = arith.constant 0 : i32
        %dma_start3A_252 = tpu.memref_slice %arg2[%dma_start3A_250, %dma_start3A_251] : memref<10000x128xf32, #tpu.memory_space<hbm>> -> memref<400x128xf32, #tpu.memory_space<hbm>>
        tpu.enqueue_dma source(%dma_start3A_252 : memref<400x128xf32, #tpu.memory_space<hbm>>) target(%dma_start3A_249 : memref<400x128xf32, #tpu.memory_space<vmem_shared>>) target_semaphore(%run_scoped3A : memref<!tpu.dma_semaphore, #tpu.memory_space<semaphore_mem>>)
        %dma_wait3A_253 = arith.constant 9600 : i32
        %dma_wait3A_254 = arith.constant 0 : i32
        %dma_wait3A_255 = tpu.memref_slice %arg7[%dma_wait3A_253, %dma_wait3A_254] : memref<10240x128xf32, #tpu.memory_space<vmem_shared>> -> memref<400x128xf32, #tpu.memory_space<vmem_shared>>
        %dma_wait3A_256 = arith.constant 9600 : i32
        %dma_wait3A_257 = arith.constant 0 : i32
        %dma_wait3A_258 = tpu.memref_slice %arg2[%dma_wait3A_256, %dma_wait3A_257] : memref<10000x128xf32, #tpu.memory_space<hbm>> -> memref<400x128xf32, #tpu.memory_space<hbm>>
        tpu.wait_dma2 semaphore(%run_scoped3A : memref<!tpu.dma_semaphore, #tpu.memory_space<semaphore_mem>>) src(%dma_wait3A_258 : memref<400x128xf32, #tpu.memory_space<hbm>>) dst(%dma_wait3A_255 : memref<400x128xf32, #tpu.memory_space<vmem_shared>>)
        tpu.yield
      }) : () -> ()
      "tpu.region"() ({
        %run_scoped3A = tpu.sem_alloc : memref<!tpu.dma_semaphore, #tpu.memory_space<semaphore_mem>>
        %dma_start3A_247 = arith.constant 10000 : i32
        %dma_start3A_248 = arith.constant 0 : i32
        %dma_start3A_249 = tpu.memref_slice %arg7[%dma_start3A_247, %dma_start3A_248] : memref<10240x128xf32, #tpu.memory_space<vmem_shared>> -> memref<240x128xf32, #tpu.memory_space<vmem_shared>>
        %dma_start3A_250 = arith.constant 0 : i32
        %dma_start3A_251 = arith.constant 0 : i32
        %dma_start3A_252 = tpu.memref_slice %arg5[%dma_start3A_250, %dma_start3A_251] : memref<640x128xf32, #tpu.memory_space<hbm>> -> memref<240x128xf32, #tpu.memory_space<hbm>>
        tpu.enqueue_dma source(%dma_start3A_252 : memref<240x128xf32, #tpu.memory_space<hbm>>) target(%dma_start3A_249 : memref<240x128xf32, #tpu.memory_space<vmem_shared>>) target_semaphore(%run_scoped3A : memref<!tpu.dma_semaphore, #tpu.memory_space<semaphore_mem>>)
        %dma_wait3A_253 = arith.constant 10000 : i32
        %dma_wait3A_254 = arith.constant 0 : i32
        %dma_wait3A_255 = tpu.memref_slice %arg7[%dma_wait3A_253, %dma_wait3A_254] : memref<10240x128xf32, #tpu.memory_space<vmem_shared>> -> memref<240x128xf32, #tpu.memory_space<vmem_shared>>
        %dma_wait3A_256 = arith.constant 0 : i32
        %dma_wait3A_257 = arith.constant 0 : i32
        %dma_wait3A_258 = tpu.memref_slice %arg5[%dma_wait3A_256, %dma_wait3A_257] : memref<640x128xf32, #tpu.memory_space<hbm>> -> memref<240x128xf32, #tpu.memory_space<hbm>>
        tpu.wait_dma2 semaphore(%run_scoped3A : memref<!tpu.dma_semaphore, #tpu.memory_space<semaphore_mem>>) src(%dma_wait3A_258 : memref<240x128xf32, #tpu.memory_space<hbm>>) dst(%dma_wait3A_255 : memref<240x128xf32, #tpu.memory_space<vmem_shared>>)
        tpu.yield
      }) : () -> ()
    } else {
    }
    %eq3A_12 = arith.constant 1 : i32
    %eq3A_13 = arith.cmpi eq, %arg0, %eq3A_12 : i32
    %convert_element_type3A_14 = arith.extui %eq3A_13 : i1 to i32
    %cond3A_15 = arith.constant 0 : i32
    %cond3A_16 = arith.cmpi ne, %convert_element_type3A_14, %cond3A_15 : i32
    scf.if %cond3A_16 {
      %mul3A_247 = arith.constant 640 : i32
      %mul3A_248 = arith.muli %arg1, %mul3A_247 : i32
      "tpu.region"() ({
        %run_scoped3A = tpu.sem_alloc : memref<!tpu.dma_semaphore, #tpu.memory_space<semaphore_mem>>
        %dma_start3A_249 = arith.constant 0 : i32
        %dma_start3A_250 = tpu.memref_slice %arg7[%mul3A_248, %dma_start3A_249] : memref<10240x128xf32, #tpu.memory_space<vmem_shared>> -> memref<640x128xf32, #tpu.memory_space<vmem_shared>>
        tpu.enqueue_dma source(%arg5 : memref<640x128xf32, #tpu.memory_space<hbm>>) target(%dma_start3A_250 : memref<640x128xf32, #tpu.memory_space<vmem_shared>>) target_semaphore(%run_scoped3A : memref<!tpu.dma_semaphore, #tpu.memory_space<semaphore_mem>>)
        %dma_wait3A_251 = arith.constant 0 : i32
        %dma_wait3A_252 = tpu.memref_slice %arg7[%mul3A_248, %dma_wait3A_251] : memref<10240x128xf32, #tpu.memory_space<vmem_shared>> -> memref<640x128xf32, #tpu.memory_space<vmem_shared>>
        tpu.wait_dma2 semaphore(%run_scoped3A : memref<!tpu.dma_semaphore, #tpu.memory_space<semaphore_mem>>) src(%arg5 : memref<640x128xf32, #tpu.memory_space<hbm>>) dst(%dma_wait3A_252 : memref<640x128xf32, #tpu.memory_space<vmem_shared>>)
        tpu.yield
      }) : () -> ()
    } else {
    }
    "tpu.region"() ({
      %run_scoped3A = tpu.sem_alloc : memref<!tpu.dma_semaphore, #tpu.memory_space<semaphore_mem>>
      %dma_start3A_247 = arith.constant 0 : i32
      %dma_start3A_248 = tpu.memref_slice %arg3[%add3A, %dma_start3A_247] : memref<32x10000xi32, #tpu.memory_space<hbm>> -> memref<1x10000xi32, #tpu.memory_space<hbm>>
      %dma_start3A_249 = tpu.memref_squeeze %dma_start3A_248 : memref<1x10000xi32, #tpu.memory_space<hbm>> -> memref<10000xi32, #tpu.memory_space<hbm>>
      %dma_start3A_250 = arith.constant 0 : i32
      %dma_start3A_251 = tpu.memref_slice %arg3[%add3A, %dma_start3A_250] : memref<32x10000xi32, #tpu.memory_space<hbm>> -> memref<1x10000xi32, #tpu.memory_space<hbm>>
      %dma_start3A_252 = tpu.memref_squeeze %dma_start3A_251 : memref<1x10000xi32, #tpu.memory_space<hbm>> -> memref<10000xi32, #tpu.memory_space<hbm>>
      tpu.enqueue_dma source(%dma_start3A_252 : memref<10000xi32, #tpu.memory_space<hbm>>) target(%arg8 : memref<10000xi32, #tpu.memory_space<vmem>>) target_semaphore(%run_scoped3A : memref<!tpu.dma_semaphore, #tpu.memory_space<semaphore_mem>>)
      %dma_wait3A_253 = arith.constant 0 : i32
      %dma_wait3A_254 = tpu.memref_slice %arg3[%add3A, %dma_wait3A_253] : memref<32x10000xi32, #tpu.memory_space<hbm>> -> memref<1x10000xi32, #tpu.memory_space<hbm>>
      %dma_wait3A_255 = tpu.memref_squeeze %dma_wait3A_254 : memref<1x10000xi32, #tpu.memory_space<hbm>> -> memref<10000xi32, #tpu.memory_space<hbm>>
      %dma_wait3A_256 = arith.constant 0 : i32
      %dma_wait3A_257 = tpu.memref_slice %arg3[%add3A, %dma_wait3A_256] : memref<32x10000xi32, #tpu.memory_space<hbm>> -> memref<1x10000xi32, #tpu.memory_space<hbm>>
      %dma_wait3A_258 = tpu.memref_squeeze %dma_wait3A_257 : memref<1x10000xi32, #tpu.memory_space<hbm>> -> memref<10000xi32, #tpu.memory_space<hbm>>
      tpu.wait_dma2 semaphore(%run_scoped3A : memref<!tpu.dma_semaphore, #tpu.memory_space<semaphore_mem>>) src(%dma_wait3A_258 : memref<10000xi32, #tpu.memory_space<hbm>>) dst(%arg8 : memref<10000xi32, #tpu.memory_space<vmem>>)
      tpu.yield
    }) : () -> ()
    %barrier3A = arith.constant 0 : index
    tpu.barrier barrier_id(%barrier3A)
    %mul3A_17 = arith.constant 10000 : i32
    %mul3A_18 = arith.muli %add3A, %mul3A_17 : i32
    %add3A_19 = arith.constant 0 : i32
    %add3A_20 = arith.addi %mul3A_18, %add3A_19 : i32
    %dma_start3A = tpu.memref_slice %arg4[%add3A_20] : memref<320000xi32, #tpu.memory_space<hbm>> -> memref<80xi32, #tpu.memory_space<hbm>>
    %dma_start3A_21 = tpu.memref_slice %arg4[%add3A_20] : memref<320000xi32, #tpu.memory_space<hbm>> -> memref<80xi32, #tpu.memory_space<hbm>>
    tpu.enqueue_dma source(%dma_start3A_21 : memref<80xi32, #tpu.memory_space<hbm>>) target(%arg9 : memref<80xi32, #tpu.memory_space<vmem>>) target_semaphore(%arg13 : memref<!tpu.dma_semaphore, #tpu.memory_space<semaphore_mem>>)
    %dma_start3A_22 = arith.constant 0 : i32
    %dma_start3A_23 = arith.constant 0 : i32
    %dma_start3A_24 = arith.constant 0 : i32
    %dma_start3A_25 = tpu.memref_slice %arg12[%dma_start3A_22, %dma_start3A_23, %dma_start3A_24] : memref<3x80x128xf32, #tpu.memory_space<vmem>> -> memref<1x80x128xf32, #tpu.memory_space<vmem>>
    %dma_start3A_26 = tpu.memref_squeeze %dma_start3A_25 : memref<1x80x128xf32, #tpu.memory_space<vmem>> -> memref<80x128xf32, #tpu.memory_space<vmem>>
    %dma_start3A_27 = arith.constant 0 : i32
    %dma_start3A_28 = tpu.memref_slice %arg8[%dma_start3A_27] : memref<10000xi32, #tpu.memory_space<vmem>> -> memref<80xi32, #tpu.memory_space<vmem>>
    %dma_start3A_29 = arith.constant 0 : i32
    %dma_start3A_30 = arith.constant 0 : i32
    %dma_start3A_31 = tpu.memref_slice %arg2[%dma_start3A_29, %dma_start3A_30] : memref<10000x128xf32, #tpu.memory_space<hbm>> -> memref<10000x128xf32, #tpu.memory_space<hbm>>
    tpu.enqueue_indirect_dma source(%dma_start3A_31 : memref<10000x128xf32, #tpu.memory_space<hbm>>) target(%dma_start3A_26 : memref<80x128xf32, #tpu.memory_space<vmem>>) offsets(%dma_start3A_28 : memref<80xi32, #tpu.memory_space<vmem>>) semaphore(%arg16 : memref<!tpu.dma_semaphore, #tpu.memory_space<semaphore_mem>>)
    %add3A_32 = arith.constant 80 : i32
    %add3A_33 = arith.addi %mul3A_18, %add3A_32 : i32
    %dma_start3A_34 = tpu.memref_slice %arg4[%add3A_33] : memref<320000xi32, #tpu.memory_space<hbm>> -> memref<80xi32, #tpu.memory_space<hbm>>
    %dma_start3A_35 = tpu.memref_slice %arg4[%add3A_33] : memref<320000xi32, #tpu.memory_space<hbm>> -> memref<80xi32, #tpu.memory_space<hbm>>
    tpu.enqueue_dma source(%dma_start3A_35 : memref<80xi32, #tpu.memory_space<hbm>>) target(%arg10 : memref<80xi32, #tpu.memory_space<vmem>>) target_semaphore(%arg14 : memref<!tpu.dma_semaphore, #tpu.memory_space<semaphore_mem>>)
    %dma_start3A_36 = arith.constant 1 : i32
    %dma_start3A_37 = arith.constant 0 : i32
    %dma_start3A_38 = arith.constant 0 : i32
    %dma_start3A_39 = tpu.memref_slice %arg12[%dma_start3A_36, %dma_start3A_37, %dma_start3A_38] : memref<3x80x128xf32, #tpu.memory_space<vmem>> -> memref<1x80x128xf32, #tpu.memory_space<vmem>>
    %dma_start3A_40 = tpu.memref_squeeze %dma_start3A_39 : memref<1x80x128xf32, #tpu.memory_space<vmem>> -> memref<80x128xf32, #tpu.memory_space<vmem>>
    %dma_start3A_41 = arith.constant 80 : i32
    %dma_start3A_42 = tpu.memref_slice %arg8[%dma_start3A_41] : memref<10000xi32, #tpu.memory_space<vmem>> -> memref<80xi32, #tpu.memory_space<vmem>>
    %dma_start3A_43 = arith.constant 0 : i32
    %dma_start3A_44 = arith.constant 0 : i32
    %dma_start3A_45 = tpu.memref_slice %arg2[%dma_start3A_43, %dma_start3A_44] : memref<10000x128xf32, #tpu.memory_space<hbm>> -> memref<10000x128xf32, #tpu.memory_space<hbm>>
    tpu.enqueue_indirect_dma source(%dma_start3A_45 : memref<10000x128xf32, #tpu.memory_space<hbm>>) target(%dma_start3A_40 : memref<80x128xf32, #tpu.memory_space<vmem>>) offsets(%dma_start3A_42 : memref<80xi32, #tpu.memory_space<vmem>>) semaphore(%arg17 : memref<!tpu.dma_semaphore, #tpu.memory_space<semaphore_mem>>)
    %add3A_46 = arith.constant 160 : i32
    %add3A_47 = arith.addi %mul3A_18, %add3A_46 : i32
    %dma_start3A_48 = tpu.memref_slice %arg4[%add3A_47] : memref<320000xi32, #tpu.memory_space<hbm>> -> memref<80xi32, #tpu.memory_space<hbm>>
    %dma_start3A_49 = tpu.memref_slice %arg4[%add3A_47] : memref<320000xi32, #tpu.memory_space<hbm>> -> memref<80xi32, #tpu.memory_space<hbm>>
    tpu.enqueue_dma source(%dma_start3A_49 : memref<80xi32, #tpu.memory_space<hbm>>) target(%arg11 : memref<80xi32, #tpu.memory_space<vmem>>) target_semaphore(%arg15 : memref<!tpu.dma_semaphore, #tpu.memory_space<semaphore_mem>>)
    %dma_start3A_50 = arith.constant 2 : i32
    %dma_start3A_51 = arith.constant 0 : i32
    %dma_start3A_52 = arith.constant 0 : i32
    %dma_start3A_53 = tpu.memref_slice %arg12[%dma_start3A_50, %dma_start3A_51, %dma_start3A_52] : memref<3x80x128xf32, #tpu.memory_space<vmem>> -> memref<1x80x128xf32, #tpu.memory_space<vmem>>
    %dma_start3A_54 = tpu.memref_squeeze %dma_start3A_53 : memref<1x80x128xf32, #tpu.memory_space<vmem>> -> memref<80x128xf32, #tpu.memory_space<vmem>>
    %dma_start3A_55 = arith.constant 160 : i32
    %dma_start3A_56 = tpu.memref_slice %arg8[%dma_start3A_55] : memref<10000xi32, #tpu.memory_space<vmem>> -> memref<80xi32, #tpu.memory_space<vmem>>
    %dma_start3A_57 = arith.constant 0 : i32
    %dma_start3A_58 = arith.constant 0 : i32
    %dma_start3A_59 = tpu.memref_slice %arg2[%dma_start3A_57, %dma_start3A_58] : memref<10000x128xf32, #tpu.memory_space<hbm>> -> memref<10000x128xf32, #tpu.memory_space<hbm>>
    tpu.enqueue_indirect_dma source(%dma_start3A_59 : memref<10000x128xf32, #tpu.memory_space<hbm>>) target(%dma_start3A_54 : memref<80x128xf32, #tpu.memory_space<vmem>>) offsets(%dma_start3A_56 : memref<80xi32, #tpu.memory_space<vmem>>) semaphore(%arg18 : memref<!tpu.dma_semaphore, #tpu.memory_space<semaphore_mem>>)
    %dma_wait3A = arith.constant 0 : i32
    %dma_wait3A_60 = arith.constant 0 : i32
    %dma_wait3A_61 = arith.constant 0 : i32
    %dma_wait3A_62 = tpu.memref_slice %arg12[%dma_wait3A, %dma_wait3A_60, %dma_wait3A_61] : memref<3x80x128xf32, #tpu.memory_space<vmem>> -> memref<1x80x128xf32, #tpu.memory_space<vmem>>
    %dma_wait3A_63 = tpu.memref_squeeze %dma_wait3A_62 : memref<1x80x128xf32, #tpu.memory_space<vmem>> -> memref<80x128xf32, #tpu.memory_space<vmem>>
    %dma_wait3A_64 = arith.constant 0 : i32
    %dma_wait3A_65 = tpu.memref_slice %arg8[%dma_wait3A_64] : memref<10000xi32, #tpu.memory_space<vmem>> -> memref<80xi32, #tpu.memory_space<vmem>>
    %dma_wait3A_66 = arith.constant 0 : i32
    %dma_wait3A_67 = arith.constant 0 : i32
    %dma_wait3A_68 = tpu.memref_slice %arg2[%dma_wait3A_66, %dma_wait3A_67] : memref<10000x128xf32, #tpu.memory_space<hbm>> -> memref<10000x128xf32, #tpu.memory_space<hbm>>
    tpu.wait_indirect_dma semaphore(%arg16 : memref<!tpu.dma_semaphore, #tpu.memory_space<semaphore_mem>>) src(%dma_wait3A_68 : memref<10000x128xf32, #tpu.memory_space<hbm>>) dst(%dma_wait3A_63 : memref<80x128xf32, #tpu.memory_space<vmem>>)
    %add3A_69 = arith.constant 0 : i32
    %add3A_70 = arith.addi %mul3A_18, %add3A_69 : i32
    %dma_wait3A_71 = tpu.memref_slice %arg4[%add3A_70] : memref<320000xi32, #tpu.memory_space<hbm>> -> memref<80xi32, #tpu.memory_space<hbm>>
    %dma_wait3A_72 = tpu.memref_slice %arg4[%add3A_70] : memref<320000xi32, #tpu.memory_space<hbm>> -> memref<80xi32, #tpu.memory_space<hbm>>
    tpu.wait_dma2 semaphore(%arg13 : memref<!tpu.dma_semaphore, #tpu.memory_space<semaphore_mem>>) src(%dma_wait3A_72 : memref<80xi32, #tpu.memory_space<hbm>>) dst(%arg9 : memref<80xi32, #tpu.memory_space<vmem>>)
    %dma_start3A_73 = arith.constant 0 : i32
    %dma_start3A_74 = arith.constant 0 : i32
    %dma_start3A_75 = arith.constant 0 : i32
    %dma_start3A_76 = tpu.memref_slice %arg12[%dma_start3A_73, %dma_start3A_74, %dma_start3A_75] : memref<3x80x128xf32, #tpu.memory_space<vmem>> -> memref<1x80x128xf32, #tpu.memory_space<vmem>>
    %dma_start3A_77 = tpu.memref_squeeze %dma_start3A_76 : memref<1x80x128xf32, #tpu.memory_space<vmem>> -> memref<80x128xf32, #tpu.memory_space<vmem>>
    %dma_start3A_78 = arith.constant 0 : i32
    %dma_start3A_79 = arith.constant 0 : i32
    %dma_start3A_80 = tpu.memref_slice %arg7[%dma_start3A_78, %dma_start3A_79] : memref<10240x128xf32, #tpu.memory_space<vmem_shared>> -> memref<10240x128xf32, #tpu.memory_space<vmem_shared>>
    tpu.enqueue_indirect_dma source(%dma_start3A_77 : memref<80x128xf32, #tpu.memory_space<vmem>>) target(%dma_start3A_80 : memref<10240x128xf32, #tpu.memory_space<vmem_shared>>) offsets(%arg9 : memref<80xi32, #tpu.memory_space<vmem>>) semaphore(%arg19 : memref<!tpu.dma_semaphore, #tpu.memory_space<semaphore_mem>>) {add = true}
    %scan3A = arith.constant 0 : i32
    %scan3A_81 = arith.constant 1 : i32
    %scan3A_82 = arith.constant 40 : i32
    %scan3A_83 = arith.addi %scan3A_81, %scan3A_82 : i32
    %scan3A_84 = arith.constant 1 : i32
    scf.for %scan3A_247 = %scan3A_81 to %scan3A_83 step %scan3A_84  : i32 {
      %mul3A_248 = arith.constant 3 : i32
      %mul3A_249 = arith.muli %mul3A_248, %scan3A_247 : i32
      %dma_wait3A_250 = arith.constant 0 : i32
      %dma_wait3A_251 = arith.constant 0 : i32
      %dma_wait3A_252 = arith.constant 0 : i32
      %dma_wait3A_253 = tpu.memref_slice %arg12[%dma_wait3A_250, %dma_wait3A_251, %dma_wait3A_252] : memref<3x80x128xf32, #tpu.memory_space<vmem>> -> memref<1x80x128xf32, #tpu.memory_space<vmem>>
      %dma_wait3A_254 = tpu.memref_squeeze %dma_wait3A_253 : memref<1x80x128xf32, #tpu.memory_space<vmem>> -> memref<80x128xf32, #tpu.memory_space<vmem>>
      %dma_wait3A_255 = arith.constant 0 : i32
      %dma_wait3A_256 = arith.constant 0 : i32
      %dma_wait3A_257 = tpu.memref_slice %arg7[%dma_wait3A_255, %dma_wait3A_256] : memref<10240x128xf32, #tpu.memory_space<vmem_shared>> -> memref<10240x128xf32, #tpu.memory_space<vmem_shared>>
      tpu.wait_indirect_dma semaphore(%arg19 : memref<!tpu.dma_semaphore, #tpu.memory_space<semaphore_mem>>) src(%dma_wait3A_254 : memref<80x128xf32, #tpu.memory_space<vmem>>) dst(%dma_wait3A_257 : memref<10240x128xf32, #tpu.memory_space<vmem_shared>>)
      %mul3A_258 = arith.constant 80 : i32
      %mul3A_259 = arith.muli %mul3A_249, %mul3A_258 : i32
      %add3A_260 = arith.addi %mul3A_18, %mul3A_259 : i32
      %dma_start3A_261 = tpu.memref_slice %arg4[%add3A_260] : memref<320000xi32, #tpu.memory_space<hbm>> -> memref<80xi32, #tpu.memory_space<hbm>>
      %dma_start3A_262 = tpu.memref_slice %arg4[%add3A_260] : memref<320000xi32, #tpu.memory_space<hbm>> -> memref<80xi32, #tpu.memory_space<hbm>>
      tpu.enqueue_dma source(%dma_start3A_262 : memref<80xi32, #tpu.memory_space<hbm>>) target(%arg9 : memref<80xi32, #tpu.memory_space<vmem>>) target_semaphore(%arg13 : memref<!tpu.dma_semaphore, #tpu.memory_space<semaphore_mem>>)
      %mul3A_263 = arith.constant 80 : i32
      %mul3A_264 = arith.muli %mul3A_249, %mul3A_263 : i32
      %dma_start3A_265 = arith.constant 0 : i32
      %dma_start3A_266 = arith.constant 0 : i32
      %dma_start3A_267 = arith.constant 0 : i32
      %dma_start3A_268 = tpu.memref_slice %arg12[%dma_start3A_265, %dma_start3A_266, %dma_start3A_267] : memref<3x80x128xf32, #tpu.memory_space<vmem>> -> memref<1x80x128xf32, #tpu.memory_space<vmem>>
      %dma_start3A_269 = tpu.memref_squeeze %dma_start3A_268 : memref<1x80x128xf32, #tpu.memory_space<vmem>> -> memref<80x128xf32, #tpu.memory_space<vmem>>
      %dma_start3A_270 = tpu.memref_slice %arg8[%mul3A_264] : memref<10000xi32, #tpu.memory_space<vmem>> -> memref<80xi32, #tpu.memory_space<vmem>>
      %dma_start3A_271 = arith.constant 0 : i32
      %dma_start3A_272 = arith.constant 0 : i32
      %dma_start3A_273 = tpu.memref_slice %arg2[%dma_start3A_271, %dma_start3A_272] : memref<10000x128xf32, #tpu.memory_space<hbm>> -> memref<10000x128xf32, #tpu.memory_space<hbm>>
      tpu.enqueue_indirect_dma source(%dma_start3A_273 : memref<10000x128xf32, #tpu.memory_space<hbm>>) target(%dma_start3A_269 : memref<80x128xf32, #tpu.memory_space<vmem>>) offsets(%dma_start3A_270 : memref<80xi32, #tpu.memory_space<vmem>>) semaphore(%arg16 : memref<!tpu.dma_semaphore, #tpu.memory_space<semaphore_mem>>)
      %sub3A = arith.constant 2 : i32
      %sub3A_274 = arith.subi %mul3A_249, %sub3A : i32
      %mul3A_275 = arith.constant 80 : i32
      %mul3A_276 = arith.muli %sub3A_274, %mul3A_275 : i32
      %dma_wait3A_277 = arith.constant 1 : i32
      %dma_wait3A_278 = arith.constant 0 : i32
      %dma_wait3A_279 = arith.constant 0 : i32
      %dma_wait3A_280 = tpu.memref_slice %arg12[%dma_wait3A_277, %dma_wait3A_278, %dma_wait3A_279] : memref<3x80x128xf32, #tpu.memory_space<vmem>> -> memref<1x80x128xf32, #tpu.memory_space<vmem>>
      %dma_wait3A_281 = tpu.memref_squeeze %dma_wait3A_280 : memref<1x80x128xf32, #tpu.memory_space<vmem>> -> memref<80x128xf32, #tpu.memory_space<vmem>>
      %dma_wait3A_282 = tpu.memref_slice %arg8[%mul3A_276] : memref<10000xi32, #tpu.memory_space<vmem>> -> memref<80xi32, #tpu.memory_space<vmem>>
      %dma_wait3A_283 = arith.constant 0 : i32
      %dma_wait3A_284 = arith.constant 0 : i32
      %dma_wait3A_285 = tpu.memref_slice %arg2[%dma_wait3A_283, %dma_wait3A_284] : memref<10000x128xf32, #tpu.memory_space<hbm>> -> memref<10000x128xf32, #tpu.memory_space<hbm>>
      tpu.wait_indirect_dma semaphore(%arg17 : memref<!tpu.dma_semaphore, #tpu.memory_space<semaphore_mem>>) src(%dma_wait3A_285 : memref<10000x128xf32, #tpu.memory_space<hbm>>) dst(%dma_wait3A_281 : memref<80x128xf32, #tpu.memory_space<vmem>>)
      %sub3A_286 = arith.constant 2 : i32
      %sub3A_287 = arith.subi %mul3A_249, %sub3A_286 : i32
      %mul3A_288 = arith.constant 80 : i32
      %mul3A_289 = arith.muli %sub3A_287, %mul3A_288 : i32
      %add3A_290 = arith.addi %mul3A_18, %mul3A_289 : i32
      %dma_wait3A_291 = tpu.memref_slice %arg4[%add3A_290] : memref<320000xi32, #tpu.memory_space<hbm>> -> memref<80xi32, #tpu.memory_space<hbm>>
      %dma_wait3A_292 = tpu.memref_slice %arg4[%add3A_290] : memref<320000xi32, #tpu.memory_space<hbm>> -> memref<80xi32, #tpu.memory_space<hbm>>
      tpu.wait_dma2 semaphore(%arg14 : memref<!tpu.dma_semaphore, #tpu.memory_space<semaphore_mem>>) src(%dma_wait3A_292 : memref<80xi32, #tpu.memory_space<hbm>>) dst(%arg10 : memref<80xi32, #tpu.memory_space<vmem>>)
      %dma_start3A_293 = arith.constant 1 : i32
      %dma_start3A_294 = arith.constant 0 : i32
      %dma_start3A_295 = arith.constant 0 : i32
      %dma_start3A_296 = tpu.memref_slice %arg12[%dma_start3A_293, %dma_start3A_294, %dma_start3A_295] : memref<3x80x128xf32, #tpu.memory_space<vmem>> -> memref<1x80x128xf32, #tpu.memory_space<vmem>>
      %dma_start3A_297 = tpu.memref_squeeze %dma_start3A_296 : memref<1x80x128xf32, #tpu.memory_space<vmem>> -> memref<80x128xf32, #tpu.memory_space<vmem>>
      %dma_start3A_298 = arith.constant 0 : i32
      %dma_start3A_299 = arith.constant 0 : i32
      %dma_start3A_300 = tpu.memref_slice %arg7[%dma_start3A_298, %dma_start3A_299] : memref<10240x128xf32, #tpu.memory_space<vmem_shared>> -> memref<10240x128xf32, #tpu.memory_space<vmem_shared>>
      tpu.enqueue_indirect_dma source(%dma_start3A_297 : memref<80x128xf32, #tpu.memory_space<vmem>>) target(%dma_start3A_300 : memref<10240x128xf32, #tpu.memory_space<vmem_shared>>) offsets(%arg10 : memref<80xi32, #tpu.memory_space<vmem>>) semaphore(%arg20 : memref<!tpu.dma_semaphore, #tpu.memory_space<semaphore_mem>>) {add = true}
      %mul3A_301 = arith.constant 3 : i32
      %mul3A_302 = arith.muli %mul3A_301, %scan3A_247 : i32
      %add3A_303 = arith.constant 1 : i32
      %add3A_304 = arith.addi %mul3A_302, %add3A_303 : i32
      %dma_wait3A_305 = arith.constant 1 : i32
      %dma_wait3A_306 = arith.constant 0 : i32
      %dma_wait3A_307 = arith.constant 0 : i32
      %dma_wait3A_308 = tpu.memref_slice %arg12[%dma_wait3A_305, %dma_wait3A_306, %dma_wait3A_307] : memref<3x80x128xf32, #tpu.memory_space<vmem>> -> memref<1x80x128xf32, #tpu.memory_space<vmem>>
      %dma_wait3A_309 = tpu.memref_squeeze %dma_wait3A_308 : memref<1x80x128xf32, #tpu.memory_space<vmem>> -> memref<80x128xf32, #tpu.memory_space<vmem>>
      %dma_wait3A_310 = arith.constant 0 : i32
      %dma_wait3A_311 = arith.constant 0 : i32
      %dma_wait3A_312 = tpu.memref_slice %arg7[%dma_wait3A_310, %dma_wait3A_311] : memref<10240x128xf32, #tpu.memory_space<vmem_shared>> -> memref<10240x128xf32, #tpu.memory_space<vmem_shared>>
      tpu.wait_indirect_dma semaphore(%arg20 : memref<!tpu.dma_semaphore, #tpu.memory_space<semaphore_mem>>) src(%dma_wait3A_309 : memref<80x128xf32, #tpu.memory_space<vmem>>) dst(%dma_wait3A_312 : memref<10240x128xf32, #tpu.memory_space<vmem_shared>>)
      %mul3A_313 = arith.constant 80 : i32
      %mul3A_314 = arith.muli %add3A_304, %mul3A_313 : i32
      %add3A_315 = arith.addi %mul3A_18, %mul3A_314 : i32
      %dma_start3A_316 = tpu.memref_slice %arg4[%add3A_315] : memref<320000xi32, #tpu.memory_space<hbm>> -> memref<80xi32, #tpu.memory_space<hbm>>
      %dma_start3A_317 = tpu.memref_slice %arg4[%add3A_315] : memref<320000xi32, #tpu.memory_space<hbm>> -> memref<80xi32, #tpu.memory_space<hbm>>
      tpu.enqueue_dma source(%dma_start3A_317 : memref<80xi32, #tpu.memory_space<hbm>>) target(%arg10 : memref<80xi32, #tpu.memory_space<vmem>>) target_semaphore(%arg14 : memref<!tpu.dma_semaphore, #tpu.memory_space<semaphore_mem>>)
      %mul3A_318 = arith.constant 80 : i32
      %mul3A_319 = arith.muli %add3A_304, %mul3A_318 : i32
      %dma_start3A_320 = arith.constant 1 : i32
      %dma_start3A_321 = arith.constant 0 : i32
      %dma_start3A_322 = arith.constant 0 : i32
      %dma_start3A_323 = tpu.memref_slice %arg12[%dma_start3A_320, %dma_start3A_321, %dma_start3A_322] : memref<3x80x128xf32, #tpu.memory_space<vmem>> -> memref<1x80x128xf32, #tpu.memory_space<vmem>>
      %dma_start3A_324 = tpu.memref_squeeze %dma_start3A_323 : memref<1x80x128xf32, #tpu.memory_space<vmem>> -> memref<80x128xf32, #tpu.memory_space<vmem>>
      %dma_start3A_325 = tpu.memref_slice %arg8[%mul3A_319] : memref<10000xi32, #tpu.memory_space<vmem>> -> memref<80xi32, #tpu.memory_space<vmem>>
      %dma_start3A_326 = arith.constant 0 : i32
      %dma_start3A_327 = arith.constant 0 : i32
      %dma_start3A_328 = tpu.memref_slice %arg2[%dma_start3A_326, %dma_start3A_327] : memref<10000x128xf32, #tpu.memory_space<hbm>> -> memref<10000x128xf32, #tpu.memory_space<hbm>>
      tpu.enqueue_indirect_dma source(%dma_start3A_328 : memref<10000x128xf32, #tpu.memory_space<hbm>>) target(%dma_start3A_324 : memref<80x128xf32, #tpu.memory_space<vmem>>) offsets(%dma_start3A_325 : memref<80xi32, #tpu.memory_space<vmem>>) semaphore(%arg17 : memref<!tpu.dma_semaphore, #tpu.memory_space<semaphore_mem>>)
      %sub3A_329 = arith.constant 2 : i32
      %sub3A_330 = arith.subi %add3A_304, %sub3A_329 : i32
      %mul3A_331 = arith.constant 80 : i32
      %mul3A_332 = arith.muli %sub3A_330, %mul3A_331 : i32
      %dma_wait3A_333 = arith.constant 2 : i32
      %dma_wait3A_334 = arith.constant 0 : i32
      %dma_wait3A_335 = arith.constant 0 : i32
      %dma_wait3A_336 = tpu.memref_slice %arg12[%dma_wait3A_333, %dma_wait3A_334, %dma_wait3A_335] : memref<3x80x128xf32, #tpu.memory_space<vmem>> -> memref<1x80x128xf32, #tpu.memory_space<vmem>>
      %dma_wait3A_337 = tpu.memref_squeeze %dma_wait3A_336 : memref<1x80x128xf32, #tpu.memory_space<vmem>> -> memref<80x128xf32, #tpu.memory_space<vmem>>
      %dma_wait3A_338 = tpu.memref_slice %arg8[%mul3A_332] : memref<10000xi32, #tpu.memory_space<vmem>> -> memref<80xi32, #tpu.memory_space<vmem>>
      %dma_wait3A_339 = arith.constant 0 : i32
      %dma_wait3A_340 = arith.constant 0 : i32
      %dma_wait3A_341 = tpu.memref_slice %arg2[%dma_wait3A_339, %dma_wait3A_340] : memref<10000x128xf32, #tpu.memory_space<hbm>> -> memref<10000x128xf32, #tpu.memory_space<hbm>>
      tpu.wait_indirect_dma semaphore(%arg18 : memref<!tpu.dma_semaphore, #tpu.memory_space<semaphore_mem>>) src(%dma_wait3A_341 : memref<10000x128xf32, #tpu.memory_space<hbm>>) dst(%dma_wait3A_337 : memref<80x128xf32, #tpu.memory_space<vmem>>)
      %sub3A_342 = arith.constant 2 : i32
      %sub3A_343 = arith.subi %add3A_304, %sub3A_342 : i32
      %mul3A_344 = arith.constant 80 : i32
      %mul3A_345 = arith.muli %sub3A_343, %mul3A_344 : i32
      %add3A_346 = arith.addi %mul3A_18, %mul3A_345 : i32
      %dma_wait3A_347 = tpu.memref_slice %arg4[%add3A_346] : memref<320000xi32, #tpu.memory_space<hbm>> -> memref<80xi32, #tpu.memory_space<hbm>>
      %dma_wait3A_348 = tpu.memref_slice %arg4[%add3A_346] : memref<320000xi32, #tpu.memory_space<hbm>> -> memref<80xi32, #tpu.memory_space<hbm>>
      tpu.wait_dma2 semaphore(%arg15 : memref<!tpu.dma_semaphore, #tpu.memory_space<semaphore_mem>>) src(%dma_wait3A_348 : memref<80xi32, #tpu.memory_space<hbm>>) dst(%arg11 : memref<80xi32, #tpu.memory_space<vmem>>)
      %dma_start3A_349 = arith.constant 2 : i32
      %dma_start3A_350 = arith.constant 0 : i32
      %dma_start3A_351 = arith.constant 0 : i32
      %dma_start3A_352 = tpu.memref_slice %arg12[%dma_start3A_349, %dma_start3A_350, %dma_start3A_351] : memref<3x80x128xf32, #tpu.memory_space<vmem>> -> memref<1x80x128xf32, #tpu.memory_space<vmem>>
      %dma_start3A_353 = tpu.memref_squeeze %dma_start3A_352 : memref<1x80x128xf32, #tpu.memory_space<vmem>> -> memref<80x128xf32, #tpu.memory_space<vmem>>
      %dma_start3A_354 = arith.constant 0 : i32
      %dma_start3A_355 = arith.constant 0 : i32
      %dma_start3A_356 = tpu.memref_slice %arg7[%dma_start3A_354, %dma_start3A_355] : memref<10240x128xf32, #tpu.memory_space<vmem_shared>> -> memref<10240x128xf32, #tpu.memory_space<vmem_shared>>
      tpu.enqueue_indirect_dma source(%dma_start3A_353 : memref<80x128xf32, #tpu.memory_space<vmem>>) target(%dma_start3A_356 : memref<10240x128xf32, #tpu.memory_space<vmem_shared>>) offsets(%arg11 : memref<80xi32, #tpu.memory_space<vmem>>) semaphore(%arg21 : memref<!tpu.dma_semaphore, #tpu.memory_space<semaphore_mem>>) {add = true}
      %mul3A_357 = arith.constant 3 : i32
      %mul3A_358 = arith.muli %mul3A_357, %scan3A_247 : i32
      %add3A_359 = arith.constant 2 : i32
      %add3A_360 = arith.addi %mul3A_358, %add3A_359 : i32
      %dma_wait3A_361 = arith.constant 2 : i32
      %dma_wait3A_362 = arith.constant 0 : i32
      %dma_wait3A_363 = arith.constant 0 : i32
      %dma_wait3A_364 = tpu.memref_slice %arg12[%dma_wait3A_361, %dma_wait3A_362, %dma_wait3A_363] : memref<3x80x128xf32, #tpu.memory_space<vmem>> -> memref<1x80x128xf32, #tpu.memory_space<vmem>>
      %dma_wait3A_365 = tpu.memref_squeeze %dma_wait3A_364 : memref<1x80x128xf32, #tpu.memory_space<vmem>> -> memref<80x128xf32, #tpu.memory_space<vmem>>
      %dma_wait3A_366 = arith.constant 0 : i32
      %dma_wait3A_367 = arith.constant 0 : i32
      %dma_wait3A_368 = tpu.memref_slice %arg7[%dma_wait3A_366, %dma_wait3A_367] : memref<10240x128xf32, #tpu.memory_space<vmem_shared>> -> memref<10240x128xf32, #tpu.memory_space<vmem_shared>>
      tpu.wait_indirect_dma semaphore(%arg21 : memref<!tpu.dma_semaphore, #tpu.memory_space<semaphore_mem>>) src(%dma_wait3A_365 : memref<80x128xf32, #tpu.memory_space<vmem>>) dst(%dma_wait3A_368 : memref<10240x128xf32, #tpu.memory_space<vmem_shared>>)
      %mul3A_369 = arith.constant 80 : i32
      %mul3A_370 = arith.muli %add3A_360, %mul3A_369 : i32
      %add3A_371 = arith.addi %mul3A_18, %mul3A_370 : i32
      %dma_start3A_372 = tpu.memref_slice %arg4[%add3A_371] : memref<320000xi32, #tpu.memory_space<hbm>> -> memref<80xi32, #tpu.memory_space<hbm>>
      %dma_start3A_373 = tpu.memref_slice %arg4[%add3A_371] : memref<320000xi32, #tpu.memory_space<hbm>> -> memref<80xi32, #tpu.memory_space<hbm>>
      tpu.enqueue_dma source(%dma_start3A_373 : memref<80xi32, #tpu.memory_space<hbm>>) target(%arg11 : memref<80xi32, #tpu.memory_space<vmem>>) target_semaphore(%arg15 : memref<!tpu.dma_semaphore, #tpu.memory_space<semaphore_mem>>)
      %mul3A_374 = arith.constant 80 : i32
      %mul3A_375 = arith.muli %add3A_360, %mul3A_374 : i32
      %dma_start3A_376 = arith.constant 2 : i32
      %dma_start3A_377 = arith.constant 0 : i32
      %dma_start3A_378 = arith.constant 0 : i32
      %dma_start3A_379 = tpu.memref_slice %arg12[%dma_start3A_376, %dma_start3A_377, %dma_start3A_378] : memref<3x80x128xf32, #tpu.memory_space<vmem>> -> memref<1x80x128xf32, #tpu.memory_space<vmem>>
      %dma_start3A_380 = tpu.memref_squeeze %dma_start3A_379 : memref<1x80x128xf32, #tpu.memory_space<vmem>> -> memref<80x128xf32, #tpu.memory_space<vmem>>
      %dma_start3A_381 = tpu.memref_slice %arg8[%mul3A_375] : memref<10000xi32, #tpu.memory_space<vmem>> -> memref<80xi32, #tpu.memory_space<vmem>>
      %dma_start3A_382 = arith.constant 0 : i32
      %dma_start3A_383 = arith.constant 0 : i32
      %dma_start3A_384 = tpu.memref_slice %arg2[%dma_start3A_382, %dma_start3A_383] : memref<10000x128xf32, #tpu.memory_space<hbm>> -> memref<10000x128xf32, #tpu.memory_space<hbm>>
      tpu.enqueue_indirect_dma source(%dma_start3A_384 : memref<10000x128xf32, #tpu.memory_space<hbm>>) target(%dma_start3A_380 : memref<80x128xf32, #tpu.memory_space<vmem>>) offsets(%dma_start3A_381 : memref<80xi32, #tpu.memory_space<vmem>>) semaphore(%arg18 : memref<!tpu.dma_semaphore, #tpu.memory_space<semaphore_mem>>)
      %sub3A_385 = arith.constant 2 : i32
      %sub3A_386 = arith.subi %add3A_360, %sub3A_385 : i32
      %mul3A_387 = arith.constant 80 : i32
      %mul3A_388 = arith.muli %sub3A_386, %mul3A_387 : i32
      %dma_wait3A_389 = arith.constant 0 : i32
      %dma_wait3A_390 = arith.constant 0 : i32
      %dma_wait3A_391 = arith.constant 0 : i32
      %dma_wait3A_392 = tpu.memref_slice %arg12[%dma_wait3A_389, %dma_wait3A_390, %dma_wait3A_391] : memref<3x80x128xf32, #tpu.memory_space<vmem>> -> memref<1x80x128xf32, #tpu.memory_space<vmem>>
      %dma_wait3A_393 = tpu.memref_squeeze %dma_wait3A_392 : memref<1x80x128xf32, #tpu.memory_space<vmem>> -> memref<80x128xf32, #tpu.memory_space<vmem>>
      %dma_wait3A_394 = tpu.memref_slice %arg8[%mul3A_388] : memref<10000xi32, #tpu.memory_space<vmem>> -> memref<80xi32, #tpu.memory_space<vmem>>
      %dma_wait3A_395 = arith.constant 0 : i32
      %dma_wait3A_396 = arith.constant 0 : i32
      %dma_wait3A_397 = tpu.memref_slice %arg2[%dma_wait3A_395, %dma_wait3A_396] : memref<10000x128xf32, #tpu.memory_space<hbm>> -> memref<10000x128xf32, #tpu.memory_space<hbm>>
      tpu.wait_indirect_dma semaphore(%arg16 : memref<!tpu.dma_semaphore, #tpu.memory_space<semaphore_mem>>) src(%dma_wait3A_397 : memref<10000x128xf32, #tpu.memory_space<hbm>>) dst(%dma_wait3A_393 : memref<80x128xf32, #tpu.memory_space<vmem>>)
      %sub3A_398 = arith.constant 2 : i32
      %sub3A_399 = arith.subi %add3A_360, %sub3A_398 : i32
      %mul3A_400 = arith.constant 80 : i32
      %mul3A_401 = arith.muli %sub3A_399, %mul3A_400 : i32
      %add3A_402 = arith.addi %mul3A_18, %mul3A_401 : i32
      %dma_wait3A_403 = tpu.memref_slice %arg4[%add3A_402] : memref<320000xi32, #tpu.memory_space<hbm>> -> memref<80xi32, #tpu.memory_space<hbm>>
      %dma_wait3A_404 = tpu.memref_slice %arg4[%add3A_402] : memref<320000xi32, #tpu.memory_space<hbm>> -> memref<80xi32, #tpu.memory_space<hbm>>
      tpu.wait_dma2 semaphore(%arg13 : memref<!tpu.dma_semaphore, #tpu.memory_space<semaphore_mem>>) src(%dma_wait3A_404 : memref<80xi32, #tpu.memory_space<hbm>>) dst(%arg9 : memref<80xi32, #tpu.memory_space<vmem>>)
      %dma_start3A_405 = arith.constant 0 : i32
      %dma_start3A_406 = arith.constant 0 : i32
      %dma_start3A_407 = arith.constant 0 : i32
      %dma_start3A_408 = tpu.memref_slice %arg12[%dma_start3A_405, %dma_start3A_406, %dma_start3A_407] : memref<3x80x128xf32, #tpu.memory_space<vmem>> -> memref<1x80x128xf32, #tpu.memory_space<vmem>>
      %dma_start3A_409 = tpu.memref_squeeze %dma_start3A_408 : memref<1x80x128xf32, #tpu.memory_space<vmem>> -> memref<80x128xf32, #tpu.memory_space<vmem>>
      %dma_start3A_410 = arith.constant 0 : i32
      %dma_start3A_411 = arith.constant 0 : i32
      %dma_start3A_412 = tpu.memref_slice %arg7[%dma_start3A_410, %dma_start3A_411] : memref<10240x128xf32, #tpu.memory_space<vmem_shared>> -> memref<10240x128xf32, #tpu.memory_space<vmem_shared>>
      tpu.enqueue_indirect_dma source(%dma_start3A_409 : memref<80x128xf32, #tpu.memory_space<vmem>>) target(%dma_start3A_412 : memref<10240x128xf32, #tpu.memory_space<vmem_shared>>) offsets(%arg9 : memref<80xi32, #tpu.memory_space<vmem>>) semaphore(%arg19 : memref<!tpu.dma_semaphore, #tpu.memory_space<semaphore_mem>>) {add = true}
    }
    %scan3A_85 = arith.constant 40 : i32
    %dma_wait3A_86 = arith.constant 0 : i32
    %dma_wait3A_87 = arith.constant 0 : i32
    %dma_wait3A_88 = arith.constant 0 : i32
    %dma_wait3A_89 = tpu.memref_slice %arg12[%dma_wait3A_86, %dma_wait3A_87, %dma_wait3A_88] : memref<3x80x128xf32, #tpu.memory_space<vmem>> -> memref<1x80x128xf32, #tpu.memory_space<vmem>>
    %dma_wait3A_90 = tpu.memref_squeeze %dma_wait3A_89 : memref<1x80x128xf32, #tpu.memory_space<vmem>> -> memref<80x128xf32, #tpu.memory_space<vmem>>
    %dma_wait3A_91 = arith.constant 0 : i32
    %dma_wait3A_92 = arith.constant 0 : i32
    %dma_wait3A_93 = tpu.memref_slice %arg7[%dma_wait3A_91, %dma_wait3A_92] : memref<10240x128xf32, #tpu.memory_space<vmem_shared>> -> memref<10240x128xf32, #tpu.memory_space<vmem_shared>>
    tpu.wait_indirect_dma semaphore(%arg19 : memref<!tpu.dma_semaphore, #tpu.memory_space<semaphore_mem>>) src(%dma_wait3A_90 : memref<80x128xf32, #tpu.memory_space<vmem>>) dst(%dma_wait3A_93 : memref<10240x128xf32, #tpu.memory_space<vmem_shared>>)
    %add3A_94 = arith.constant 9840 : i32
    %add3A_95 = arith.addi %mul3A_18, %add3A_94 : i32
    %dma_start3A_96 = tpu.memref_slice %arg4[%add3A_95] : memref<320000xi32, #tpu.memory_space<hbm>> -> memref<80xi32, #tpu.memory_space<hbm>>
    %dma_start3A_97 = tpu.memref_slice %arg4[%add3A_95] : memref<320000xi32, #tpu.memory_space<hbm>> -> memref<80xi32, #tpu.memory_space<hbm>>
    tpu.enqueue_dma source(%dma_start3A_97 : memref<80xi32, #tpu.memory_space<hbm>>) target(%arg9 : memref<80xi32, #tpu.memory_space<vmem>>) target_semaphore(%arg13 : memref<!tpu.dma_semaphore, #tpu.memory_space<semaphore_mem>>)
    %dma_start3A_98 = arith.constant 0 : i32
    %dma_start3A_99 = arith.constant 0 : i32
    %dma_start3A_100 = arith.constant 0 : i32
    %dma_start3A_101 = tpu.memref_slice %arg12[%dma_start3A_98, %dma_start3A_99, %dma_start3A_100] : memref<3x80x128xf32, #tpu.memory_space<vmem>> -> memref<1x80x128xf32, #tpu.memory_space<vmem>>
    %dma_start3A_102 = tpu.memref_squeeze %dma_start3A_101 : memref<1x80x128xf32, #tpu.memory_space<vmem>> -> memref<80x128xf32, #tpu.memory_space<vmem>>
    %dma_start3A_103 = arith.constant 9840 : i32
    %dma_start3A_104 = tpu.memref_slice %arg8[%dma_start3A_103] : memref<10000xi32, #tpu.memory_space<vmem>> -> memref<80xi32, #tpu.memory_space<vmem>>
    %dma_start3A_105 = arith.constant 0 : i32
    %dma_start3A_106 = arith.constant 0 : i32
    %dma_start3A_107 = tpu.memref_slice %arg2[%dma_start3A_105, %dma_start3A_106] : memref<10000x128xf32, #tpu.memory_space<hbm>> -> memref<10000x128xf32, #tpu.memory_space<hbm>>
    tpu.enqueue_indirect_dma source(%dma_start3A_107 : memref<10000x128xf32, #tpu.memory_space<hbm>>) target(%dma_start3A_102 : memref<80x128xf32, #tpu.memory_space<vmem>>) offsets(%dma_start3A_104 : memref<80xi32, #tpu.memory_space<vmem>>) semaphore(%arg16 : memref<!tpu.dma_semaphore, #tpu.memory_space<semaphore_mem>>)
    %dma_wait3A_108 = arith.constant 1 : i32
    %dma_wait3A_109 = arith.constant 0 : i32
    %dma_wait3A_110 = arith.constant 0 : i32
    %dma_wait3A_111 = tpu.memref_slice %arg12[%dma_wait3A_108, %dma_wait3A_109, %dma_wait3A_110] : memref<3x80x128xf32, #tpu.memory_space<vmem>> -> memref<1x80x128xf32, #tpu.memory_space<vmem>>
    %dma_wait3A_112 = tpu.memref_squeeze %dma_wait3A_111 : memref<1x80x128xf32, #tpu.memory_space<vmem>> -> memref<80x128xf32, #tpu.memory_space<vmem>>
    %dma_wait3A_113 = arith.constant 9680 : i32
    %dma_wait3A_114 = tpu.memref_slice %arg8[%dma_wait3A_113] : memref<10000xi32, #tpu.memory_space<vmem>> -> memref<80xi32, #tpu.memory_space<vmem>>
    %dma_wait3A_115 = arith.constant 0 : i32
    %dma_wait3A_116 = arith.constant 0 : i32
    %dma_wait3A_117 = tpu.memref_slice %arg2[%dma_wait3A_115, %dma_wait3A_116] : memref<10000x128xf32, #tpu.memory_space<hbm>> -> memref<10000x128xf32, #tpu.memory_space<hbm>>
    tpu.wait_indirect_dma semaphore(%arg17 : memref<!tpu.dma_semaphore, #tpu.memory_space<semaphore_mem>>) src(%dma_wait3A_117 : memref<10000x128xf32, #tpu.memory_space<hbm>>) dst(%dma_wait3A_112 : memref<80x128xf32, #tpu.memory_space<vmem>>)
    %add3A_118 = arith.constant 9680 : i32
    %add3A_119 = arith.addi %mul3A_18, %add3A_118 : i32
    %dma_wait3A_120 = tpu.memref_slice %arg4[%add3A_119] : memref<320000xi32, #tpu.memory_space<hbm>> -> memref<80xi32, #tpu.memory_space<hbm>>
    %dma_wait3A_121 = tpu.memref_slice %arg4[%add3A_119] : memref<320000xi32, #tpu.memory_space<hbm>> -> memref<80xi32, #tpu.memory_space<hbm>>
    tpu.wait_dma2 semaphore(%arg14 : memref<!tpu.dma_semaphore, #tpu.memory_space<semaphore_mem>>) src(%dma_wait3A_121 : memref<80xi32, #tpu.memory_space<hbm>>) dst(%arg10 : memref<80xi32, #tpu.memory_space<vmem>>)
    %dma_start3A_122 = arith.constant 1 : i32
    %dma_start3A_123 = arith.constant 0 : i32
    %dma_start3A_124 = arith.constant 0 : i32
    %dma_start3A_125 = tpu.memref_slice %arg12[%dma_start3A_122, %dma_start3A_123, %dma_start3A_124] : memref<3x80x128xf32, #tpu.memory_space<vmem>> -> memref<1x80x128xf32, #tpu.memory_space<vmem>>
    %dma_start3A_126 = tpu.memref_squeeze %dma_start3A_125 : memref<1x80x128xf32, #tpu.memory_space<vmem>> -> memref<80x128xf32, #tpu.memory_space<vmem>>
    %dma_start3A_127 = arith.constant 0 : i32
    %dma_start3A_128 = arith.constant 0 : i32
    %dma_start3A_129 = tpu.memref_slice %arg7[%dma_start3A_127, %dma_start3A_128] : memref<10240x128xf32, #tpu.memory_space<vmem_shared>> -> memref<10240x128xf32, #tpu.memory_space<vmem_shared>>
    tpu.enqueue_indirect_dma source(%dma_start3A_126 : memref<80x128xf32, #tpu.memory_space<vmem>>) target(%dma_start3A_129 : memref<10240x128xf32, #tpu.memory_space<vmem_shared>>) offsets(%arg10 : memref<80xi32, #tpu.memory_space<vmem>>) semaphore(%arg20 : memref<!tpu.dma_semaphore, #tpu.memory_space<semaphore_mem>>) {add = true}
    %dma_wait3A_130 = arith.constant 1 : i32
    %dma_wait3A_131 = arith.constant 0 : i32
    %dma_wait3A_132 = arith.constant 0 : i32
    %dma_wait3A_133 = tpu.memref_slice %arg12[%dma_wait3A_130, %dma_wait3A_131, %dma_wait3A_132] : memref<3x80x128xf32, #tpu.memory_space<vmem>> -> memref<1x80x128xf32, #tpu.memory_space<vmem>>
    %dma_wait3A_134 = tpu.memref_squeeze %dma_wait3A_133 : memref<1x80x128xf32, #tpu.memory_space<vmem>> -> memref<80x128xf32, #tpu.memory_space<vmem>>
    %dma_wait3A_135 = arith.constant 0 : i32
    %dma_wait3A_136 = arith.constant 0 : i32
    %dma_wait3A_137 = tpu.memref_slice %arg7[%dma_wait3A_135, %dma_wait3A_136] : memref<10240x128xf32, #tpu.memory_space<vmem_shared>> -> memref<10240x128xf32, #tpu.memory_space<vmem_shared>>
    tpu.wait_indirect_dma semaphore(%arg20 : memref<!tpu.dma_semaphore, #tpu.memory_space<semaphore_mem>>) src(%dma_wait3A_134 : memref<80x128xf32, #tpu.memory_space<vmem>>) dst(%dma_wait3A_137 : memref<10240x128xf32, #tpu.memory_space<vmem_shared>>)
    %add3A_138 = arith.constant 9920 : i32
    %add3A_139 = arith.addi %mul3A_18, %add3A_138 : i32
    %dma_start3A_140 = tpu.memref_slice %arg4[%add3A_139] : memref<320000xi32, #tpu.memory_space<hbm>> -> memref<80xi32, #tpu.memory_space<hbm>>
    %dma_start3A_141 = tpu.memref_slice %arg4[%add3A_139] : memref<320000xi32, #tpu.memory_space<hbm>> -> memref<80xi32, #tpu.memory_space<hbm>>
    tpu.enqueue_dma source(%dma_start3A_141 : memref<80xi32, #tpu.memory_space<hbm>>) target(%arg10 : memref<80xi32, #tpu.memory_space<vmem>>) target_semaphore(%arg14 : memref<!tpu.dma_semaphore, #tpu.memory_space<semaphore_mem>>)
    %dma_start3A_142 = arith.constant 1 : i32
    %dma_start3A_143 = arith.constant 0 : i32
    %dma_start3A_144 = arith.constant 0 : i32
    %dma_start3A_145 = tpu.memref_slice %arg12[%dma_start3A_142, %dma_start3A_143, %dma_start3A_144] : memref<3x80x128xf32, #tpu.memory_space<vmem>> -> memref<1x80x128xf32, #tpu.memory_space<vmem>>
    %dma_start3A_146 = tpu.memref_squeeze %dma_start3A_145 : memref<1x80x128xf32, #tpu.memory_space<vmem>> -> memref<80x128xf32, #tpu.memory_space<vmem>>
    %dma_start3A_147 = arith.constant 9920 : i32
    %dma_start3A_148 = tpu.memref_slice %arg8[%dma_start3A_147] : memref<10000xi32, #tpu.memory_space<vmem>> -> memref<80xi32, #tpu.memory_space<vmem>>
    %dma_start3A_149 = arith.constant 0 : i32
    %dma_start3A_150 = arith.constant 0 : i32
    %dma_start3A_151 = tpu.memref_slice %arg2[%dma_start3A_149, %dma_start3A_150] : memref<10000x128xf32, #tpu.memory_space<hbm>> -> memref<10000x128xf32, #tpu.memory_space<hbm>>
    tpu.enqueue_indirect_dma source(%dma_start3A_151 : memref<10000x128xf32, #tpu.memory_space<hbm>>) target(%dma_start3A_146 : memref<80x128xf32, #tpu.memory_space<vmem>>) offsets(%dma_start3A_148 : memref<80xi32, #tpu.memory_space<vmem>>) semaphore(%arg17 : memref<!tpu.dma_semaphore, #tpu.memory_space<semaphore_mem>>)
    %dma_wait3A_152 = arith.constant 2 : i32
    %dma_wait3A_153 = arith.constant 0 : i32
    %dma_wait3A_154 = arith.constant 0 : i32
    %dma_wait3A_155 = tpu.memref_slice %arg12[%dma_wait3A_152, %dma_wait3A_153, %dma_wait3A_154] : memref<3x80x128xf32, #tpu.memory_space<vmem>> -> memref<1x80x128xf32, #tpu.memory_space<vmem>>
    %dma_wait3A_156 = tpu.memref_squeeze %dma_wait3A_155 : memref<1x80x128xf32, #tpu.memory_space<vmem>> -> memref<80x128xf32, #tpu.memory_space<vmem>>
    %dma_wait3A_157 = arith.constant 9760 : i32
    %dma_wait3A_158 = tpu.memref_slice %arg8[%dma_wait3A_157] : memref<10000xi32, #tpu.memory_space<vmem>> -> memref<80xi32, #tpu.memory_space<vmem>>
    %dma_wait3A_159 = arith.constant 0 : i32
    %dma_wait3A_160 = arith.constant 0 : i32
    %dma_wait3A_161 = tpu.memref_slice %arg2[%dma_wait3A_159, %dma_wait3A_160] : memref<10000x128xf32, #tpu.memory_space<hbm>> -> memref<10000x128xf32, #tpu.memory_space<hbm>>
    tpu.wait_indirect_dma semaphore(%arg18 : memref<!tpu.dma_semaphore, #tpu.memory_space<semaphore_mem>>) src(%dma_wait3A_161 : memref<10000x128xf32, #tpu.memory_space<hbm>>) dst(%dma_wait3A_156 : memref<80x128xf32, #tpu.memory_space<vmem>>)
    %add3A_162 = arith.constant 9760 : i32
    %add3A_163 = arith.addi %mul3A_18, %add3A_162 : i32
    %dma_wait3A_164 = tpu.memref_slice %arg4[%add3A_163] : memref<320000xi32, #tpu.memory_space<hbm>> -> memref<80xi32, #tpu.memory_space<hbm>>
    %dma_wait3A_165 = tpu.memref_slice %arg4[%add3A_163] : memref<320000xi32, #tpu.memory_space<hbm>> -> memref<80xi32, #tpu.memory_space<hbm>>
    tpu.wait_dma2 semaphore(%arg15 : memref<!tpu.dma_semaphore, #tpu.memory_space<semaphore_mem>>) src(%dma_wait3A_165 : memref<80xi32, #tpu.memory_space<hbm>>) dst(%arg11 : memref<80xi32, #tpu.memory_space<vmem>>)
    %dma_start3A_166 = arith.constant 2 : i32
    %dma_start3A_167 = arith.constant 0 : i32
    %dma_start3A_168 = arith.constant 0 : i32
    %dma_start3A_169 = tpu.memref_slice %arg12[%dma_start3A_166, %dma_start3A_167, %dma_start3A_168] : memref<3x80x128xf32, #tpu.memory_space<vmem>> -> memref<1x80x128xf32, #tpu.memory_space<vmem>>
    %dma_start3A_170 = tpu.memref_squeeze %dma_start3A_169 : memref<1x80x128xf32, #tpu.memory_space<vmem>> -> memref<80x128xf32, #tpu.memory_space<vmem>>
    %dma_start3A_171 = arith.constant 0 : i32
    %dma_start3A_172 = arith.constant 0 : i32
    %dma_start3A_173 = tpu.memref_slice %arg7[%dma_start3A_171, %dma_start3A_172] : memref<10240x128xf32, #tpu.memory_space<vmem_shared>> -> memref<10240x128xf32, #tpu.memory_space<vmem_shared>>
    tpu.enqueue_indirect_dma source(%dma_start3A_170 : memref<80x128xf32, #tpu.memory_space<vmem>>) target(%dma_start3A_173 : memref<10240x128xf32, #tpu.memory_space<vmem_shared>>) offsets(%arg11 : memref<80xi32, #tpu.memory_space<vmem>>) semaphore(%arg21 : memref<!tpu.dma_semaphore, #tpu.memory_space<semaphore_mem>>) {add = true}
    %dma_wait3A_174 = arith.constant 0 : i32
    %dma_wait3A_175 = arith.constant 0 : i32
    %dma_wait3A_176 = arith.constant 0 : i32
    %dma_wait3A_177 = tpu.memref_slice %arg12[%dma_wait3A_174, %dma_wait3A_175, %dma_wait3A_176] : memref<3x80x128xf32, #tpu.memory_space<vmem>> -> memref<1x80x128xf32, #tpu.memory_space<vmem>>
    %dma_wait3A_178 = tpu.memref_squeeze %dma_wait3A_177 : memref<1x80x128xf32, #tpu.memory_space<vmem>> -> memref<80x128xf32, #tpu.memory_space<vmem>>
    %dma_wait3A_179 = arith.constant 9840 : i32
    %dma_wait3A_180 = tpu.memref_slice %arg8[%dma_wait3A_179] : memref<10000xi32, #tpu.memory_space<vmem>> -> memref<80xi32, #tpu.memory_space<vmem>>
    %dma_wait3A_181 = arith.constant 0 : i32
    %dma_wait3A_182 = arith.constant 0 : i32
    %dma_wait3A_183 = tpu.memref_slice %arg2[%dma_wait3A_181, %dma_wait3A_182] : memref<10000x128xf32, #tpu.memory_space<hbm>> -> memref<10000x128xf32, #tpu.memory_space<hbm>>
    tpu.wait_indirect_dma semaphore(%arg16 : memref<!tpu.dma_semaphore, #tpu.memory_space<semaphore_mem>>) src(%dma_wait3A_183 : memref<10000x128xf32, #tpu.memory_space<hbm>>) dst(%dma_wait3A_178 : memref<80x128xf32, #tpu.memory_space<vmem>>)
    %add3A_184 = arith.constant 9840 : i32
    %add3A_185 = arith.addi %mul3A_18, %add3A_184 : i32
    %dma_wait3A_186 = tpu.memref_slice %arg4[%add3A_185] : memref<320000xi32, #tpu.memory_space<hbm>> -> memref<80xi32, #tpu.memory_space<hbm>>
    %dma_wait3A_187 = tpu.memref_slice %arg4[%add3A_185] : memref<320000xi32, #tpu.memory_space<hbm>> -> memref<80xi32, #tpu.memory_space<hbm>>
    tpu.wait_dma2 semaphore(%arg13 : memref<!tpu.dma_semaphore, #tpu.memory_space<semaphore_mem>>) src(%dma_wait3A_187 : memref<80xi32, #tpu.memory_space<hbm>>) dst(%arg9 : memref<80xi32, #tpu.memory_space<vmem>>)
    %dma_start3A_188 = arith.constant 0 : i32
    %dma_start3A_189 = arith.constant 0 : i32
    %dma_start3A_190 = arith.constant 0 : i32
    %dma_start3A_191 = tpu.memref_slice %arg12[%dma_start3A_188, %dma_start3A_189, %dma_start3A_190] : memref<3x80x128xf32, #tpu.memory_space<vmem>> -> memref<1x80x128xf32, #tpu.memory_space<vmem>>
    %dma_start3A_192 = tpu.memref_squeeze %dma_start3A_191 : memref<1x80x128xf32, #tpu.memory_space<vmem>> -> memref<80x128xf32, #tpu.memory_space<vmem>>
    %dma_start3A_193 = arith.constant 0 : i32
    %dma_start3A_194 = arith.constant 0 : i32
    %dma_start3A_195 = tpu.memref_slice %arg7[%dma_start3A_193, %dma_start3A_194] : memref<10240x128xf32, #tpu.memory_space<vmem_shared>> -> memref<10240x128xf32, #tpu.memory_space<vmem_shared>>
    tpu.enqueue_indirect_dma source(%dma_start3A_192 : memref<80x128xf32, #tpu.memory_space<vmem>>) target(%dma_start3A_195 : memref<10240x128xf32, #tpu.memory_space<vmem_shared>>) offsets(%arg9 : memref<80xi32, #tpu.memory_space<vmem>>) semaphore(%arg19 : memref<!tpu.dma_semaphore, #tpu.memory_space<semaphore_mem>>) {add = true}
    %dma_wait3A_196 = arith.constant 1 : i32
    %dma_wait3A_197 = arith.constant 0 : i32
    %dma_wait3A_198 = arith.constant 0 : i32
    %dma_wait3A_199 = tpu.memref_slice %arg12[%dma_wait3A_196, %dma_wait3A_197, %dma_wait3A_198] : memref<3x80x128xf32, #tpu.memory_space<vmem>> -> memref<1x80x128xf32, #tpu.memory_space<vmem>>
    %dma_wait3A_200 = tpu.memref_squeeze %dma_wait3A_199 : memref<1x80x128xf32, #tpu.memory_space<vmem>> -> memref<80x128xf32, #tpu.memory_space<vmem>>
    %dma_wait3A_201 = arith.constant 9920 : i32
    %dma_wait3A_202 = tpu.memref_slice %arg8[%dma_wait3A_201] : memref<10000xi32, #tpu.memory_space<vmem>> -> memref<80xi32, #tpu.memory_space<vmem>>
    %dma_wait3A_203 = arith.constant 0 : i32
    %dma_wait3A_204 = arith.constant 0 : i32
    %dma_wait3A_205 = tpu.memref_slice %arg2[%dma_wait3A_203, %dma_wait3A_204] : memref<10000x128xf32, #tpu.memory_space<hbm>> -> memref<10000x128xf32, #tpu.memory_space<hbm>>
    tpu.wait_indirect_dma semaphore(%arg17 : memref<!tpu.dma_semaphore, #tpu.memory_space<semaphore_mem>>) src(%dma_wait3A_205 : memref<10000x128xf32, #tpu.memory_space<hbm>>) dst(%dma_wait3A_200 : memref<80x128xf32, #tpu.memory_space<vmem>>)
    %add3A_206 = arith.constant 9920 : i32
    %add3A_207 = arith.addi %mul3A_18, %add3A_206 : i32
    %dma_wait3A_208 = tpu.memref_slice %arg4[%add3A_207] : memref<320000xi32, #tpu.memory_space<hbm>> -> memref<80xi32, #tpu.memory_space<hbm>>
    %dma_wait3A_209 = tpu.memref_slice %arg4[%add3A_207] : memref<320000xi32, #tpu.memory_space<hbm>> -> memref<80xi32, #tpu.memory_space<hbm>>
    tpu.wait_dma2 semaphore(%arg14 : memref<!tpu.dma_semaphore, #tpu.memory_space<semaphore_mem>>) src(%dma_wait3A_209 : memref<80xi32, #tpu.memory_space<hbm>>) dst(%arg10 : memref<80xi32, #tpu.memory_space<vmem>>)
    %dma_start3A_210 = arith.constant 1 : i32
    %dma_start3A_211 = arith.constant 0 : i32
    %dma_start3A_212 = arith.constant 0 : i32
    %dma_start3A_213 = tpu.memref_slice %arg12[%dma_start3A_210, %dma_start3A_211, %dma_start3A_212] : memref<3x80x128xf32, #tpu.memory_space<vmem>> -> memref<1x80x128xf32, #tpu.memory_space<vmem>>
    %dma_start3A_214 = tpu.memref_squeeze %dma_start3A_213 : memref<1x80x128xf32, #tpu.memory_space<vmem>> -> memref<80x128xf32, #tpu.memory_space<vmem>>
    %dma_start3A_215 = arith.constant 0 : i32
    %dma_start3A_216 = arith.constant 0 : i32
    %dma_start3A_217 = tpu.memref_slice %arg7[%dma_start3A_215, %dma_start3A_216] : memref<10240x128xf32, #tpu.memory_space<vmem_shared>> -> memref<10240x128xf32, #tpu.memory_space<vmem_shared>>
    tpu.enqueue_indirect_dma source(%dma_start3A_214 : memref<80x128xf32, #tpu.memory_space<vmem>>) target(%dma_start3A_217 : memref<10240x128xf32, #tpu.memory_space<vmem_shared>>) offsets(%arg10 : memref<80xi32, #tpu.memory_space<vmem>>) semaphore(%arg20 : memref<!tpu.dma_semaphore, #tpu.memory_space<semaphore_mem>>) {add = true}
    %dma_wait3A_218 = arith.constant 2 : i32
    %dma_wait3A_219 = arith.constant 0 : i32
    %dma_wait3A_220 = arith.constant 0 : i32
    %dma_wait3A_221 = tpu.memref_slice %arg12[%dma_wait3A_218, %dma_wait3A_219, %dma_wait3A_220] : memref<3x80x128xf32, #tpu.memory_space<vmem>> -> memref<1x80x128xf32, #tpu.memory_space<vmem>>
    %dma_wait3A_222 = tpu.memref_squeeze %dma_wait3A_221 : memref<1x80x128xf32, #tpu.memory_space<vmem>> -> memref<80x128xf32, #tpu.memory_space<vmem>>
    %dma_wait3A_223 = arith.constant 0 : i32
    %dma_wait3A_224 = arith.constant 0 : i32
    %dma_wait3A_225 = tpu.memref_slice %arg7[%dma_wait3A_223, %dma_wait3A_224] : memref<10240x128xf32, #tpu.memory_space<vmem_shared>> -> memref<10240x128xf32, #tpu.memory_space<vmem_shared>>
    tpu.wait_indirect_dma semaphore(%arg21 : memref<!tpu.dma_semaphore, #tpu.memory_space<semaphore_mem>>) src(%dma_wait3A_222 : memref<80x128xf32, #tpu.memory_space<vmem>>) dst(%dma_wait3A_225 : memref<10240x128xf32, #tpu.memory_space<vmem_shared>>)
    %dma_wait3A_226 = arith.constant 0 : i32
    %dma_wait3A_227 = arith.constant 0 : i32
    %dma_wait3A_228 = arith.constant 0 : i32
    %dma_wait3A_229 = tpu.memref_slice %arg12[%dma_wait3A_226, %dma_wait3A_227, %dma_wait3A_228] : memref<3x80x128xf32, #tpu.memory_space<vmem>> -> memref<1x80x128xf32, #tpu.memory_space<vmem>>
    %dma_wait3A_230 = tpu.memref_squeeze %dma_wait3A_229 : memref<1x80x128xf32, #tpu.memory_space<vmem>> -> memref<80x128xf32, #tpu.memory_space<vmem>>
    %dma_wait3A_231 = arith.constant 0 : i32
    %dma_wait3A_232 = arith.constant 0 : i32
    %dma_wait3A_233 = tpu.memref_slice %arg7[%dma_wait3A_231, %dma_wait3A_232] : memref<10240x128xf32, #tpu.memory_space<vmem_shared>> -> memref<10240x128xf32, #tpu.memory_space<vmem_shared>>
    tpu.wait_indirect_dma semaphore(%arg19 : memref<!tpu.dma_semaphore, #tpu.memory_space<semaphore_mem>>) src(%dma_wait3A_230 : memref<80x128xf32, #tpu.memory_space<vmem>>) dst(%dma_wait3A_233 : memref<10240x128xf32, #tpu.memory_space<vmem_shared>>)
    %dma_wait3A_234 = arith.constant 1 : i32
    %dma_wait3A_235 = arith.constant 0 : i32
    %dma_wait3A_236 = arith.constant 0 : i32
    %dma_wait3A_237 = tpu.memref_slice %arg12[%dma_wait3A_234, %dma_wait3A_235, %dma_wait3A_236] : memref<3x80x128xf32, #tpu.memory_space<vmem>> -> memref<1x80x128xf32, #tpu.memory_space<vmem>>
    %dma_wait3A_238 = tpu.memref_squeeze %dma_wait3A_237 : memref<1x80x128xf32, #tpu.memory_space<vmem>> -> memref<80x128xf32, #tpu.memory_space<vmem>>
    %dma_wait3A_239 = arith.constant 0 : i32
    %dma_wait3A_240 = arith.constant 0 : i32
    %dma_wait3A_241 = tpu.memref_slice %arg7[%dma_wait3A_239, %dma_wait3A_240] : memref<10240x128xf32, #tpu.memory_space<vmem_shared>> -> memref<10240x128xf32, #tpu.memory_space<vmem_shared>>
    tpu.wait_indirect_dma semaphore(%arg20 : memref<!tpu.dma_semaphore, #tpu.memory_space<semaphore_mem>>) src(%dma_wait3A_238 : memref<80x128xf32, #tpu.memory_space<vmem>>) dst(%dma_wait3A_241 : memref<10240x128xf32, #tpu.memory_space<vmem_shared>>)
    %barrier3A_242 = arith.constant 0 : index
    tpu.barrier barrier_id(%barrier3A_242)
    %mul3A_243 = arith.constant 640 : i32
    %mul3A_244 = arith.muli %arg1, %mul3A_243 : i32
    %mul3A_245 = arith.constant 640 : i32
    %mul3A_246 = arith.muli %arg1, %mul3A_245 : i32
    "tpu.region"() ({
      %run_scoped3A = tpu.sem_alloc : memref<!tpu.dma_semaphore, #tpu.memory_space<semaphore_mem>>
      %dma_start3A_247 = arith.constant 0 : i32
      %dma_start3A_248 = tpu.memref_slice %arg6[%arg0, %mul3A_246, %dma_start3A_247] : memref<2x10240x128xf32, #tpu.memory_space<hbm>> -> memref<1x640x128xf32, #tpu.memory_space<hbm>>
      %dma_start3A_249 = tpu.memref_squeeze %dma_start3A_248 : memref<1x640x128xf32, #tpu.memory_space<hbm>> -> memref<640x128xf32, #tpu.memory_space<hbm>>
      %dma_start3A_250 = arith.constant 0 : i32
      %dma_start3A_251 = tpu.memref_slice %arg7[%mul3A_244, %dma_start3A_250] : memref<10240x128xf32, #tpu.memory_space<vmem_shared>> -> memref<640x128xf32, #tpu.memory_space<vmem_shared>>
      tpu.enqueue_dma source(%dma_start3A_251 : memref<640x128xf32, #tpu.memory_space<vmem_shared>>) target(%dma_start3A_249 : memref<640x128xf32, #tpu.memory_space<hbm>>) target_semaphore(%run_scoped3A : memref<!tpu.dma_semaphore, #tpu.memory_space<semaphore_mem>>)
      %dma_wait3A_252 = arith.constant 0 : i32
      %dma_wait3A_253 = tpu.memref_slice %arg6[%arg0, %mul3A_246, %dma_wait3A_252] : memref<2x10240x128xf32, #tpu.memory_space<hbm>> -> memref<1x640x128xf32, #tpu.memory_space<hbm>>
      %dma_wait3A_254 = tpu.memref_squeeze %dma_wait3A_253 : memref<1x640x128xf32, #tpu.memory_space<hbm>> -> memref<640x128xf32, #tpu.memory_space<hbm>>
      %dma_wait3A_255 = arith.constant 0 : i32
      %dma_wait3A_256 = tpu.memref_slice %arg7[%mul3A_244, %dma_wait3A_255] : memref<10240x128xf32, #tpu.memory_space<vmem_shared>> -> memref<640x128xf32, #tpu.memory_space<vmem_shared>>
      tpu.wait_dma2 semaphore(%run_scoped3A : memref<!tpu.dma_semaphore, #tpu.memory_space<semaphore_mem>>) src(%dma_wait3A_256 : memref<640x128xf32, #tpu.memory_space<vmem_shared>>) dst(%dma_wait3A_254 : memref<640x128xf32, #tpu.memory_space<hbm>>)
      tpu.yield
    }) : () -> ()
    return
  }
}

module attributes {stable_mosaic.version = 14 : i64} {
  func.func @_y_body(%arg0: i32, %arg1: memref<2x10240xf32, #tpu.memory_space<vmem>>, %arg2: memref<5000x128xf32, #tpu.memory_space<vmem>>, %arg3: memref<128x128xf32, #tpu.memory_space<vmem>>, %arg4: memref<5000x128xf32, #tpu.memory_space<vmem>>, %arg5: memref<10240x1xf32, #tpu.memory_space<vmem>>, %arg6: memref<10240x1xf32, #tpu.memory_space<vmem>>) attributes {dimension_semantics = [#tpu.dimension_semantics<arbitrary>], iteration_bounds = array<i64: 2>, scalar_prefetch = 0 : i64, scratch_operands = 1 : i64, tpu.core_type = #tpu.core_type<tc>, window_params = [{pipeline_mode = #tpu.pipeline_mode<synchronous>, transform_indices = @transform_0, window_bounds = array<i64: 2, 10240>}, {transform_indices = @transform_1, window_bounds = array<i64: 5000, 128>}, {pipeline_mode = #tpu.pipeline_mode<synchronous>, transform_indices = @transform_2, window_bounds = array<i64: 128, 128>}, {transform_indices = @transform_3, window_bounds = array<i64: 5000, 128>}, {pipeline_mode = #tpu.pipeline_mode<synchronous>, transform_indices = @transform_4, window_bounds = array<i64: 10240, 1>}]} {
    %eq3A = arith.constant 0 : i32
    %eq3A_0 = arith.cmpi eq, %arg0, %eq3A : i32
    %convert_element_type3A = arith.extui %eq3A_0 : i1 to i32
    %cond3A = arith.constant 0 : i32
    %cond3A_1 = arith.cmpi ne, %convert_element_type3A, %cond3A : i32
    scf.if %cond3A_1 {
      %get3A_16 = arith.constant 0 : index
      %get3A_17 = arith.constant 0 : index
      %get3A_18 = vector.load %arg1[%get3A_16, %get3A_17] : memref<2x10240xf32, #tpu.memory_space<vmem>>, vector<2x10240xf32>
      %reduce_sum3A = arith.constant dense<0.000000e+00> : vector<10240xf32>
      %reduce_sum3A_19 = vector.multi_reduction <add>, %get3A_18, %reduce_sum3A [0] : vector<2x10240xf32> to vector<10240xf32>
      %add3A = arith.constant 1.000000e+00 : f32
      %add3A_20 = vector.broadcast %add3A : f32 to vector<10240xf32>
      %add3A_21 = arith.addf %reduce_sum3A_19, %add3A_20 : vector<10240xf32>
      %rsqrt3A = math.rsqrt %add3A_21 : vector<10240xf32>
      %reshape3A = vector.shape_cast %rsqrt3A : vector<10240xf32> to vector<10240x1xf32>
      %swap3A_22 = arith.constant 0 : index
      %swap3A_23 = arith.constant 0 : index
      %swap3A_24 = vector.load %arg6[%swap3A_22, %swap3A_23] : memref<10240x1xf32, #tpu.memory_space<vmem>>, vector<10240x1xf32>
      tpu.vector_store %arg6[%swap3A_22, %swap3A_23], %reshape3A {strides = array<i32>} : memref<10240x1xf32, #tpu.memory_space<vmem>>, vector<10240x1xf32>,
      %swap3A_25 = arith.constant 0 : index
      %swap3A_26 = arith.constant 0 : index
      %swap3A_27 = vector.load %arg5[%swap3A_25, %swap3A_26] : memref<10240x1xf32, #tpu.memory_space<vmem>>, vector<10240x1xf32>
      tpu.vector_store %arg5[%swap3A_25, %swap3A_26], %reshape3A {strides = array<i32>} : memref<10240x1xf32, #tpu.memory_space<vmem>>, vector<10240x1xf32>,
    } else {
    }
    %get3A = arith.constant 0 : index
    %get3A_2 = arith.constant 0 : index
    %get3A_3 = vector.load %arg2[%get3A, %get3A_2] : memref<5000x128xf32, #tpu.memory_space<vmem>>, vector<5000x128xf32>
    %get3A_4 = arith.constant 0 : index
    %get3A_5 = arith.constant 0 : index
    %get3A_6 = vector.load %arg3[%get3A_4, %get3A_5] : memref<128x128xf32, #tpu.memory_space<vmem>>, vector<128x128xf32>
    %dot_general3A = arith.constant dense<0.000000e+00> : vector<5000x128xf32>
    %dot_general3A_7 = tpu.matmul %get3A_3, %get3A_6, %dot_general3A {dimension_numbers = #tpu.dot_dimension_numbers<[1], [0], [0], [1], [0, 0, 1, 1], [], []>, transpose_lhs_hint = false} : vector<5000x128xf32>, vector<128x128xf32>, vector<5000x128xf32> -> vector<5000x128xf32>
    %mul3A = arith.constant 5000 : i32
    %mul3A_8 = arith.muli %arg0, %mul3A : i32
    %get3A_9 = arith.index_cast %mul3A_8 : i32 to index
    %get3A_10 = arith.constant 0 : index
    %get3A_11 = vector.load %arg6[%get3A_9, %get3A_10] : memref<10240x1xf32, #tpu.memory_space<vmem>>, vector<5000x1xf32>
    %mul3A_12 = vector.broadcast %get3A_11 : vector<5000x1xf32> to vector<5000x128xf32>
    %mul3A_13 = arith.mulf %dot_general3A_7, %mul3A_12 : vector<5000x128xf32>
    %swap3A = arith.constant 0 : index
    %swap3A_14 = arith.constant 0 : index
    %swap3A_15 = vector.load %arg4[%swap3A, %swap3A_14] : memref<5000x128xf32, #tpu.memory_space<vmem>>, vector<5000x128xf32>
    tpu.vector_store %arg4[%swap3A, %swap3A_14], %mul3A_13 {strides = array<i32>} : memref<5000x128xf32, #tpu.memory_space<vmem>>, vector<5000x128xf32>,
    return
  }
  func.func @transform_0(%arg0: i32) -> (i32, i32) {
    %c0_i32 = arith.constant 0 : i32
    %c0_i32_0 = arith.constant 0 : i32
    %c0_i32_1 = arith.constant 0 : i32
    return %c0_i32, %c0_i32_0 : i32, i32
  }
  func.func @transform_1(%arg0: i32) -> (i32, i32) {
    %c0_i32 = arith.constant 0 : i32
    %c0_i32_0 = arith.constant 0 : i32
    return %arg0, %c0_i32 : i32, i32
  }
  func.func @transform_2(%arg0: i32) -> (i32, i32) {
    %c0_i32 = arith.constant 0 : i32
    %c0_i32_0 = arith.constant 0 : i32
    %c0_i32_1 = arith.constant 0 : i32
    return %c0_i32, %c0_i32_0 : i32, i32
  }
  func.func @transform_3(%arg0: i32) -> (i32, i32) {
    %c0_i32 = arith.constant 0 : i32
    %c0_i32_0 = arith.constant 0 : i32
    return %arg0, %c0_i32 : i32, i32
  }
  func.func @transform_4(%arg0: i32) -> (i32, i32) {
    %c0_i32 = arith.constant 0 : i32
    %c0_i32_0 = arith.constant 0 : i32
    %c0_i32_1 = arith.constant 0 : i32
    return %c0_i32, %c0_i32_0 : i32, i32
  }
}

module attributes {stable_mosaic.version = 14 : i64} {
  func.func @_cm_body(%arg0: i32, %arg1: memref<2x5000x128xf32, #tpu.memory_space<vmem>>, %arg2: memref<5000x1xf32, #tpu.memory_space<vmem>>, %arg3: memref<1x128xf32, #tpu.memory_space<vmem>>, %arg4: memref<128x128xf32, #tpu.memory_space<vmem>>, %arg5: memref<5000x128xf32, #tpu.memory_space<vmem>>) attributes {dimension_semantics = [#tpu.dimension_semantics<arbitrary>], iteration_bounds = array<i64: 2>, scalar_prefetch = 0 : i64, scratch_operands = 0 : i64, tpu.core_type = #tpu.core_type<tc>, window_params = [{transform_indices = @transform_0, window_bounds = array<i64: 2, 5000, 128>}, {transform_indices = @transform_1, window_bounds = array<i64: 5000, 1>}, {pipeline_mode = #tpu.pipeline_mode<synchronous>, transform_indices = @transform_2, window_bounds = array<i64: 1, 128>}, {pipeline_mode = #tpu.pipeline_mode<synchronous>, transform_indices = @transform_3, window_bounds = array<i64: 128, 128>}, {transform_indices = @transform_4, window_bounds = array<i64: 5000, 128>}]} {
    %get3A = arith.constant 0 : index
    %get3A_0 = arith.constant 0 : index
    %get3A_1 = arith.constant 0 : index
    %get3A_2 = vector.load %arg1[%get3A, %get3A_0, %get3A_1] : memref<2x5000x128xf32, #tpu.memory_space<vmem>>, vector<1x5000x128xf32>
    %get3A_3 = vector.shape_cast %get3A_2 : vector<1x5000x128xf32> to vector<5000x128xf32>
    %get3A_4 = arith.constant 1 : index
    %get3A_5 = arith.constant 0 : index
    %get3A_6 = arith.constant 0 : index
    %get3A_7 = vector.load %arg1[%get3A_4, %get3A_5, %get3A_6] : memref<2x5000x128xf32, #tpu.memory_space<vmem>>, vector<1x5000x128xf32>
    %get3A_8 = vector.shape_cast %get3A_7 : vector<1x5000x128xf32> to vector<5000x128xf32>
    %add3A = arith.addf %get3A_3, %get3A_8 : vector<5000x128xf32>
    %get3A_9 = arith.constant 0 : index
    %get3A_10 = arith.constant 0 : index
    %get3A_11 = vector.load %arg2[%get3A_9, %get3A_10] : memref<5000x1xf32, #tpu.memory_space<vmem>>, vector<5000x1xf32>
    %mul3A = vector.broadcast %get3A_11 : vector<5000x1xf32> to vector<5000x128xf32>
    %mul3A_12 = arith.mulf %add3A, %mul3A : vector<5000x128xf32>
    %get3A_13 = arith.constant 0 : index
    %get3A_14 = arith.constant 0 : index
    %get3A_15 = vector.load %arg3[%get3A_13, %get3A_14] : memref<1x128xf32, #tpu.memory_space<vmem>>, vector<1x128xf32>
    %add3A_16 = vector.broadcast %get3A_15 : vector<1x128xf32> to vector<5000x128xf32>
    %add3A_17 = arith.addf %mul3A_12, %add3A_16 : vector<5000x128xf32>
    %max3A = arith.constant 0.000000e+00 : f32
    %max3A_18 = vector.broadcast %max3A : f32 to vector<5000x128xf32>
    %max3A_19 = arith.maximumf %add3A_17, %max3A_18 : vector<5000x128xf32>
    %get3A_20 = arith.constant 0 : index
    %get3A_21 = arith.constant 0 : index
    %get3A_22 = vector.load %arg4[%get3A_20, %get3A_21] : memref<128x128xf32, #tpu.memory_space<vmem>>, vector<128x128xf32>
    %dot_general3A = arith.constant dense<0.000000e+00> : vector<5000x128xf32>
    %dot_general3A_23 = tpu.matmul %max3A_19, %get3A_22, %dot_general3A {dimension_numbers = #tpu.dot_dimension_numbers<[1], [0], [0], [1], [0, 0, 1, 1], [], []>, transpose_lhs_hint = false} : vector<5000x128xf32>, vector<128x128xf32>, vector<5000x128xf32> -> vector<5000x128xf32>
    %get3A_24 = arith.constant 0 : index
    %get3A_25 = arith.constant 0 : index
    %get3A_26 = vector.load %arg2[%get3A_24, %get3A_25] : memref<5000x1xf32, #tpu.memory_space<vmem>>, vector<5000x1xf32>
    %mul3A_27 = vector.broadcast %get3A_26 : vector<5000x1xf32> to vector<5000x128xf32>
    %mul3A_28 = arith.mulf %dot_general3A_23, %mul3A_27 : vector<5000x128xf32>
    %swap3A = arith.constant 0 : index
    %swap3A_29 = arith.constant 0 : index
    %swap3A_30 = vector.load %arg5[%swap3A, %swap3A_29] : memref<5000x128xf32, #tpu.memory_space<vmem>>, vector<5000x128xf32>
    tpu.vector_store %arg5[%swap3A, %swap3A_29], %mul3A_28 {strides = array<i32>} : memref<5000x128xf32, #tpu.memory_space<vmem>>, vector<5000x128xf32>,
    return
  }
  func.func @transform_0(%arg0: i32) -> (i32, i32, i32) {
    %c0_i32 = arith.constant 0 : i32
    %c0_i32_0 = arith.constant 0 : i32
    %c0_i32_1 = arith.constant 0 : i32
    return %c0_i32, %arg0, %c0_i32_0 : i32, i32, i32
  }
  func.func @transform_1(%arg0: i32) -> (i32, i32) {
    %c0_i32 = arith.constant 0 : i32
    %c0_i32_0 = arith.constant 0 : i32
    return %arg0, %c0_i32 : i32, i32
  }
  func.func @transform_2(%arg0: i32) -> (i32, i32) {
    %c0_i32 = arith.constant 0 : i32
    %c0_i32_0 = arith.constant 0 : i32
    %c0_i32_1 = arith.constant 0 : i32
    return %c0_i32, %c0_i32_0 : i32, i32
  }
  func.func @transform_3(%arg0: i32) -> (i32, i32) {
    %c0_i32 = arith.constant 0 : i32
    %c0_i32_0 = arith.constant 0 : i32
    %c0_i32_1 = arith.constant 0 : i32
    return %c0_i32, %c0_i32_0 : i32, i32
  }
  func.func @transform_4(%arg0: i32) -> (i32, i32) {
    %c0_i32 = arith.constant 0 : i32
    %c0_i32_0 = arith.constant 0 : i32
    return %arg0, %c0_i32 : i32, i32
  }
}

module attributes {stable_mosaic.version = 14 : i64} {
  func.func @_fin_body(%arg0: i32, %arg1: memref<2x5000x128xf32, #tpu.memory_space<vmem>>, %arg2: memref<5000x1xf32, #tpu.memory_space<vmem>>, %arg3: memref<1x128xf32, #tpu.memory_space<vmem>>, %arg4: memref<5000x128xf32, #tpu.memory_space<vmem>>) attributes {dimension_semantics = [#tpu.dimension_semantics<arbitrary>], iteration_bounds = array<i64: 2>, scalar_prefetch = 0 : i64, scratch_operands = 0 : i64, tpu.core_type = #tpu.core_type<tc>, window_params = [{transform_indices = @transform_0, window_bounds = array<i64: 2, 5000, 128>}, {transform_indices = @transform_1, window_bounds = array<i64: 5000, 1>}, {pipeline_mode = #tpu.pipeline_mode<synchronous>, transform_indices = @transform_2, window_bounds = array<i64: 1, 128>}, {transform_indices = @transform_3, window_bounds = array<i64: 5000, 128>}]} {
    %get3A = arith.constant 0 : index
    %get3A_0 = arith.constant 0 : index
    %get3A_1 = arith.constant 0 : index
    %get3A_2 = vector.load %arg1[%get3A, %get3A_0, %get3A_1] : memref<2x5000x128xf32, #tpu.memory_space<vmem>>, vector<1x5000x128xf32>
    %get3A_3 = vector.shape_cast %get3A_2 : vector<1x5000x128xf32> to vector<5000x128xf32>
    %get3A_4 = arith.constant 1 : index
    %get3A_5 = arith.constant 0 : index
    %get3A_6 = arith.constant 0 : index
    %get3A_7 = vector.load %arg1[%get3A_4, %get3A_5, %get3A_6] : memref<2x5000x128xf32, #tpu.memory_space<vmem>>, vector<1x5000x128xf32>
    %get3A_8 = vector.shape_cast %get3A_7 : vector<1x5000x128xf32> to vector<5000x128xf32>
    %add3A = arith.addf %get3A_3, %get3A_8 : vector<5000x128xf32>
    %get3A_9 = arith.constant 0 : index
    %get3A_10 = arith.constant 0 : index
    %get3A_11 = vector.load %arg2[%get3A_9, %get3A_10] : memref<5000x1xf32, #tpu.memory_space<vmem>>, vector<5000x1xf32>
    %mul3A = vector.broadcast %get3A_11 : vector<5000x1xf32> to vector<5000x128xf32>
    %mul3A_12 = arith.mulf %add3A, %mul3A : vector<5000x128xf32>
    %get3A_13 = arith.constant 0 : index
    %get3A_14 = arith.constant 0 : index
    %get3A_15 = vector.load %arg3[%get3A_13, %get3A_14] : memref<1x128xf32, #tpu.memory_space<vmem>>, vector<1x128xf32>
    %add3A_16 = vector.broadcast %get3A_15 : vector<1x128xf32> to vector<5000x128xf32>
    %add3A_17 = arith.addf %mul3A_12, %add3A_16 : vector<5000x128xf32>
    %max3A = arith.constant 0.000000e+00 : f32
    %max3A_18 = vector.broadcast %max3A : f32 to vector<5000x128xf32>
    %max3A_19 = arith.maximumf %add3A_17, %max3A_18 : vector<5000x128xf32>
    %swap3A = arith.constant 0 : index
    %swap3A_20 = arith.constant 0 : index
    %swap3A_21 = vector.load %arg4[%swap3A, %swap3A_20] : memref<5000x128xf32, #tpu.memory_space<vmem>>, vector<5000x128xf32>
    tpu.vector_store %arg4[%swap3A, %swap3A_20], %max3A_19 {strides = array<i32>} : memref<5000x128xf32, #tpu.memory_space<vmem>>, vector<5000x128xf32>,
    return
  }
  func.func @transform_0(%arg0: i32) -> (i32, i32, i32) {
    %c0_i32 = arith.constant 0 : i32
    %c0_i32_0 = arith.constant 0 : i32
    %c0_i32_1 = arith.constant 0 : i32
    return %c0_i32, %arg0, %c0_i32_0 : i32, i32, i32
  }
  func.func @transform_1(%arg0: i32) -> (i32, i32) {
    %c0_i32 = arith.constant 0 : i32
    %c0_i32_0 = arith.constant 0 : i32
    return %arg0, %c0_i32 : i32, i32
  }
  func.func @transform_2(%arg0: i32) -> (i32, i32) {
    %c0_i32 = arith.constant 0 : i32
    %c0_i32_0 = arith.constant 0 : i32
    %c0_i32_1 = arith.constant 0 : i32
    return %c0_i32, %c0_i32_0 : i32, i32
  }
  func.func @transform_3(%arg0: i32) -> (i32, i32) {
    %c0_i32 = arith.constant 0 : i32
    %c0_i32_0 = arith.constant 0 : i32
    return %arg0, %c0_i32 : i32, i32
  }
}

</mosaic_0001>

<sc_bundles>
// kernel: kernel.11.cloned.1.call-start
scs
__scs_entry_jumppad:
0x0: {  	(pc) =	sbr.rel $0x88, $3  }
0x1: {  	(tag) =	ssettag $0x0;
	lr =	simm.s32 $0x1  }
0x2: {  	[smem:$0x3F9B] =	sst lr;
	_ =	strace $0xD0000000  }
0x3: {  	_ = 	snop  }
0x4: {  	_ = 	snop  }
0x5: {  	_ = 	snop  }
0x6: {  	_ = 	snop  }
0x7: {  	_ = 	snop  }
__scs_overlays_trampoline_lowered:
0x8: {  	[smem:$0x3FAA] =	sst s0  }
0x9: {  	[smem:$0x3FAB] =	sst s1  }
0xa: {  	[smem:$0x3FAC] =	sst s2  }
0xb: {  	[smem:$0x3FAD] =	sst s3  }
0xc: {  	[smem:$0x3FAE] =	sst s4  }
0xd: {  	[smem:$0x3FAF] =	sst s5  }
0xe: {  	[smem:$0x3FB0] =	sst s6  }
0xf: {  	[smem:$0x3FB1] =	sst s7  }
0x10: {  	[smem:$0x3FB2] =	sst s8  }
0x11: {  	[smem:$0x3FB3] =	sst s9;
	s0 =	simm.s32 @!p0 $0x0  }
0x12: {  	s1 =	sld [smem:$0x3F99];
	s0 =	simm.s32 @p0 $0x1  }
0x13: {  	[smem:$0x3FB4] =	sst s0;
	s0 =	simm.s32 @!p1 $0x0  }
0x14: {  	s2 =	sld [smem:$0x3F98];
	s0 =	simm.s32 @p1 $0x1  }
0x15: {  	[smem:$0x3FB5] =	sst s0;
	s0 =	simm.s32 @!p2 $0x0  }
0x16: {  	s3 =	sld [smem:$0x3FDB];
	s0 =	simm.s32 @p2 $0x1  }
0x17: {  	s4 =	simm.s32 $0x1BF5;
	[smem:$0x3FB7] =	sst s0  }
0x18: {  	s0 =	sld [smem:$0x3F9A];
	_ =	swait.ge [sflag:s4], $0x0  }
0x19: {  	s7 =	sld [smem:$0x3F9B]  }
0x1a: {  	s8 =	sadd.s32 $0xFFFFE003, lr  }
0x1b: {  	s9 =	sadd.s32 $0xFFFFFEF7, lr;
	s5 =	simm.s32 $0xFFFFFFFF;
	p2 =	slt.u32 s8, $0xFFFFF086  }
0x1c: {  	p1 =	slt.u32 s9, $0xF7A;
	s5 =	simm.s32 @!p2 $0x0  }
0x1d: {  	s5 =	simm.s32 @p1 $0x1;
	p0 =	seq.s32 s7, s2  }
0x1e: {  	s7 =	smul.u32 @!p0 $0xF7A, s2;
	p2 =	seq.s32 @!p0 s5, $0x0  }
0x1f: {  	s9 =	smul.u32 $0xF7A, s1;
	s8 =	simm.s32 @!p0 $0x1BF5;
	p2 =	por !p2, p0  }
0x20: {  	[sflag:s8] =	ssyncset.s32 @!p0 $0xFFFFF086;
	s6 =	sadd.s32 @!p0 s3, s7;
	s7 =	simm.s32 @!p0 $0x108  }
0x21: {  	s3 =	sadd.s32 s3, s9;
	s6 =	sadd.s32 @!p0 $0x88, s6;
	s7 =	simm.s32 @p2 $0x1082  }
0x22: {  	[simem:s7], [sflag:s8] =	dma.local @!p0 [hbm:s6], $0xF7A  }
0x23: {  	s9 =	sor.u32 $0xD0000000, s2;
	s6 =	simm.s32 $0x108;
	_ =	swait.ge @!p0 [sflag:s8], $0x0  }
0x24: {  	s3 =	sadd.s32 $0x88, s3;
	s6 =	simm.s32 @!p1 $0x1082;
	[sflag:s4] =	ssyncset.s32 $0xFFFFF086  }
0x25: {  	[simem:s6], [sflag:s4] =	dma.local [hbm:s3], $0xF7A  }
0x26: {  	[smem:$0x3F9B] =	sst s1;
	(tag) =	ssettag s2;
	_ =	strace s9  }
0x27: {  	s1 =	sld [smem:$0x3FAB]  }
0x28: {  	s2 =	sld [smem:$0x3FAC]  }
0x29: {  	s4 =	sld [smem:$0x3FAE]  }
0x2a: {  	p0 =	seq.s32 s5, $0x0;
	s5 =	sld [smem:$0x3FAF]  }
0x2b: {  	s6 =	sld [smem:$0x3FB0]  }
0x2c: {  	s7 =	sld [smem:$0x3FB1]  }
0x2d: {  	s3 =	simm.s32 $0x108;
	s8 =	sld [smem:$0x3FB2]  }
0x2e: {  	s3 =	simm.s32 @!p0 $0x1082;
	s9 =	sld [smem:$0x3FB3]  }
0x2f: {  	lr =	sadd.s32 s0, s3;
	s0 =	sld [smem:$0x3FAA]  }
0x30: {  	s3 =	sld [smem:$0x3FAD]  }
0x31: {  	[smem:$0x3FB6] =	sst s10  }
0x32: {  	s10 =	sld [smem:$0x3FB4];
	_ =	sdelay $0x3  }
0x33: {  	p0 =	seq.s32 s10, $0x1;
	s10 =	sld [smem:$0x3FB6];
	_ =	sdelay $0x3  }
0x34: {  	[smem:$0x3FB6] =	sst s10  }
0x35: {  	s10 =	sld [smem:$0x3FB5];
	_ =	sdelay $0x3  }
0x36: {  	p1 =	seq.s32 s10, $0x1;
	s10 =	sld [smem:$0x3FB6];
	_ =	sdelay $0x3  }
0x37: {  	[smem:$0x3FB6] =	sst s10  }
0x38: {  	s10 =	sld [smem:$0x3FB7]  }
0x39: {  	_ = 	snop;
	(pc) =	sbr.ind lr, $3  }
0x3a: {  	_ = 	snop  }
0x3b: {  	_ = 	snop  }
0x3c: {  	p2 =	seq.s32 s10, $0x1;
	s10 =	sld [smem:$0x3FB6]  }
0x3d: {  	_ =	shalt  }
0x3e: {  	_ =	shalt  }
0x3f: {  	_ =	shalt  }
0x40: {  	_ =	shalt  }
0x41: {  	_ =	shalt  }
0x42: {  	_ =	shalt  }
0x43: {  	_ =	shalt  }
0x44: {  	_ =	shalt  }
0x45: {  	_ =	shalt  }
0x46: {  	_ =	shalt  }
0x47: {  	_ =	shalt  }
0x48: {  	_ =	shalt  }
0x49: {  	_ =	shalt  }
0x4a: {  	_ =	shalt  }
0x4b: {  	_ =	shalt  }
0x4c: {  	_ =	shalt  }
0x4d: {  	_ =	shalt  }
0x4e: {  	_ =	shalt  }
0x4f: {  	_ =	shalt  }
0x50: {  	_ =	shalt  }
0x51: {  	_ =	shalt  }
0x52: {  	_ =	shalt  }
0x53: {  	_ =	shalt  }
0x54: {  	_ =	shalt  }
0x55: {  	_ =	shalt  }
0x56: {  	_ =	shalt  }
0x57: {  	_ =	shalt  }
0x58: {  	_ =	shalt  }
0x59: {  	_ =	shalt  }
0x5a: {  	_ =	shalt  }
0x5b: {  	_ =	shalt  }
0x5c: {  	_ =	shalt  }
0x5d: {  	_ =	shalt  }
0x5e: {  	_ =	shalt  }
0x5f: {  	_ =	shalt  }
0x60: {  	_ =	shalt  }
0x61: {  	_ =	shalt  }
0x62: {  	_ =	shalt  }
0x63: {  	_ =	shalt  }
0x64: {  	_ =	shalt  }
0x65: {  	_ =	shalt  }
0x66: {  	_ =	shalt  }
0x67: {  	_ =	shalt  }
0x68: {  	_ =	shalt  }
0x69: {  	_ =	shalt  }
0x6a: {  	_ =	shalt  }
0x6b: {  	_ =	shalt  }
0x6c: {  	_ =	shalt  }
0x6d: {  	_ =	shalt  }
0x6e: {  	_ =	shalt  }
0x6f: {  	_ =	shalt  }
0x70: {  	_ =	shalt  }
0x71: {  	_ =	shalt  }
0x72: {  	_ =	shalt  }
0x73: {  	_ =	shalt  }
0x74: {  	_ =	shalt  }
0x75: {  	_ =	shalt  }
0x76: {  	_ =	shalt  }
0x77: {  	_ =	shalt  }
0x78: {  	_ =	shalt  }
0x79: {  	_ =	shalt  }
0x7a: {  	_ =	shalt  }
0x7b: {  	_ =	shalt  }
0x7c: {  	_ =	shalt  }
0x7d: {  	_ =	shalt  }
0x7e: {  	_ =	shalt  }
0x7f: {  	_ =	shalt  }
0x80: {  	_ =	shalt  }
0x81: {  	_ =	shalt  }
0x82: {  	_ =	shalt  }
0x83: {  	_ =	shalt  }
0x84: {  	_ =	shalt  }
0x85: {  	_ =	shalt  }
0x86: {  	_ =	shalt  }
0x87: {  	_ =	shalt  }
.Lfunc_end0:
.L_simem_size_0:
called_computation.1_lowered:
.L_overlay_start_0:
0x88: {  	s2 =	sld [smem:$0x3FD9]  }
0x89: {  	s3 =	sld [smem:$0x3FFE];
	_ =	sdelay $0x1  }
0x8a: {  	s1 =	srdreg.scid  }
0x8b: {  	s0 =	sand.u32 $0x1, s1  }
0x8c: {  	s17 =	sshll.u32 s0, $0xA;
	s2 =	sadd.s32 s3, s2  }
0x8d: {  	s2 =	sadd.s32 s2, s17  }
0x8e: {  	[smem:$0x3FC2] =	sst s2  }
0x8f: {  	_ = 	snop  }
0x90: {  	s2 =	sld [smem:$0x3FD0];
	(tm) =	ssettm $0x1  }
0x91: {  	s18 =	sld [smem:$0x3FFB];
	_ =	sdelay $0x3  }
0x92: {  	_ =	strace s18  }
0x93: {  	s3 =	sld [smem:$0x3FFC];
	_ =	sdelay $0x3  }
0x94: {  	_ =	strace s3  }
0x95: {  	s3 =	sld [smem:$0x3FFD];
	_ =	sdelay $0x3  }
0x96: {  	_ =	strace s3  }
0x97: {  	_ =	strace $0x8FFFFFFF  }
0x98: {  	s19 =	sld [smem:$0x3FDB];
	_ =	sdelay $0x1  }
0x99: {  	s4 =	simm.s32 $_scs_section_size  }
0x9a: {  	s5 =	simm.s32 $_size__tile_overlayer_lowered;
	s6 =	simm.s32 $_tile_overlayer_lowered  }
0x9b: {  	s22 =	simm.s32 $0x1BFF;
	s21 =	sshll.u32 s6, $0x1;
	s3 =	sadd.s32 s4, s19  }
0x9c: {  	s7 =	simm.s32 $0x0;
	s20 =	sshll.u32 s5, $0x1;
	s5 =	sadd.s32 s21, s3  }
0x9d: {  	[timem:s7], [sflag:s22] =	dma.local [hbm:s5], s20  }
0x9e: {  	_ =	swait.ge [sflag:s22], s20  }
0x9f: {  	s4 =	ssub.s32 $0x0, s20;
	[sflag:s22] =	ssyncset.done $0x0  }
0xa0: {  	[sflag:s22] =	ssyncadd.s32 s4;
	_ =	sdelay $0x1  }
0xa1: {  	s23 =	simm.s32 $0x1B8B  }
0xa2: {  	_ =	swait.ge [sflag:s23], $0x1  }
0xa3: {  	[sflag:s23] =	ssyncset.done $0x0  }
0xa4: {  	s25 =	simm.s32 $0x1B8E;
	s24 =	sld [smem:$0x3FFE];
	[sflag:s23] =	ssyncadd.s32 $0xFFFFFFFF  }
0xa5: {  	s26 =	simm.s32 $execute0_lowered;
	[smem:$0x3FD2] =	sst s25  }
0xa6: {  	s5 =	sshll.u32 s26, $0x1;
	_ =	strace $0x80000049;
	[dreg:$0x1] =	wrdreg $0xFFFFFFFF  }
0xa7: {  	s28 =	simm.s32 $_size_execute0_lowered;
	s3 =	sadd.s32 s3, s5;
	[dreg:$0x0] =	wrdreg $0x0  }
0xa8: {  	s5 =	sshll.u32 s28, $0x1;
	[dreg:$0x2] =	wrdreg s3  }
0xa9: {  	[dreg:$0x3] =	wrdreg s5  }
0xaa: {  	[dreg:$0x4] =	wrdreg $0xC0  }
0xab: {  	_ =	task [dreg:s7], $0x5FFFF  }
0xac: {  	[dreg:$0x1] =	wrdreg $0xFFFFFFFF  }
0xad: {  	[dreg:$0x0] =	wrdreg $0x60  }
0xae: {  	[dreg:$0x2] =	wrdreg s2  }
0xaf: {  	[dreg:$0x3] =	wrdreg s24  }
0xb0: {  	[dreg:$0x4] =	wrdreg $0x0  }
0xb1: {  	[dreg:$0x5] =	wrdreg $0x9  }
0xb2: {  	_ =	task.clear_ibuf [dreg:s7], $0x6FFFF;
	_ =	strace $0x90000049  }
0xb3: {  	s29 =	simm.s32 $0x9;
	_ =	strace $0x8000004B  }
0xb4: {  	_ =	swait.ge [sflag:s29], $0x1  }
0xb5: {  	[sflag:s29] =	ssyncadd.s32 $0xFFFFFFFF  }
0xb6: {  	_ =	strace $0x9000004B  }
0xb7: {  	_ =	sfence  }
0xb8: {  	s30 =	sld [smem:$0x0];
	_ =	sdelay $0x2  }
0xb9: {  	s31 =	sshll.u32 s1, $0xD;
	s1 =	sshrl.u32 s1, $0x2  }
0xba: {  	s3 =	sand.u32 $0x4000, s31;
	s1 =	sadd.s32 s1, s30  }
0xbb: {  	s0 =	sor.u32 s3, s0;
	s1 =	sshll.u32 s1, $0x11  }
0xbc: {  	s0 =	sor.u32 s1, s0  }
0xbd: {  	s0 =	sadd.s32 $0x8F2B, s0  }
0xbe: {  	[sflag:s0] =	ssyncadd.remote.s32 $0x1  }
0xbf: {  	_ =	sfence.sel $0xFFFF  }
0xc0: {  	[dreg:$0x0] =	wrdreg $0xFFFFFFFF;
	(pc) =	sbr.abs _section_cstart, $3  }
0xc1: {  	[dreg:$0x1] =	wrdreg $0xFFFFFFFF  }
0xc2: {  	_ =	task.clear_ibuf [dreg:s7], $0x2FFFF;
	_ =	strace $0x9FFFFFFF  }
0xc3: {  	(tm) =	ssettm $0x7FFFFFFF  }
tec
execute0_lowered:
.L_overlay_start_1:
0x0: {  	(tag) =	ssettag $0x1  }
0x1: {  	s0 =	srdreg.scid;
	s1 =	rddreg [dreg:$0x0]  }
0x2: {  	s14 =	stileid.u32;
	s7 =	rddreg [dreg:$0x1];
	s30 =	simm.s32 $0xA  }
0x3: {  	s31 =	simm.s32 $0x16780;
	s28 =	simm.s32 $0x16800;
	s9 =	smul.u32 $0x14000, s14  }
0x4: {  	s0 =	sand.u32 $0x1, s0;
	s2 =	sshll.u32 s14, $0x1;
	s11 =	smul.u32 $0x50000, s14  }
0x5: {  	s3 =	sshrl.u32 s14, $0x2;
	s26 =	sadd.s32 $0x16C00, s7;
	s20 =	smul.u32 $0x4E20, s14  }
0x6: {  	p0 =	sne.s32 s14, $0xF;
	p2 =	seq.s32 s14, $0xF;
	s5 =	smul.u32 $0x13C00, s3  }
0x7: {  	s15 =	sadd.s32 $0x25800, s1;
	s2 =	sor.u32 s0, s2;
	s6 =	smul.u32 $0x140000, s0  }
0x8: {  	s3 =	rddreg [dreg:$0x2];
	s29 =	ssub.s32 $0x2, s0;
	p1 =	seq.s32 s0, $0x0  }
0x9: {  	s23 =	smul.u32 $0x2710, s0;
	s4 =	sshll.u32 s2, $0x7;
	s10 =	sshrl.u32 s29, $0x1  }
0xa: {  	p0 =	por !p1, !p0;
	p1 =	por !p1, !p2;
	s2 =	smul.u32 $0x2710, s2  }
0xb: {  	s12 =	sadd.s32 $0x12C000, s3;
	s13 =	sadd.s32 $0x138800, s3;
	s8 =	sand.u32 $0x380, s4  }
0xc: {  	s4 =	simm.s32 $0x0;
	s6 =	sadd.s32 s9, s6;
	s10 =	ssub.s32 s29, s10  }
0xd: {  	p0 =	por !p0, !p0;
	p2 =	por !p1, !p1;
	s5 =	sor.u32 s5, s8  }
0xe: {  	[smem:$0x7FF] =	sst s4;
	s9 =	sshrl.u32 s6, $0x3;
	s6 =	sshrl.u32 s11, $0x2  }
0xf: {  	s2 =	sshrl.u32 s2, $0x3;
	p1 =	por p2, p0;
	s11 =	simm.s32 $0x4  }
0x10: {  	s5 =	sshrl.u32 s5, $0x3;
	_ =	strace $0x8000004A;
	[dreg:$0x4] =	wrdreg s26  }
0x11: {  	s9 =	sadd.s32 s9, s7;
	s25 =	sadd.s32 s6, s3;
	[dreg:$0x5] =	wrdreg s15  }
0x12: {  	s26 =	smax.u32 s10, $0x1;
	p1 =	seq.s32 @!p1 s0, $0x0;
	s15 =	simm.s32 $0x2  }
0x13: {  	s24 =	sadd.s32 s5, s7;
	s5 =	sadd.s32 $0x2200, s7;
	s7 =	smul.u32 $0x2800, s14  }
0x14: {  	[dreg:$0xe] =	wrdreg s26;
	p1 =	por @!p0 p1, p2;
	p2 =	por !p2, p0  }
0x15: {  	s26 =	simm.s32 $0x16900;
	s17 =	sadd.s32 s5, s2;
	s18 =	sadd.s32 $0xCE00, s24  }
0x16: {  	s24 =	sadd.s32 $0x19400, s9;
	s2 =	sadd.s32 s23, s20;
	[dreg:$0x8] =	wrdreg s18  }
0x17: {  	p1 =	por p1, p0;
	s9 =	simm.s32 $0x1B900;
	[dreg:$0x7] =	wrdreg s17  }
0x18: {  	s23 =	simm.s32 $0x0;
	s16 =	sadd.s32 s1, s7;
	[dreg:$0xd] =	wrdreg s24  }
0x19: {  	s19 =	sadd.s32 $0xA, s17;
	s21 =	sadd.s32 $0x14, s17;
	[dreg:$0x6] =	wrdreg s16  }
0x1a: {  	s22 =	sadd.s32 $0x4CE, s17;
	s6 =	sadd.s32 $0x4D8, s17;
	[dreg:$0x9] =	wrdreg s19  }
0x1b: {  	s29 =	sadd.s32 $0x190, s2;
	s8 =	sadd.s32 $0x140, s2;
	[dreg:$0xa] =	wrdreg s21  }
0x1c: {  	s20 =	sadd.s32 $0xF0, s2;
	s2 =	sshrl.u32 @!p2 s13, $0x3;
	[dreg:$0xb] =	wrdreg s22  }
0x1d: {  	s13 =	simm.s32 $0x7;
	[dreg:$0xc] =	wrdreg s6;
	s0 =	sshrl.u32 s29, $0x3  }
0x1e: {  	s17 =	simm.s32 $0x6;
	[dreg:$0x13] =	wrdreg s2;
	s0 =	sadd.s32 s0, s5  }
0x1f: {  	s8 =	sshrl.u32 s8, $0x3;
	[dreg:$0xf] =	wrdreg s0;
	s0 =	sshll.u32 @!p1 s14, $0x6  }
0x20: {  	s2 =	simm.s32 $0x50;
	s16 =	simm.s32 $0x8;
	s0 =	sor.u32 @!p1 $0x1C0A, s0  }
0x21: {  	s21 =	simm.s32 $0x3;
	[dreg:$0x10] =	wrdreg s0;
	s0 =	sshrl.u32 @!p1 s25, $0x3  }
0x22: {  	s22 =	simm.s32 $0x9;
	[dreg:$0x11] =	wrdreg s0;
	s0 =	sshrl.u32 @!p2 s12, $0x3  }
0x23: {  	s19 =	sadd.s32 s8, s5;
	[dreg:$0x12] =	wrdreg s0;
	s0 =	sshll.u32 @p0 s14, $0x6  }
0x24: {  	s8 =	simm.s32 $0x16880;
	s12 =	simm.s32 $0x1;
	s0 =	sor.u32 @p0 $0x1C0A, s0  }
0x25: {  	s14 =	simm.s32 $0x5;
	[dreg:$0x14] =	wrdreg s0;
	s0 =	simm.s32 $0x19100  }
.LBB2_1:
0x26: {  	s6 =	rddreg [dreg:$0x4]  }
0x27: {  	s7 =	rddreg [dreg:$0x10]  }
0x28: {  	s10 =	rddreg [dreg:$0x11]  }
0x29: {  	[spmem:s10], [sflag:s7] =	dma.local @!p1 [hbm:s6], $0x2800  }
0x2a: {  	s10 =	simm.s32 @!p1 $0xA  }
0x2b: {  	_ =	swait.ge @!p1 [sflag:s10], $0x2800  }
0x2c: {  	s24 =	simm.s32 @!p2 $0xA;
	[sflag:s10] =	ssyncset.done @!p1 $0x0;
	s7 =	rddreg [dreg:$0x5]  }
0x2d: {  	s18 =	rddreg [dreg:$0x12];
	[sflag:s10] =	ssyncadd.s32 @!p1 $0xFFFFD800;
	s10 =	simm.s32 @!p2 $0x1FCA  }
0x2e: {  	[spmem:s18], [sflag:s10] =	dma.local @!p2 [hbm:s7], $0x1900  }
0x2f: {  	_ =	swait.ge @!p2 [sflag:s24], $0x1900  }
0x30: {  	[sflag:s24] =	ssyncset.done @!p2 $0x0  }
0x31: {  	s7 =	rddreg [dreg:$0x13];
	[sflag:s24] =	ssyncadd.s32 @!p2 $0xFFFFE700  }
0x32: {  	[spmem:s7], [sflag:s10] =	dma.local @!p2 [hbm:s6], $0xF00  }
0x33: {  	_ =	swait.ge @!p2 [sflag:s24], $0xF00  }
0x34: {  	[sflag:s24] =	ssyncset.done @!p2 $0x0;
	s6 =	rddreg [dreg:$0x6]  }
0x35: {  	s10 =	sshrl.u32 @p0 s25, $0x3;
	s7 =	rddreg [dreg:$0x14];
	[sflag:s24] =	ssyncadd.s32 @!p2 $0xFFFFF100  }
0x36: {  	[spmem:s10], [sflag:s7] =	dma.local @p0 [hbm:s6], $0x2800  }
0x37: {  	s10 =	simm.s32 @p0 $0xA  }
0x38: {  	s18 =	smov.u32 s25;
	_ =	swait.ge @p0 [sflag:s10], $0x2800  }
0x39: {  	s25 =	simm.s32 $0x14000;
	s24 =	simm.s32 $0x400;
	[sflag:s10] =	ssyncset.done @p0 $0x0  }
0x3a: {  	s7 =	rddreg [dreg:$0x8];
	[sflag:s10] =	ssyncadd.s32 @p0 $0xFFFFD800;
	s10 =	simm.s32 $0x80  }
0x3b: {  	[tilespmem:s25], [sflag:$0xA] =	stream.strided.gather [hbm4b:s7+s10], $0x2780, s24, s10, $0x38;
	[tilespmem:$0x1E100] =	vst v63  }
0x3c: {  	_ =	swait.ge [sflag:s30], $0x2780  }
0x3d: {  	[sflag:s30] =	ssyncset.done $0x0  }
0x3e: {  	[sflag:s30] =	ssyncadd.s32 $0xFFFFD880  }
0x3f: {  	[bflag:$0x0] =	sbarrier.arrive $0xFFFF  }
0x40: {  	s10 =	rddreg [dreg:$0x7]  }
0x41: {  	[tilespmem:s31], [sflag:$0x1] =	stream.linear.gather [hbm4b:s10+s4], $0x50, $0x38;
	[tilespmem:$0x1E100] =	vst v63  }
0x42: {  	_ = 	snop  }
0x43: {  	[tilespmem:s26], [sflag:$0x4] =	stream.indirect.gather [hbm4b:s1+s2], $0x80, s25, s2, $0xb8;
	[tilespmem:$0x1E100] =	vst v63  }
0x44: {  	s24 =	rddreg [dreg:$0x9]  }
0x45: {  	[tilespmem:s28], [sflag:$0x2] =	stream.linear.gather [hbm4b:s24+s4], $0x50, $0x38;
	[tilespmem:$0x1E100] =	vst v63  }
0x46: {  	s25 =	simm.s32 $0x14050  }
0x47: {  	[tilespmem:s0], [sflag:$0x5] =	stream.indirect.gather [hbm4b:s1+s2], $0x80, s25, s2, $0xb8;
	[tilespmem:$0x1E100] =	vst v63  }
0x48: {  	s7 =	rddreg [dreg:$0xa]  }
0x49: {  	[tilespmem:s8], [sflag:$0x3] =	stream.linear.gather [hbm4b:s7+s4], $0x50, $0x38;
	[tilespmem:$0x1E100] =	vst v63  }
0x4a: {  	s10 =	simm.s32 $0x140A0  }
0x4b: {  	[tilespmem:s9], [sflag:$0x6] =	stream.indirect.gather [hbm4b:s1+s2], $0x80, s10, s2, $0xb8;
	[tilespmem:$0x1E100] =	vst v63  }
0x4c: {  	_ =	swait.ge [sflag:s11], $0x2800  }
0x4d: {  	[sflag:s11] =	ssyncset.done $0x0  }
0x4e: {  	[sflag:s11] =	ssyncadd.s32 $0xFFFFD800  }
0x4f: {  	_ =	swait.ge [sflag:s12], $0x50  }
0x50: {  	[sflag:s12] =	ssyncset.done $0x0  }
0x51: {  	[sflag:s12] =	ssyncadd.s32 $0xFFFFFFB0  }
0x52: {  	[spmem:s3] =	stream.indirect.scatter.add.f32 [tilespmem:s26], [sflag:$0x7], $0x80, s31, s2, $0xb8;
	[tilespmem:$0x1E100] =	vst v63  }
0x53: {  	_ =	swait.ge [sflag:s13], $0x2800  }
0x54: {  	s24 =	sshrl.u32 s20, $0x3;
	[sflag:s13] =	ssyncset.done $0x0  }
0x55: {  	s10 =	sadd.s32 s5, s24;
	[sflag:s13] =	ssyncadd.s32 $0xFFFFD800  }
0x56: {  	[tilespmem:s31], [sflag:$0x1] =	stream.linear.gather [hbm4b:s10+s4], $0x50, $0x38;
	[tilespmem:$0x1E100] =	vst v63  }
0x57: {  	s25 =	simm.s32 $0x140F0  }
0x58: {  	[tilespmem:s26], [sflag:$0x4] =	stream.indirect.gather [hbm4b:s1+s2], $0x80, s25, s2, $0xb8;
	[tilespmem:$0x1E100] =	vst v63  }
0x59: {  	_ =	swait.ge [sflag:s14], $0x2800  }
0x5a: {  	[sflag:s14] =	ssyncset.done $0x0  }
0x5b: {  	[sflag:s14] =	ssyncadd.s32 $0xFFFFD800  }
0x5c: {  	_ =	swait.ge [sflag:s15], $0x50  }
0x5d: {  	[sflag:s15] =	ssyncset.done $0x0  }
0x5e: {  	[sflag:s15] =	ssyncadd.s32 $0xFFFFFFB0  }
0x5f: {  	[spmem:s3] =	stream.indirect.scatter.add.f32 [tilespmem:s0], [sflag:$0x8], $0x80, s28, s2, $0xb8;
	[tilespmem:$0x1E100] =	vst v63  }
0x60: {  	_ =	swait.ge [sflag:s16], $0x2800  }
0x61: {  	[sflag:s16] =	ssyncset.done $0x0  }
0x62: {  	[sflag:s16] =	ssyncadd.s32 $0xFFFFD800  }
0x63: {  	[tilespmem:s28], [sflag:$0x2] =	stream.linear.gather [hbm4b:s19+s4], $0x50, $0x38;
	[tilespmem:$0x1E100] =	vst v63  }
0x64: {  	s6 =	simm.s32 $0x14140  }
0x65: {  	[tilespmem:s0], [sflag:$0x5] =	stream.indirect.gather [hbm4b:s1+s2], $0x80, s6, s2, $0xb8;
	[tilespmem:$0x1E100] =	vst v63  }
0x66: {  	_ =	swait.ge [sflag:s17], $0x2800  }
0x67: {  	[sflag:s17] =	ssyncset.done $0x0  }
0x68: {  	[sflag:s17] =	ssyncadd.s32 $0xFFFFD800  }
0x69: {  	_ =	swait.ge [sflag:s21], $0x50  }
0x6a: {  	[sflag:s21] =	ssyncset.done $0x0  }
0x6b: {  	[sflag:s21] =	ssyncadd.s32 $0xFFFFFFB0  }
0x6c: {  	[spmem:s3] =	stream.indirect.scatter.add.f32 [tilespmem:s9], [sflag:$0x9], $0x80, s8, s2, $0xb8;
	[tilespmem:$0x1E100] =	vst v63  }
0x6d: {  	_ =	swait.ge [sflag:s22], $0x2800  }
0x6e: {  	[sflag:s22] =	ssyncset.done $0x0  }
0x6f: {  	s7 =	rddreg [dreg:$0xf];
	[sflag:s22] =	ssyncadd.s32 $0xFFFFD800  }
0x70: {  	[tilespmem:s8], [sflag:$0x3] =	stream.linear.gather [hbm4b:s7+s4], $0x50, $0x38;
	[tilespmem:$0x1E100] =	vst v63  }
0x71: {  	s25 =	simm.s32 $0x14190  }
0x72: {  	[tilespmem:s9], [sflag:$0x6] =	stream.indirect.gather [hbm4b:s1+s2], $0x80, s25, s2, $0xb8;
	[tilespmem:$0x1E100] =	vst v63  }
0x73: {  	_ =	swait.ge [sflag:s11], $0x2800  }
0x74: {  	[sflag:s11] =	ssyncset.done $0x0  }
0x75: {  	[sflag:s11] =	ssyncadd.s32 $0xFFFFD800  }
0x76: {  	_ =	swait.ge [sflag:s12], $0x50  }
0x77: {  	s29 =	simm.s32 $0x3C0;
	s24 =	sadd.s32 $0xF0, s20;
	[sflag:s12] =	ssyncset.done $0x0  }
0x78: {  	s10 =	sadd.s32 $0x1E, s19;
	s25 =	sadd.s32 $0x1E, s7;
	[sflag:s12] =	ssyncadd.s32 $0xFFFFFFB0  }
.LBB2_2:
0x79: {  	[spmem:s3] =	stream.indirect.scatter.add.f32 [tilespmem:s26], [sflag:$0x7], $0x80, s31, s2, $0xb8;
	[tilespmem:$0x1E100] =	vst v63  }
0x7a: {  	s6 =	smov.u32 s29  }
0x7b: {  	p3 =	sne.s32 s29, $0x9240;
	s29 =	sadd.s32 $0x3C0, s29;
	_ =	swait.ge [sflag:s13], $0x2800  }
0x7c: {  	s7 =	sshrl.u32 s24, $0x3;
	[sflag:s13] =	ssyncset.done $0x0  }
0x7d: {  	s7 =	sadd.s32 s5, s7;
	s6 =	sshra.s32 s6, $0x2;
	[sflag:s13] =	ssyncadd.s32 $0xFFFFD800  }
0x7e: {  	[tilespmem:s31], [sflag:$0x1] =	stream.linear.gather [hbm4b:s7+s4], $0x50, $0x38;
	[tilespmem:$0x1E100] =	vst v63  }
0x7f: {  	s7 =	sadd.s32 $0x140F0, s6  }
0x80: {  	[tilespmem:s26], [sflag:$0x4] =	stream.indirect.gather [hbm4b:s1+s2], $0x80, s7, s2, $0xb8;
	[tilespmem:$0x1E100] =	vst v63  }
0x81: {  	_ =	swait.ge [sflag:s14], $0x2800  }
0x82: {  	[sflag:s14] =	ssyncset.done $0x0  }
0x83: {  	[sflag:s14] =	ssyncadd.s32 $0xFFFFD800  }
0x84: {  	_ =	swait.ge [sflag:s15], $0x50  }
0x85: {  	[sflag:s15] =	ssyncset.done $0x0  }
0x86: {  	[sflag:s15] =	ssyncadd.s32 $0xFFFFFFB0  }
0x87: {  	[spmem:s3] =	stream.indirect.scatter.add.f32 [tilespmem:s0], [sflag:$0x8], $0x80, s28, s2, $0xb8;
	[tilespmem:$0x1E100] =	vst v63  }
0x88: {  	_ =	swait.ge [sflag:s16], $0x2800  }
0x89: {  	[sflag:s16] =	ssyncset.done $0x0  }
0x8a: {  	[sflag:s16] =	ssyncadd.s32 $0xFFFFD800  }
0x8b: {  	[tilespmem:s28], [sflag:$0x2] =	stream.linear.gather [hbm4b:s10+s4], $0x50, $0x38;
	[tilespmem:$0x1E100] =	vst v63  }
0x8c: {  	s7 =	sadd.s32 $0x14140, s6  }
0x8d: {  	[tilespmem:s0], [sflag:$0x5] =	stream.indirect.gather [hbm4b:s1+s2], $0x80, s7, s2, $0xb8;
	[tilespmem:$0x1E100] =	vst v63  }
0x8e: {  	_ =	swait.ge [sflag:s17], $0x2800  }
0x8f: {  	[sflag:s17] =	ssyncset.done $0x0  }
0x90: {  	[sflag:s17] =	ssyncadd.s32 $0xFFFFD800  }
0x91: {  	_ =	swait.ge [sflag:s21], $0x50  }
0x92: {  	[sflag:s21] =	ssyncset.done $0x0  }
0x93: {  	[sflag:s21] =	ssyncadd.s32 $0xFFFFFFB0  }
0x94: {  	[spmem:s3] =	stream.indirect.scatter.add.f32 [tilespmem:s9], [sflag:$0x9], $0x80, s8, s2, $0xb8;
	[tilespmem:$0x1E100] =	vst v63  }
0x95: {  	_ =	swait.ge [sflag:s22], $0x2800  }
0x96: {  	[sflag:s22] =	ssyncset.done $0x0  }
0x97: {  	[sflag:s22] =	ssyncadd.s32 $0xFFFFD800  }
0x98: {  	[tilespmem:s8], [sflag:$0x3] =	stream.linear.gather [hbm4b:s25+s4], $0x50, $0x38;
	[tilespmem:$0x1E100] =	vst v63  }
0x99: {  	s6 =	sadd.s32 $0x14190, s6  }
0x9a: {  	[tilespmem:s9], [sflag:$0x6] =	stream.indirect.gather [hbm4b:s1+s2], $0x80, s6, s2, $0xb8;
	[tilespmem:$0x1E100] =	vst v63  }
0x9b: {  	_ =	swait.ge [sflag:s11], $0x2800  }
.Ltmp0:
0x9c: {  	[sflag:s11] =	ssyncset.done $0x0;
	(pc) =	sbr.rel @p3 .LBB2_2-.Ltmp0, $4  }
0x9d: {  	[sflag:s11] =	ssyncadd.s32 $0xFFFFD800  }
0x9e: {  	_ =	swait.ge [sflag:s12], $0x50  }
0x9f: {  	s24 =	sadd.s32 $0xF0, s24;
	[sflag:s12] =	ssyncset.done $0x0  }
0xa0: {  	s10 =	sadd.s32 $0x1E, s10;
	s25 =	sadd.s32 $0x1E, s25;
	[sflag:s12] =	ssyncadd.s32 $0xFFFFFFB0  }
0xa1: {  	[spmem:s3] =	stream.indirect.scatter.add.f32 [tilespmem:s26], [sflag:$0x7], $0x80, s31, s2, $0xb8;
	[tilespmem:$0x1E100] =	vst v63  }
0xa2: {  	_ =	swait.ge [sflag:s13], $0x2800  }
0xa3: {  	[sflag:s13] =	ssyncset.done $0x0  }
0xa4: {  	s6 =	rddreg [dreg:$0xb];
	[sflag:s13] =	ssyncadd.s32 $0xFFFFD800  }
0xa5: {  	[tilespmem:s31], [sflag:$0x1] =	stream.linear.gather [hbm4b:s6+s4], $0x50, $0x38;
	[tilespmem:$0x1E100] =	vst v63  }
0xa6: {  	s7 =	simm.s32 $0x16670  }
0xa7: {  	[tilespmem:s26], [sflag:$0x4] =	stream.indirect.gather [hbm4b:s1+s2], $0x80, s7, s2, $0xb8;
	[tilespmem:$0x1E100] =	vst v63  }
0xa8: {  	_ =	swait.ge [sflag:s14], $0x2800  }
0xa9: {  	[sflag:s14] =	ssyncset.done $0x0  }
0xaa: {  	[sflag:s14] =	ssyncadd.s32 $0xFFFFD800  }
0xab: {  	_ =	swait.ge [sflag:s15], $0x50  }
0xac: {  	[sflag:s15] =	ssyncset.done $0x0  }
0xad: {  	[sflag:s15] =	ssyncadd.s32 $0xFFFFFFB0  }
0xae: {  	[spmem:s3] =	stream.indirect.scatter.add.f32 [tilespmem:s0], [sflag:$0x8], $0x80, s28, s2, $0xb8;
	[tilespmem:$0x1E100] =	vst v63  }
0xaf: {  	_ =	swait.ge [sflag:s16], $0x2800  }
0xb0: {  	[sflag:s16] =	ssyncset.done $0x0  }
0xb1: {  	s10 =	rddreg [dreg:$0xc];
	[sflag:s16] =	ssyncadd.s32 $0xFFFFD800  }
0xb2: {  	[tilespmem:s28], [sflag:$0x2] =	stream.linear.gather [hbm4b:s10+s4], $0x50, $0x38;
	[tilespmem:$0x1E100] =	vst v63  }
0xb3: {  	s24 =	simm.s32 $0x166C0  }
0xb4: {  	[tilespmem:s0], [sflag:$0x5] =	stream.indirect.gather [hbm4b:s1+s2], $0x80, s24, s2, $0xb8;
	[tilespmem:$0x1E100] =	vst v63  }
0xb5: {  	_ =	swait.ge [sflag:s17], $0x2800  }
0xb6: {  	[sflag:s17] =	ssyncset.done $0x0  }
0xb7: {  	[sflag:s17] =	ssyncadd.s32 $0xFFFFD800  }
0xb8: {  	_ =	swait.ge [sflag:s21], $0x50  }
0xb9: {  	[sflag:s21] =	ssyncset.done $0x0  }
0xba: {  	[sflag:s21] =	ssyncadd.s32 $0xFFFFFFB0  }
0xbb: {  	[spmem:s3] =	stream.indirect.scatter.add.f32 [tilespmem:s9], [sflag:$0x9], $0x80, s8, s2, $0xb8;
	[tilespmem:$0x1E100] =	vst v63  }
0xbc: {  	_ =	swait.ge [sflag:s11], $0x2800  }
0xbd: {  	[sflag:s11] =	ssyncset.done $0x0  }
0xbe: {  	[sflag:s11] =	ssyncadd.s32 $0xFFFFD800  }
0xbf: {  	_ =	swait.ge [sflag:s12], $0x50  }
0xc0: {  	[sflag:s12] =	ssyncset.done $0x0  }
0xc1: {  	[sflag:s12] =	ssyncadd.s32 $0xFFFFFFB0  }
0xc2: {  	[spmem:s3] =	stream.indirect.scatter.add.f32 [tilespmem:s26], [sflag:$0x7], $0x80, s31, s2, $0xb8;
	[tilespmem:$0x1E100] =	vst v63  }
0xc3: {  	_ =	swait.ge [sflag:s14], $0x2800  }
0xc4: {  	[sflag:s14] =	ssyncset.done $0x0  }
0xc5: {  	[sflag:s14] =	ssyncadd.s32 $0xFFFFD800  }
0xc6: {  	_ =	swait.ge [sflag:s15], $0x50  }
0xc7: {  	[sflag:s15] =	ssyncset.done $0x0  }
0xc8: {  	[sflag:s15] =	ssyncadd.s32 $0xFFFFFFB0  }
0xc9: {  	[spmem:s3] =	stream.indirect.scatter.add.f32 [tilespmem:s0], [sflag:$0x8], $0x80, s28, s2, $0xb8;
	[tilespmem:$0x1E100] =	vst v63  }
0xca: {  	_ =	swait.ge [sflag:s22], $0x2800  }
0xcb: {  	[sflag:s22] =	ssyncset.done $0x0  }
0xcc: {  	[sflag:s22] =	ssyncadd.s32 $0xFFFFD800  }
0xcd: {  	_ =	swait.ge [sflag:s13], $0x2800  }
0xce: {  	[sflag:s13] =	ssyncset.done $0x0  }
0xcf: {  	[sflag:s13] =	ssyncadd.s32 $0xFFFFD800  }
0xd0: {  	_ =	swait.ge [sflag:s16], $0x2800  }
0xd1: {  	[sflag:s16] =	ssyncset.done $0x0  }
0xd2: {  	s25 =	stileid.u32;
	[sflag:s16] =	ssyncadd.s32 $0xFFFFD800  }
0xd3: {  	s6 =	sshll.u32 s25, $0x6;
	[bflag:$0x0] =	sbarrier.arrive $0xFFFF  }
0xd4: {  	s6 =	sor.u32 $0x1C0A, s6;
	s7 =	sshrl.u32 s18, $0x3;
	s10 =	rddreg [dreg:$0xd]  }
0xd5: {  	[hbm:s10], [sflag:s6] =	dma.local [spmem:s7], $0x2800  }
0xd6: {  	_ =	swait.ge [sflag:s30], $0x2800  }
0xd7: {  	s23 =	sadd.s32 $0x1, s23;
	s29 =	rddreg [dreg:$0xe]  }
0xd8: {  	p3 =	sne.s32 s23, s29  }
.Ltmp1:
0xd9: {  	_ = 	snop;
	(pc) =	sbr.rel @p3 .LBB2_1-.Ltmp1, $3  }
0xda: {  	_ =	sdelay $0x1  }
0xdb: {  	[sflag:s30] =	ssyncset.done $0x0  }
0xdc: {  	s25 =	smov.u32 s18;
	[sflag:s30] =	ssyncadd.s32 $0xFFFFD800  }
0xdd: {  	_ =	sfence.sel $0x180000  }
0xde: {  	[bflag:$0x0] =	sbarrier.arrive $0xFFFF  }
0xdf: {  	_ =	strace $0x9000004A  }
0xe0: {  	s0 =	stileid.u32;
	[bflag:$0x2] =	sbarrier.arrive $0xFFFF  }
0xe1: {  	p0 =	sne.s32 s0, $0x0;
	s0 =	rddreg [dreg:$0x3]  }
0xe2: {  	s0 =	sadd.s32 @!p0 $0x100000, s0  }
0xe3: {  	[sflag:s0] =	ssyncadd.tile.s32 @!p0 $0x1;
	_ =	shalt  }
.Lfunc_end2:
_tile_overlayer_lowered:
.L_overlay_start_2:
0xe4: {  	(tag) =	ssettag $0x2  }
0xe5: {  	s0 =	rddreg [dreg:$0x0];
	s2 =	stileid.u32  }
0xe6: {  	s1 =	rddreg [dreg:$0x1];
	p0 =	sne.s32 s2, $0x0  }
0xe7: {  	s3 =	rddreg [dreg:$0x2];
	[bflag:$0x3] =	sbarrier.arrive $0xFFFF;
	s2 =	simm.s32 @!p0 $0x1C0A  }
0xe8: {  	[timem:s3], [sflag:s2] =	dma.local @!p0 [hbm:s0], s1  }
0xe9: {  	s0 =	simm.s32 @!p0 $0xA  }
0xea: {  	_ =	swait.ge @!p0 [sflag:s0], s1  }
0xeb: {  	s1 =	ssub.s32 @!p0 $0x0, s1;
	[sflag:s0] =	ssyncset.done @!p0 $0x0  }
0xec: {  	[sflag:s0] =	ssyncadd.s32 @!p0 s1  }
0xed: {  	[bflag:$0x3] =	sbarrier.arrive $0xFFFF  }
0xee: {  	_ =	shalt  }

// kernel: kernel.14.cloned.1.call-start
scs
__scs_entry_jumppad:
0x0: {  	(pc) =	sbr.rel $0x88, $3  }
0x1: {  	(tag) =	ssettag $0x0;
	lr =	simm.s32 $0x1  }
0x2: {  	[smem:$0x3F9B] =	sst lr;
	_ =	strace $0xD0000000  }
0x3: {  	_ = 	snop  }
0x4: {  	_ = 	snop  }
0x5: {  	_ = 	snop  }
0x6: {  	_ = 	snop  }
0x7: {  	_ = 	snop  }
__scs_overlays_trampoline_lowered:
0x8: {  	[smem:$0x3FAA] =	sst s0  }
0x9: {  	[smem:$0x3FAB] =	sst s1  }
0xa: {  	[smem:$0x3FAC] =	sst s2  }
0xb: {  	[smem:$0x3FAD] =	sst s3  }
0xc: {  	[smem:$0x3FAE] =	sst s4  }
0xd: {  	[smem:$0x3FAF] =	sst s5  }
0xe: {  	[smem:$0x3FB0] =	sst s6  }
0xf: {  	[smem:$0x3FB1] =	sst s7  }
0x10: {  	[smem:$0x3FB2] =	sst s8  }
0x11: {  	[smem:$0x3FB3] =	sst s9;
	s0 =	simm.s32 @!p0 $0x0  }
0x12: {  	s1 =	sld [smem:$0x3F99];
	s0 =	simm.s32 @p0 $0x1  }
0x13: {  	[smem:$0x3FB4] =	sst s0;
	s0 =	simm.s32 @!p1 $0x0  }
0x14: {  	s2 =	sld [smem:$0x3F98];
	s0 =	simm.s32 @p1 $0x1  }
0x15: {  	[smem:$0x3FB5] =	sst s0;
	s0 =	simm.s32 @!p2 $0x0  }
0x16: {  	s3 =	sld [smem:$0x3FDB];
	s0 =	simm.s32 @p2 $0x1  }
0x17: {  	s4 =	simm.s32 $0x1BF5;
	[smem:$0x3FB7] =	sst s0  }
0x18: {  	s0 =	sld [smem:$0x3F9A];
	_ =	swait.ge [sflag:s4], $0x0  }
0x19: {  	s7 =	sld [smem:$0x3F9B]  }
0x1a: {  	s8 =	sadd.s32 $0xFFFFE003, lr  }
0x1b: {  	s9 =	sadd.s32 $0xFFFFFEF7, lr;
	s5 =	simm.s32 $0xFFFFFFFF;
	p2 =	slt.u32 s8, $0xFFFFF086  }
0x1c: {  	p1 =	slt.u32 s9, $0xF7A;
	s5 =	simm.s32 @!p2 $0x0  }
0x1d: {  	s5 =	simm.s32 @p1 $0x1;
	p0 =	seq.s32 s7, s2  }
0x1e: {  	s7 =	smul.u32 @!p0 $0xF7A, s2;
	p2 =	seq.s32 @!p0 s5, $0x0  }
0x1f: {  	s9 =	smul.u32 $0xF7A, s1;
	s8 =	simm.s32 @!p0 $0x1BF5;
	p2 =	por !p2, p0  }
0x20: {  	[sflag:s8] =	ssyncset.s32 @!p0 $0xFFFFF086;
	s6 =	sadd.s32 @!p0 s3, s7;
	s7 =	simm.s32 @!p0 $0x108  }
0x21: {  	s3 =	sadd.s32 s3, s9;
	s6 =	sadd.s32 @!p0 $0x88, s6;
	s7 =	simm.s32 @p2 $0x1082  }
0x22: {  	[simem:s7], [sflag:s8] =	dma.local @!p0 [hbm:s6], $0xF7A  }
0x23: {  	s9 =	sor.u32 $0xD0000000, s2;
	s6 =	simm.s32 $0x108;
	_ =	swait.ge @!p0 [sflag:s8], $0x0  }
0x24: {  	s3 =	sadd.s32 $0x88, s3;
	s6 =	simm.s32 @!p1 $0x1082;
	[sflag:s4] =	ssyncset.s32 $0xFFFFF086  }
0x25: {  	[simem:s6], [sflag:s4] =	dma.local [hbm:s3], $0xF7A  }
0x26: {  	[smem:$0x3F9B] =	sst s1;
	(tag) =	ssettag s2;
	_ =	strace s9  }
0x27: {  	s1 =	sld [smem:$0x3FAB]  }
0x28: {  	s2 =	sld [smem:$0x3FAC]  }
0x29: {  	s4 =	sld [smem:$0x3FAE]  }
0x2a: {  	p0 =	seq.s32 s5, $0x0;
	s5 =	sld [smem:$0x3FAF]  }
0x2b: {  	s6 =	sld [smem:$0x3FB0]  }
0x2c: {  	s7 =	sld [smem:$0x3FB1]  }
0x2d: {  	s3 =	simm.s32 $0x108;
	s8 =	sld [smem:$0x3FB2]  }
0x2e: {  	s3 =	simm.s32 @!p0 $0x1082;
	s9 =	sld [smem:$0x3FB3]  }
0x2f: {  	lr =	sadd.s32 s0, s3;
	s0 =	sld [smem:$0x3FAA]  }
0x30: {  	s3 =	sld [smem:$0x3FAD]  }
0x31: {  	[smem:$0x3FB6] =	sst s10  }
0x32: {  	s10 =	sld [smem:$0x3FB4];
	_ =	sdelay $0x3  }
0x33: {  	p0 =	seq.s32 s10, $0x1;
	s10 =	sld [smem:$0x3FB6];
	_ =	sdelay $0x3  }
0x34: {  	[smem:$0x3FB6] =	sst s10  }
0x35: {  	s10 =	sld [smem:$0x3FB5];
	_ =	sdelay $0x3  }
0x36: {  	p1 =	seq.s32 s10, $0x1;
	s10 =	sld [smem:$0x3FB6];
	_ =	sdelay $0x3  }
0x37: {  	[smem:$0x3FB6] =	sst s10  }
0x38: {  	s10 =	sld [smem:$0x3FB7]  }
0x39: {  	_ = 	snop;
	(pc) =	sbr.ind lr, $3  }
0x3a: {  	_ = 	snop  }
0x3b: {  	_ = 	snop  }
0x3c: {  	p2 =	seq.s32 s10, $0x1;
	s10 =	sld [smem:$0x3FB6]  }
0x3d: {  	_ =	shalt  }
0x3e: {  	_ =	shalt  }
0x3f: {  	_ =	shalt  }
0x40: {  	_ =	shalt  }
0x41: {  	_ =	shalt  }
0x42: {  	_ =	shalt  }
0x43: {  	_ =	shalt  }
0x44: {  	_ =	shalt  }
0x45: {  	_ =	shalt  }
0x46: {  	_ =	shalt  }
0x47: {  	_ =	shalt  }
0x48: {  	_ =	shalt  }
0x49: {  	_ =	shalt  }
0x4a: {  	_ =	shalt  }
0x4b: {  	_ =	shalt  }
0x4c: {  	_ =	shalt  }
0x4d: {  	_ =	shalt  }
0x4e: {  	_ =	shalt  }
0x4f: {  	_ =	shalt  }
0x50: {  	_ =	shalt  }
0x51: {  	_ =	shalt  }
0x52: {  	_ =	shalt  }
0x53: {  	_ =	shalt  }
0x54: {  	_ =	shalt  }
0x55: {  	_ =	shalt  }
0x56: {  	_ =	shalt  }
0x57: {  	_ =	shalt  }
0x58: {  	_ =	shalt  }
0x59: {  	_ =	shalt  }
0x5a: {  	_ =	shalt  }
0x5b: {  	_ =	shalt  }
0x5c: {  	_ =	shalt  }
0x5d: {  	_ =	shalt  }
0x5e: {  	_ =	shalt  }
0x5f: {  	_ =	shalt  }
0x60: {  	_ =	shalt  }
0x61: {  	_ =	shalt  }
0x62: {  	_ =	shalt  }
0x63: {  	_ =	shalt  }
0x64: {  	_ =	shalt  }
0x65: {  	_ =	shalt  }
0x66: {  	_ =	shalt  }
0x67: {  	_ =	shalt  }
0x68: {  	_ =	shalt  }
0x69: {  	_ =	shalt  }
0x6a: {  	_ =	shalt  }
0x6b: {  	_ =	shalt  }
0x6c: {  	_ =	shalt  }
0x6d: {  	_ =	shalt  }
0x6e: {  	_ =	shalt  }
0x6f: {  	_ =	shalt  }
0x70: {  	_ =	shalt  }
0x71: {  	_ =	shalt  }
0x72: {  	_ =	shalt  }
0x73: {  	_ =	shalt  }
0x74: {  	_ =	shalt  }
0x75: {  	_ =	shalt  }
0x76: {  	_ =	shalt  }
0x77: {  	_ =	shalt  }
0x78: {  	_ =	shalt  }
0x79: {  	_ =	shalt  }
0x7a: {  	_ =	shalt  }
0x7b: {  	_ =	shalt  }
0x7c: {  	_ =	shalt  }
0x7d: {  	_ =	shalt  }
0x7e: {  	_ =	shalt  }
0x7f: {  	_ =	shalt  }
0x80: {  	_ =	shalt  }
0x81: {  	_ =	shalt  }
0x82: {  	_ =	shalt  }
0x83: {  	_ =	shalt  }
0x84: {  	_ =	shalt  }
0x85: {  	_ =	shalt  }
0x86: {  	_ =	shalt  }
0x87: {  	_ =	shalt  }
.Lfunc_end0:
.L_simem_size_0:
called_computation.2_lowered:
.L_overlay_start_0:
0x88: {  	s2 =	sld [smem:$0x3FD9]  }
0x89: {  	s3 =	sld [smem:$0x3FFE];
	_ =	sdelay $0x1  }
0x8a: {  	s1 =	srdreg.scid  }
0x8b: {  	s0 =	sand.u32 $0x1, s1  }
0x8c: {  	s17 =	sshll.u32 s0, $0xA;
	s2 =	sadd.s32 s3, s2  }
0x8d: {  	s2 =	sadd.s32 s2, s17  }
0x8e: {  	[smem:$0x3FC2] =	sst s2  }
0x8f: {  	_ = 	snop  }
0x90: {  	s2 =	sld [smem:$0x3FD0];
	(tm) =	ssettm $0x1  }
0x91: {  	s18 =	sld [smem:$0x3FFB];
	_ =	sdelay $0x3  }
0x92: {  	_ =	strace s18  }
0x93: {  	s3 =	sld [smem:$0x3FFC];
	_ =	sdelay $0x3  }
0x94: {  	_ =	strace s3  }
0x95: {  	s3 =	sld [smem:$0x3FFD];
	_ =	sdelay $0x3  }
0x96: {  	_ =	strace s3  }
0x97: {  	_ =	strace $0x8FFFFFFF  }
0x98: {  	s19 =	sld [smem:$0x3FDB];
	_ =	sdelay $0x1  }
0x99: {  	s4 =	simm.s32 $_scs_section_size  }
0x9a: {  	s5 =	simm.s32 $_size__tile_overlayer_lowered;
	s6 =	simm.s32 $_tile_overlayer_lowered  }
0x9b: {  	s22 =	simm.s32 $0x1BFF;
	s21 =	sshll.u32 s6, $0x1;
	s3 =	sadd.s32 s4, s19  }
0x9c: {  	s7 =	simm.s32 $0x0;
	s20 =	sshll.u32 s5, $0x1;
	s5 =	sadd.s32 s21, s3  }
0x9d: {  	[timem:s7], [sflag:s22] =	dma.local [hbm:s5], s20  }
0x9e: {  	_ =	swait.ge [sflag:s22], s20  }
0x9f: {  	s4 =	ssub.s32 $0x0, s20;
	[sflag:s22] =	ssyncset.done $0x0  }
0xa0: {  	[sflag:s22] =	ssyncadd.s32 s4;
	_ =	sdelay $0x1  }
0xa1: {  	s23 =	simm.s32 $0x1B8B  }
0xa2: {  	_ =	swait.ge [sflag:s23], $0x1  }
0xa3: {  	[sflag:s23] =	ssyncset.done $0x0  }
0xa4: {  	s25 =	simm.s32 $0x1B8E;
	s24 =	sld [smem:$0x3FFE];
	[sflag:s23] =	ssyncadd.s32 $0xFFFFFFFF  }
0xa5: {  	s26 =	simm.s32 $execute0_lowered;
	[smem:$0x3FD2] =	sst s25  }
0xa6: {  	s5 =	sshll.u32 s26, $0x1;
	_ =	strace $0x8000004C;
	[dreg:$0x1] =	wrdreg $0xFFFFFFFF  }
0xa7: {  	s28 =	simm.s32 $_size_execute0_lowered;
	s3 =	sadd.s32 s3, s5;
	[dreg:$0x0] =	wrdreg $0x0  }
0xa8: {  	s5 =	sshll.u32 s28, $0x1;
	[dreg:$0x2] =	wrdreg s3  }
0xa9: {  	[dreg:$0x3] =	wrdreg s5  }
0xaa: {  	[dreg:$0x4] =	wrdreg $0xC0  }
0xab: {  	_ =	task [dreg:s7], $0x5FFFF  }
0xac: {  	[dreg:$0x1] =	wrdreg $0xFFFFFFFF  }
0xad: {  	[dreg:$0x0] =	wrdreg $0x60  }
0xae: {  	[dreg:$0x2] =	wrdreg s2  }
0xaf: {  	[dreg:$0x3] =	wrdreg s24  }
0xb0: {  	[dreg:$0x4] =	wrdreg $0x0  }
0xb1: {  	[dreg:$0x5] =	wrdreg $0x9  }
0xb2: {  	_ =	task.clear_ibuf [dreg:s7], $0x6FFFF;
	_ =	strace $0x9000004C  }
0xb3: {  	s29 =	simm.s32 $0x9;
	_ =	strace $0x8000004E  }
0xb4: {  	_ =	swait.ge [sflag:s29], $0x1  }
0xb5: {  	[sflag:s29] =	ssyncadd.s32 $0xFFFFFFFF  }
0xb6: {  	_ =	strace $0x9000004E  }
0xb7: {  	_ =	sfence  }
0xb8: {  	s30 =	sld [smem:$0x0];
	_ =	sdelay $0x2  }
0xb9: {  	s31 =	sshll.u32 s1, $0xD;
	s1 =	sshrl.u32 s1, $0x2  }
0xba: {  	s3 =	sand.u32 $0x4000, s31;
	s1 =	sadd.s32 s1, s30  }
0xbb: {  	s0 =	sor.u32 s3, s0;
	s1 =	sshll.u32 s1, $0x11  }
0xbc: {  	s0 =	sor.u32 s1, s0  }
0xbd: {  	s0 =	sadd.s32 $0x8F2B, s0  }
0xbe: {  	[sflag:s0] =	ssyncadd.remote.s32 $0x1  }
0xbf: {  	_ =	sfence.sel $0xFFFF  }
0xc0: {  	[dreg:$0x0] =	wrdreg $0xFFFFFFFF;
	(pc) =	sbr.abs _section_cstart, $3  }
0xc1: {  	[dreg:$0x1] =	wrdreg $0xFFFFFFFF  }
0xc2: {  	_ =	task.clear_ibuf [dreg:s7], $0x2FFFF;
	_ =	strace $0x9FFFFFFF  }
0xc3: {  	(tm) =	ssettm $0x7FFFFFFF  }
tec
execute0_lowered:
.L_overlay_start_1:
0x0: {  	(tag) =	ssettag $0x1  }
0x1: {  	s0 =	srdreg.scid;
	s1 =	rddreg [dreg:$0x0]  }
0x2: {  	s14 =	stileid.u32;
	s7 =	rddreg [dreg:$0x1];
	s30 =	simm.s32 $0xA  }
0x3: {  	s31 =	simm.s32 $0x16780;
	s28 =	simm.s32 $0x16800;
	s9 =	smul.u32 $0x14000, s14  }
0x4: {  	s0 =	sand.u32 $0x1, s0;
	s2 =	sshll.u32 s14, $0x1;
	s11 =	smul.u32 $0x50000, s14  }
0x5: {  	s3 =	sshrl.u32 s14, $0x2;
	s26 =	sadd.s32 $0x16C00, s7;
	s20 =	smul.u32 $0x4E20, s14  }
0x6: {  	p0 =	sne.s32 s14, $0xF;
	p2 =	seq.s32 s14, $0xF;
	s5 =	smul.u32 $0x13C00, s3  }
0x7: {  	s15 =	sadd.s32 $0x25800, s1;
	s2 =	sor.u32 s0, s2;
	s6 =	smul.u32 $0x140000, s0  }
0x8: {  	s3 =	rddreg [dreg:$0x2];
	s29 =	ssub.s32 $0x2, s0;
	p1 =	seq.s32 s0, $0x0  }
0x9: {  	s23 =	smul.u32 $0x2710, s0;
	s4 =	sshll.u32 s2, $0x7;
	s10 =	sshrl.u32 s29, $0x1  }
0xa: {  	p0 =	por !p1, !p0;
	p1 =	por !p1, !p2;
	s2 =	smul.u32 $0x2710, s2  }
0xb: {  	s12 =	sadd.s32 $0x12C000, s3;
	s13 =	sadd.s32 $0x138800, s3;
	s8 =	sand.u32 $0x380, s4  }
0xc: {  	s4 =	simm.s32 $0x0;
	s6 =	sadd.s32 s9, s6;
	s10 =	ssub.s32 s29, s10  }
0xd: {  	p0 =	por !p0, !p0;
	p2 =	por !p1, !p1;
	s5 =	sor.u32 s5, s8  }
0xe: {  	[smem:$0x7FF] =	sst s4;
	s9 =	sshrl.u32 s6, $0x3;
	s6 =	sshrl.u32 s11, $0x2  }
0xf: {  	s2 =	sshrl.u32 s2, $0x3;
	p1 =	por p2, p0;
	s11 =	simm.s32 $0x4  }
0x10: {  	s5 =	sshrl.u32 s5, $0x3;
	_ =	strace $0x8000004D;
	[dreg:$0x4] =	wrdreg s26  }
0x11: {  	s9 =	sadd.s32 s9, s7;
	s25 =	sadd.s32 s6, s3;
	[dreg:$0x5] =	wrdreg s15  }
0x12: {  	s26 =	smax.u32 s10, $0x1;
	p1 =	seq.s32 @!p1 s0, $0x0;
	s15 =	simm.s32 $0x2  }
0x13: {  	s24 =	sadd.s32 s5, s7;
	s5 =	sadd.s32 $0x2200, s7;
	s7 =	smul.u32 $0x2800, s14  }
0x14: {  	[dreg:$0xe] =	wrdreg s26;
	p1 =	por @!p0 p1, p2;
	p2 =	por !p2, p0  }
0x15: {  	s26 =	simm.s32 $0x16900;
	s17 =	sadd.s32 s5, s2;
	s18 =	sadd.s32 $0xCE00, s24  }
0x16: {  	s24 =	sadd.s32 $0x19400, s9;
	s2 =	sadd.s32 s23, s20;
	[dreg:$0x8] =	wrdreg s18  }
0x17: {  	p1 =	por p1, p0;
	s9 =	simm.s32 $0x1B900;
	[dreg:$0x7] =	wrdreg s17  }
0x18: {  	s23 =	simm.s32 $0x0;
	s16 =	sadd.s32 s1, s7;
	[dreg:$0xd] =	wrdreg s24  }
0x19: {  	s19 =	sadd.s32 $0xA, s17;
	s21 =	sadd.s32 $0x14, s17;
	[dreg:$0x6] =	wrdreg s16  }
0x1a: {  	s22 =	sadd.s32 $0x4CE, s17;
	s6 =	sadd.s32 $0x4D8, s17;
	[dreg:$0x9] =	wrdreg s19  }
0x1b: {  	s29 =	sadd.s32 $0x190, s2;
	s8 =	sadd.s32 $0x140, s2;
	[dreg:$0xa] =	wrdreg s21  }
0x1c: {  	s20 =	sadd.s32 $0xF0, s2;
	s2 =	sshrl.u32 @!p2 s13, $0x3;
	[dreg:$0xb] =	wrdreg s22  }
0x1d: {  	s13 =	simm.s32 $0x7;
	[dreg:$0xc] =	wrdreg s6;
	s0 =	sshrl.u32 s29, $0x3  }
0x1e: {  	s17 =	simm.s32 $0x6;
	[dreg:$0x13] =	wrdreg s2;
	s0 =	sadd.s32 s0, s5  }
0x1f: {  	s8 =	sshrl.u32 s8, $0x3;
	[dreg:$0xf] =	wrdreg s0;
	s0 =	sshll.u32 @!p1 s14, $0x6  }
0x20: {  	s2 =	simm.s32 $0x50;
	s16 =	simm.s32 $0x8;
	s0 =	sor.u32 @!p1 $0x1C0A, s0  }
0x21: {  	s21 =	simm.s32 $0x3;
	[dreg:$0x10] =	wrdreg s0;
	s0 =	sshrl.u32 @!p1 s25, $0x3  }
0x22: {  	s22 =	simm.s32 $0x9;
	[dreg:$0x11] =	wrdreg s0;
	s0 =	sshrl.u32 @!p2 s12, $0x3  }
0x23: {  	s19 =	sadd.s32 s8, s5;
	[dreg:$0x12] =	wrdreg s0;
	s0 =	sshll.u32 @p0 s14, $0x6  }
0x24: {  	s8 =	simm.s32 $0x16880;
	s12 =	simm.s32 $0x1;
	s0 =	sor.u32 @p0 $0x1C0A, s0  }
0x25: {  	s14 =	simm.s32 $0x5;
	[dreg:$0x14] =	wrdreg s0;
	s0 =	simm.s32 $0x19100  }
.LBB2_1:
0x26: {  	s6 =	rddreg [dreg:$0x4]  }
0x27: {  	s7 =	rddreg [dreg:$0x10]  }
0x28: {  	s10 =	rddreg [dreg:$0x11]  }
0x29: {  	[spmem:s10], [sflag:s7] =	dma.local @!p1 [hbm:s6], $0x2800  }
0x2a: {  	s10 =	simm.s32 @!p1 $0xA  }
0x2b: {  	_ =	swait.ge @!p1 [sflag:s10], $0x2800  }
0x2c: {  	s24 =	simm.s32 @!p2 $0xA;
	[sflag:s10] =	ssyncset.done @!p1 $0x0;
	s7 =	rddreg [dreg:$0x5]  }
0x2d: {  	s18 =	rddreg [dreg:$0x12];
	[sflag:s10] =	ssyncadd.s32 @!p1 $0xFFFFD800;
	s10 =	simm.s32 @!p2 $0x1FCA  }
0x2e: {  	[spmem:s18], [sflag:s10] =	dma.local @!p2 [hbm:s7], $0x1900  }
0x2f: {  	_ =	swait.ge @!p2 [sflag:s24], $0x1900  }
0x30: {  	[sflag:s24] =	ssyncset.done @!p2 $0x0  }
0x31: {  	s7 =	rddreg [dreg:$0x13];
	[sflag:s24] =	ssyncadd.s32 @!p2 $0xFFFFE700  }
0x32: {  	[spmem:s7], [sflag:s10] =	dma.local @!p2 [hbm:s6], $0xF00  }
0x33: {  	_ =	swait.ge @!p2 [sflag:s24], $0xF00  }
0x34: {  	[sflag:s24] =	ssyncset.done @!p2 $0x0;
	s6 =	rddreg [dreg:$0x6]  }
0x35: {  	s10 =	sshrl.u32 @p0 s25, $0x3;
	s7 =	rddreg [dreg:$0x14];
	[sflag:s24] =	ssyncadd.s32 @!p2 $0xFFFFF100  }
0x36: {  	[spmem:s10], [sflag:s7] =	dma.local @p0 [hbm:s6], $0x2800  }
0x37: {  	s10 =	simm.s32 @p0 $0xA  }
0x38: {  	s18 =	smov.u32 s25;
	_ =	swait.ge @p0 [sflag:s10], $0x2800  }
0x39: {  	s25 =	simm.s32 $0x14000;
	s24 =	simm.s32 $0x400;
	[sflag:s10] =	ssyncset.done @p0 $0x0  }
0x3a: {  	s7 =	rddreg [dreg:$0x8];
	[sflag:s10] =	ssyncadd.s32 @p0 $0xFFFFD800;
	s10 =	simm.s32 $0x80  }
0x3b: {  	[tilespmem:s25], [sflag:$0xA] =	stream.strided.gather [hbm4b:s7+s10], $0x2780, s24, s10, $0x38;
	[tilespmem:$0x1E100] =	vst v63  }
0x3c: {  	_ =	swait.ge [sflag:s30], $0x2780  }
0x3d: {  	[sflag:s30] =	ssyncset.done $0x0  }
0x3e: {  	[sflag:s30] =	ssyncadd.s32 $0xFFFFD880  }
0x3f: {  	[bflag:$0x0] =	sbarrier.arrive $0xFFFF  }
0x40: {  	s10 =	rddreg [dreg:$0x7]  }
0x41: {  	[tilespmem:s31], [sflag:$0x1] =	stream.linear.gather [hbm4b:s10+s4], $0x50, $0x38;
	[tilespmem:$0x1E100] =	vst v63  }
0x42: {  	_ = 	snop  }
0x43: {  	[tilespmem:s26], [sflag:$0x4] =	stream.indirect.gather [hbm4b:s1+s2], $0x80, s25, s2, $0xb8;
	[tilespmem:$0x1E100] =	vst v63  }
0x44: {  	s24 =	rddreg [dreg:$0x9]  }
0x45: {  	[tilespmem:s28], [sflag:$0x2] =	stream.linear.gather [hbm4b:s24+s4], $0x50, $0x38;
	[tilespmem:$0x1E100] =	vst v63  }
0x46: {  	s25 =	simm.s32 $0x14050  }
0x47: {  	[tilespmem:s0], [sflag:$0x5] =	stream.indirect.gather [hbm4b:s1+s2], $0x80, s25, s2, $0xb8;
	[tilespmem:$0x1E100] =	vst v63  }
0x48: {  	s7 =	rddreg [dreg:$0xa]  }
0x49: {  	[tilespmem:s8], [sflag:$0x3] =	stream.linear.gather [hbm4b:s7+s4], $0x50, $0x38;
	[tilespmem:$0x1E100] =	vst v63  }
0x4a: {  	s10 =	simm.s32 $0x140A0  }
0x4b: {  	[tilespmem:s9], [sflag:$0x6] =	stream.indirect.gather [hbm4b:s1+s2], $0x80, s10, s2, $0xb8;
	[tilespmem:$0x1E100] =	vst v63  }
0x4c: {  	_ =	swait.ge [sflag:s11], $0x2800  }
0x4d: {  	[sflag:s11] =	ssyncset.done $0x0  }
0x4e: {  	[sflag:s11] =	ssyncadd.s32 $0xFFFFD800  }
0x4f: {  	_ =	swait.ge [sflag:s12], $0x50  }
0x50: {  	[sflag:s12] =	ssyncset.done $0x0  }
0x51: {  	[sflag:s12] =	ssyncadd.s32 $0xFFFFFFB0  }
0x52: {  	[spmem:s3] =	stream.indirect.scatter.add.f32 [tilespmem:s26], [sflag:$0x7], $0x80, s31, s2, $0xb8;
	[tilespmem:$0x1E100] =	vst v63  }
0x53: {  	_ =	swait.ge [sflag:s13], $0x2800  }
0x54: {  	s24 =	sshrl.u32 s20, $0x3;
	[sflag:s13] =	ssyncset.done $0x0  }
0x55: {  	s10 =	sadd.s32 s5, s24;
	[sflag:s13] =	ssyncadd.s32 $0xFFFFD800  }
0x56: {  	[tilespmem:s31], [sflag:$0x1] =	stream.linear.gather [hbm4b:s10+s4], $0x50, $0x38;
	[tilespmem:$0x1E100] =	vst v63  }
0x57: {  	s25 =	simm.s32 $0x140F0  }
0x58: {  	[tilespmem:s26], [sflag:$0x4] =	stream.indirect.gather [hbm4b:s1+s2], $0x80, s25, s2, $0xb8;
	[tilespmem:$0x1E100] =	vst v63  }
0x59: {  	_ =	swait.ge [sflag:s14], $0x2800  }
0x5a: {  	[sflag:s14] =	ssyncset.done $0x0  }
0x5b: {  	[sflag:s14] =	ssyncadd.s32 $0xFFFFD800  }
0x5c: {  	_ =	swait.ge [sflag:s15], $0x50  }
0x5d: {  	[sflag:s15] =	ssyncset.done $0x0  }
0x5e: {  	[sflag:s15] =	ssyncadd.s32 $0xFFFFFFB0  }
0x5f: {  	[spmem:s3] =	stream.indirect.scatter.add.f32 [tilespmem:s0], [sflag:$0x8], $0x80, s28, s2, $0xb8;
	[tilespmem:$0x1E100] =	vst v63  }
0x60: {  	_ =	swait.ge [sflag:s16], $0x2800  }
0x61: {  	[sflag:s16] =	ssyncset.done $0x0  }
0x62: {  	[sflag:s16] =	ssyncadd.s32 $0xFFFFD800  }
0x63: {  	[tilespmem:s28], [sflag:$0x2] =	stream.linear.gather [hbm4b:s19+s4], $0x50, $0x38;
	[tilespmem:$0x1E100] =	vst v63  }
0x64: {  	s6 =	simm.s32 $0x14140  }
0x65: {  	[tilespmem:s0], [sflag:$0x5] =	stream.indirect.gather [hbm4b:s1+s2], $0x80, s6, s2, $0xb8;
	[tilespmem:$0x1E100] =	vst v63  }
0x66: {  	_ =	swait.ge [sflag:s17], $0x2800  }
0x67: {  	[sflag:s17] =	ssyncset.done $0x0  }
0x68: {  	[sflag:s17] =	ssyncadd.s32 $0xFFFFD800  }
0x69: {  	_ =	swait.ge [sflag:s21], $0x50  }
0x6a: {  	[sflag:s21] =	ssyncset.done $0x0  }
0x6b: {  	[sflag:s21] =	ssyncadd.s32 $0xFFFFFFB0  }
0x6c: {  	[spmem:s3] =	stream.indirect.scatter.add.f32 [tilespmem:s9], [sflag:$0x9], $0x80, s8, s2, $0xb8;
	[tilespmem:$0x1E100] =	vst v63  }
0x6d: {  	_ =	swait.ge [sflag:s22], $0x2800  }
0x6e: {  	[sflag:s22] =	ssyncset.done $0x0  }
0x6f: {  	s7 =	rddreg [dreg:$0xf];
	[sflag:s22] =	ssyncadd.s32 $0xFFFFD800  }
0x70: {  	[tilespmem:s8], [sflag:$0x3] =	stream.linear.gather [hbm4b:s7+s4], $0x50, $0x38;
	[tilespmem:$0x1E100] =	vst v63  }
0x71: {  	s25 =	simm.s32 $0x14190  }
0x72: {  	[tilespmem:s9], [sflag:$0x6] =	stream.indirect.gather [hbm4b:s1+s2], $0x80, s25, s2, $0xb8;
	[tilespmem:$0x1E100] =	vst v63  }
0x73: {  	_ =	swait.ge [sflag:s11], $0x2800  }
0x74: {  	[sflag:s11] =	ssyncset.done $0x0  }
0x75: {  	[sflag:s11] =	ssyncadd.s32 $0xFFFFD800  }
0x76: {  	_ =	swait.ge [sflag:s12], $0x50  }
0x77: {  	s29 =	simm.s32 $0x3C0;
	s24 =	sadd.s32 $0xF0, s20;
	[sflag:s12] =	ssyncset.done $0x0  }
0x78: {  	s10 =	sadd.s32 $0x1E, s19;
	s25 =	sadd.s32 $0x1E, s7;
	[sflag:s12] =	ssyncadd.s32 $0xFFFFFFB0  }
.LBB2_2:
0x79: {  	[spmem:s3] =	stream.indirect.scatter.add.f32 [tilespmem:s26], [sflag:$0x7], $0x80, s31, s2, $0xb8;
	[tilespmem:$0x1E100] =	vst v63  }
0x7a: {  	s6 =	smov.u32 s29  }
0x7b: {  	p3 =	sne.s32 s29, $0x9240;
	s29 =	sadd.s32 $0x3C0, s29;
	_ =	swait.ge [sflag:s13], $0x2800  }
0x7c: {  	s7 =	sshrl.u32 s24, $0x3;
	[sflag:s13] =	ssyncset.done $0x0  }
0x7d: {  	s7 =	sadd.s32 s5, s7;
	s6 =	sshra.s32 s6, $0x2;
	[sflag:s13] =	ssyncadd.s32 $0xFFFFD800  }
0x7e: {  	[tilespmem:s31], [sflag:$0x1] =	stream.linear.gather [hbm4b:s7+s4], $0x50, $0x38;
	[tilespmem:$0x1E100] =	vst v63  }
0x7f: {  	s7 =	sadd.s32 $0x140F0, s6  }
0x80: {  	[tilespmem:s26], [sflag:$0x4] =	stream.indirect.gather [hbm4b:s1+s2], $0x80, s7, s2, $0xb8;
	[tilespmem:$0x1E100] =	vst v63  }
0x81: {  	_ =	swait.ge [sflag:s14], $0x2800  }
0x82: {  	[sflag:s14] =	ssyncset.done $0x0  }
0x83: {  	[sflag:s14] =	ssyncadd.s32 $0xFFFFD800  }
0x84: {  	_ =	swait.ge [sflag:s15], $0x50  }
0x85: {  	[sflag:s15] =	ssyncset.done $0x0  }
0x86: {  	[sflag:s15] =	ssyncadd.s32 $0xFFFFFFB0  }
0x87: {  	[spmem:s3] =	stream.indirect.scatter.add.f32 [tilespmem:s0], [sflag:$0x8], $0x80, s28, s2, $0xb8;
	[tilespmem:$0x1E100] =	vst v63  }
0x88: {  	_ =	swait.ge [sflag:s16], $0x2800  }
0x89: {  	[sflag:s16] =	ssyncset.done $0x0  }
0x8a: {  	[sflag:s16] =	ssyncadd.s32 $0xFFFFD800  }
0x8b: {  	[tilespmem:s28], [sflag:$0x2] =	stream.linear.gather [hbm4b:s10+s4], $0x50, $0x38;
	[tilespmem:$0x1E100] =	vst v63  }
0x8c: {  	s7 =	sadd.s32 $0x14140, s6  }
0x8d: {  	[tilespmem:s0], [sflag:$0x5] =	stream.indirect.gather [hbm4b:s1+s2], $0x80, s7, s2, $0xb8;
	[tilespmem:$0x1E100] =	vst v63  }
0x8e: {  	_ =	swait.ge [sflag:s17], $0x2800  }
0x8f: {  	[sflag:s17] =	ssyncset.done $0x0  }
0x90: {  	[sflag:s17] =	ssyncadd.s32 $0xFFFFD800  }
0x91: {  	_ =	swait.ge [sflag:s21], $0x50  }
0x92: {  	[sflag:s21] =	ssyncset.done $0x0  }
0x93: {  	[sflag:s21] =	ssyncadd.s32 $0xFFFFFFB0  }
0x94: {  	[spmem:s3] =	stream.indirect.scatter.add.f32 [tilespmem:s9], [sflag:$0x9], $0x80, s8, s2, $0xb8;
	[tilespmem:$0x1E100] =	vst v63  }
0x95: {  	_ =	swait.ge [sflag:s22], $0x2800  }
0x96: {  	[sflag:s22] =	ssyncset.done $0x0  }
0x97: {  	[sflag:s22] =	ssyncadd.s32 $0xFFFFD800  }
0x98: {  	[tilespmem:s8], [sflag:$0x3] =	stream.linear.gather [hbm4b:s25+s4], $0x50, $0x38;
	[tilespmem:$0x1E100] =	vst v63  }
0x99: {  	s6 =	sadd.s32 $0x14190, s6  }
0x9a: {  	[tilespmem:s9], [sflag:$0x6] =	stream.indirect.gather [hbm4b:s1+s2], $0x80, s6, s2, $0xb8;
	[tilespmem:$0x1E100] =	vst v63  }
0x9b: {  	_ =	swait.ge [sflag:s11], $0x2800  }
.Ltmp0:
0x9c: {  	[sflag:s11] =	ssyncset.done $0x0;
	(pc) =	sbr.rel @p3 .LBB2_2-.Ltmp0, $4  }
0x9d: {  	[sflag:s11] =	ssyncadd.s32 $0xFFFFD800  }
0x9e: {  	_ =	swait.ge [sflag:s12], $0x50  }
0x9f: {  	s24 =	sadd.s32 $0xF0, s24;
	[sflag:s12] =	ssyncset.done $0x0  }
0xa0: {  	s10 =	sadd.s32 $0x1E, s10;
	s25 =	sadd.s32 $0x1E, s25;
	[sflag:s12] =	ssyncadd.s32 $0xFFFFFFB0  }
0xa1: {  	[spmem:s3] =	stream.indirect.scatter.add.f32 [tilespmem:s26], [sflag:$0x7], $0x80, s31, s2, $0xb8;
	[tilespmem:$0x1E100] =	vst v63  }
0xa2: {  	_ =	swait.ge [sflag:s13], $0x2800  }
0xa3: {  	[sflag:s13] =	ssyncset.done $0x0  }
0xa4: {  	s6 =	rddreg [dreg:$0xb];
	[sflag:s13] =	ssyncadd.s32 $0xFFFFD800  }
0xa5: {  	[tilespmem:s31], [sflag:$0x1] =	stream.linear.gather [hbm4b:s6+s4], $0x50, $0x38;
	[tilespmem:$0x1E100] =	vst v63  }
0xa6: {  	s7 =	simm.s32 $0x16670  }
0xa7: {  	[tilespmem:s26], [sflag:$0x4] =	stream.indirect.gather [hbm4b:s1+s2], $0x80, s7, s2, $0xb8;
	[tilespmem:$0x1E100] =	vst v63  }
0xa8: {  	_ =	swait.ge [sflag:s14], $0x2800  }
0xa9: {  	[sflag:s14] =	ssyncset.done $0x0  }
0xaa: {  	[sflag:s14] =	ssyncadd.s32 $0xFFFFD800  }
0xab: {  	_ =	swait.ge [sflag:s15], $0x50  }
0xac: {  	[sflag:s15] =	ssyncset.done $0x0  }
0xad: {  	[sflag:s15] =	ssyncadd.s32 $0xFFFFFFB0  }
0xae: {  	[spmem:s3] =	stream.indirect.scatter.add.f32 [tilespmem:s0], [sflag:$0x8], $0x80, s28, s2, $0xb8;
	[tilespmem:$0x1E100] =	vst v63  }
0xaf: {  	_ =	swait.ge [sflag:s16], $0x2800  }
0xb0: {  	[sflag:s16] =	ssyncset.done $0x0  }
0xb1: {  	s10 =	rddreg [dreg:$0xc];
	[sflag:s16] =	ssyncadd.s32 $0xFFFFD800  }
0xb2: {  	[tilespmem:s28], [sflag:$0x2] =	stream.linear.gather [hbm4b:s10+s4], $0x50, $0x38;
	[tilespmem:$0x1E100] =	vst v63  }
0xb3: {  	s24 =	simm.s32 $0x166C0  }
0xb4: {  	[tilespmem:s0], [sflag:$0x5] =	stream.indirect.gather [hbm4b:s1+s2], $0x80, s24, s2, $0xb8;
	[tilespmem:$0x1E100] =	vst v63  }
0xb5: {  	_ =	swait.ge [sflag:s17], $0x2800  }
0xb6: {  	[sflag:s17] =	ssyncset.done $0x0  }
0xb7: {  	[sflag:s17] =	ssyncadd.s32 $0xFFFFD800  }
0xb8: {  	_ =	swait.ge [sflag:s21], $0x50  }
0xb9: {  	[sflag:s21] =	ssyncset.done $0x0  }
0xba: {  	[sflag:s21] =	ssyncadd.s32 $0xFFFFFFB0  }
0xbb: {  	[spmem:s3] =	stream.indirect.scatter.add.f32 [tilespmem:s9], [sflag:$0x9], $0x80, s8, s2, $0xb8;
	[tilespmem:$0x1E100] =	vst v63  }
0xbc: {  	_ =	swait.ge [sflag:s11], $0x2800  }
0xbd: {  	[sflag:s11] =	ssyncset.done $0x0  }
0xbe: {  	[sflag:s11] =	ssyncadd.s32 $0xFFFFD800  }
0xbf: {  	_ =	swait.ge [sflag:s12], $0x50  }
0xc0: {  	[sflag:s12] =	ssyncset.done $0x0  }
0xc1: {  	[sflag:s12] =	ssyncadd.s32 $0xFFFFFFB0  }
0xc2: {  	[spmem:s3] =	stream.indirect.scatter.add.f32 [tilespmem:s26], [sflag:$0x7], $0x80, s31, s2, $0xb8;
	[tilespmem:$0x1E100] =	vst v63  }
0xc3: {  	_ =	swait.ge [sflag:s14], $0x2800  }
0xc4: {  	[sflag:s14] =	ssyncset.done $0x0  }
0xc5: {  	[sflag:s14] =	ssyncadd.s32 $0xFFFFD800  }
0xc6: {  	_ =	swait.ge [sflag:s15], $0x50  }
0xc7: {  	[sflag:s15] =	ssyncset.done $0x0  }
0xc8: {  	[sflag:s15] =	ssyncadd.s32 $0xFFFFFFB0  }
0xc9: {  	[spmem:s3] =	stream.indirect.scatter.add.f32 [tilespmem:s0], [sflag:$0x8], $0x80, s28, s2, $0xb8;
	[tilespmem:$0x1E100] =	vst v63  }
0xca: {  	_ =	swait.ge [sflag:s22], $0x2800  }
0xcb: {  	[sflag:s22] =	ssyncset.done $0x0  }
0xcc: {  	[sflag:s22] =	ssyncadd.s32 $0xFFFFD800  }
0xcd: {  	_ =	swait.ge [sflag:s13], $0x2800  }
0xce: {  	[sflag:s13] =	ssyncset.done $0x0  }
0xcf: {  	[sflag:s13] =	ssyncadd.s32 $0xFFFFD800  }
0xd0: {  	_ =	swait.ge [sflag:s16], $0x2800  }
0xd1: {  	[sflag:s16] =	ssyncset.done $0x0  }
0xd2: {  	s25 =	stileid.u32;
	[sflag:s16] =	ssyncadd.s32 $0xFFFFD800  }
0xd3: {  	s6 =	sshll.u32 s25, $0x6;
	[bflag:$0x0] =	sbarrier.arrive $0xFFFF  }
0xd4: {  	s6 =	sor.u32 $0x1C0A, s6;
	s7 =	sshrl.u32 s18, $0x3;
	s10 =	rddreg [dreg:$0xd]  }
0xd5: {  	[hbm:s10], [sflag:s6] =	dma.local [spmem:s7], $0x2800  }
0xd6: {  	_ =	swait.ge [sflag:s30], $0x2800  }
0xd7: {  	s23 =	sadd.s32 $0x1, s23;
	s29 =	rddreg [dreg:$0xe]  }
0xd8: {  	p3 =	sne.s32 s23, s29  }
.Ltmp1:
0xd9: {  	_ = 	snop;
	(pc) =	sbr.rel @p3 .LBB2_1-.Ltmp1, $3  }
0xda: {  	_ =	sdelay $0x1  }
0xdb: {  	[sflag:s30] =	ssyncset.done $0x0  }
0xdc: {  	s25 =	smov.u32 s18;
	[sflag:s30] =	ssyncadd.s32 $0xFFFFD800  }
0xdd: {  	_ =	sfence.sel $0x180000  }
0xde: {  	[bflag:$0x0] =	sbarrier.arrive $0xFFFF  }
0xdf: {  	_ =	strace $0x9000004D  }
0xe0: {  	s0 =	stileid.u32;
	[bflag:$0x2] =	sbarrier.arrive $0xFFFF  }
0xe1: {  	p0 =	sne.s32 s0, $0x0;
	s0 =	rddreg [dreg:$0x3]  }
0xe2: {  	s0 =	sadd.s32 @!p0 $0x100000, s0  }
0xe3: {  	[sflag:s0] =	ssyncadd.tile.s32 @!p0 $0x1;
	_ =	shalt  }
.Lfunc_end2:
_tile_overlayer_lowered:
.L_overlay_start_2:
0xe4: {  	(tag) =	ssettag $0x2  }
0xe5: {  	s0 =	rddreg [dreg:$0x0];
	s2 =	stileid.u32  }
0xe6: {  	s1 =	rddreg [dreg:$0x1];
	p0 =	sne.s32 s2, $0x0  }
0xe7: {  	s3 =	rddreg [dreg:$0x2];
	[bflag:$0x3] =	sbarrier.arrive $0xFFFF;
	s2 =	simm.s32 @!p0 $0x1C0A  }
0xe8: {  	[timem:s3], [sflag:s2] =	dma.local @!p0 [hbm:s0], s1  }
0xe9: {  	s0 =	simm.s32 @!p0 $0xA  }
0xea: {  	_ =	swait.ge @!p0 [sflag:s0], s1  }
0xeb: {  	s1 =	ssub.s32 @!p0 $0x0, s1;
	[sflag:s0] =	ssyncset.done @!p0 $0x0  }
0xec: {  	[sflag:s0] =	ssyncadd.s32 @!p0 s1  }
0xed: {  	[bflag:$0x3] =	sbarrier.arrive $0xFFFF  }
0xee: {  	_ =	shalt  }

// kernel: kernel.8.cloned.1.call-start
scs
__scs_entry_jumppad:
0x0: {  	(pc) =	sbr.rel $0x88, $3  }
0x1: {  	(tag) =	ssettag $0x0;
	lr =	simm.s32 $0x1  }
0x2: {  	[smem:$0x3F9B] =	sst lr;
	_ =	strace $0xD0000000  }
0x3: {  	_ = 	snop  }
0x4: {  	_ = 	snop  }
0x5: {  	_ = 	snop  }
0x6: {  	_ = 	snop  }
0x7: {  	_ = 	snop  }
__scs_overlays_trampoline_lowered:
0x8: {  	[smem:$0x3FAA] =	sst s0  }
0x9: {  	[smem:$0x3FAB] =	sst s1  }
0xa: {  	[smem:$0x3FAC] =	sst s2  }
0xb: {  	[smem:$0x3FAD] =	sst s3  }
0xc: {  	[smem:$0x3FAE] =	sst s4  }
0xd: {  	[smem:$0x3FAF] =	sst s5  }
0xe: {  	[smem:$0x3FB0] =	sst s6  }
0xf: {  	[smem:$0x3FB1] =	sst s7  }
0x10: {  	[smem:$0x3FB2] =	sst s8  }
0x11: {  	[smem:$0x3FB3] =	sst s9;
	s0 =	simm.s32 @!p0 $0x0  }
0x12: {  	s1 =	sld [smem:$0x3F99];
	s0 =	simm.s32 @p0 $0x1  }
0x13: {  	[smem:$0x3FB4] =	sst s0;
	s0 =	simm.s32 @!p1 $0x0  }
0x14: {  	s2 =	sld [smem:$0x3F98];
	s0 =	simm.s32 @p1 $0x1  }
0x15: {  	[smem:$0x3FB5] =	sst s0;
	s0 =	simm.s32 @!p2 $0x0  }
0x16: {  	s3 =	sld [smem:$0x3FDB];
	s0 =	simm.s32 @p2 $0x1  }
0x17: {  	s4 =	simm.s32 $0x1BF5;
	[smem:$0x3FB7] =	sst s0  }
0x18: {  	s0 =	sld [smem:$0x3F9A];
	_ =	swait.ge [sflag:s4], $0x0  }
0x19: {  	s7 =	sld [smem:$0x3F9B]  }
0x1a: {  	s8 =	sadd.s32 $0xFFFFE003, lr  }
0x1b: {  	s9 =	sadd.s32 $0xFFFFFEF7, lr;
	s5 =	simm.s32 $0xFFFFFFFF;
	p2 =	slt.u32 s8, $0xFFFFF086  }
0x1c: {  	p1 =	slt.u32 s9, $0xF7A;
	s5 =	simm.s32 @!p2 $0x0  }
0x1d: {  	s5 =	simm.s32 @p1 $0x1;
	p0 =	seq.s32 s7, s2  }
0x1e: {  	s7 =	smul.u32 @!p0 $0xF7A, s2;
	p2 =	seq.s32 @!p0 s5, $0x0  }
0x1f: {  	s9 =	smul.u32 $0xF7A, s1;
	s8 =	simm.s32 @!p0 $0x1BF5;
	p2 =	por !p2, p0  }
0x20: {  	[sflag:s8] =	ssyncset.s32 @!p0 $0xFFFFF086;
	s6 =	sadd.s32 @!p0 s3, s7;
	s7 =	simm.s32 @!p0 $0x108  }
0x21: {  	s3 =	sadd.s32 s3, s9;
	s6 =	sadd.s32 @!p0 $0x88, s6;
	s7 =	simm.s32 @p2 $0x1082  }
0x22: {  	[simem:s7], [sflag:s8] =	dma.local @!p0 [hbm:s6], $0xF7A  }
0x23: {  	s9 =	sor.u32 $0xD0000000, s2;
	s6 =	simm.s32 $0x108;
	_ =	swait.ge @!p0 [sflag:s8], $0x0  }
0x24: {  	s3 =	sadd.s32 $0x88, s3;
	s6 =	simm.s32 @!p1 $0x1082;
	[sflag:s4] =	ssyncset.s32 $0xFFFFF086  }
0x25: {  	[simem:s6], [sflag:s4] =	dma.local [hbm:s3], $0xF7A  }
0x26: {  	[smem:$0x3F9B] =	sst s1;
	(tag) =	ssettag s2;
	_ =	strace s9  }
0x27: {  	s1 =	sld [smem:$0x3FAB]  }
0x28: {  	s2 =	sld [smem:$0x3FAC]  }
0x29: {  	s4 =	sld [smem:$0x3FAE]  }
0x2a: {  	p0 =	seq.s32 s5, $0x0;
	s5 =	sld [smem:$0x3FAF]  }
0x2b: {  	s6 =	sld [smem:$0x3FB0]  }
0x2c: {  	s7 =	sld [smem:$0x3FB1]  }
0x2d: {  	s3 =	simm.s32 $0x108;
	s8 =	sld [smem:$0x3FB2]  }
0x2e: {  	s3 =	simm.s32 @!p0 $0x1082;
	s9 =	sld [smem:$0x3FB3]  }
0x2f: {  	lr =	sadd.s32 s0, s3;
	s0 =	sld [smem:$0x3FAA]  }
0x30: {  	s3 =	sld [smem:$0x3FAD]  }
0x31: {  	[smem:$0x3FB6] =	sst s10  }
0x32: {  	s10 =	sld [smem:$0x3FB4];
	_ =	sdelay $0x3  }
0x33: {  	p0 =	seq.s32 s10, $0x1;
	s10 =	sld [smem:$0x3FB6];
	_ =	sdelay $0x3  }
0x34: {  	[smem:$0x3FB6] =	sst s10  }
0x35: {  	s10 =	sld [smem:$0x3FB5];
	_ =	sdelay $0x3  }
0x36: {  	p1 =	seq.s32 s10, $0x1;
	s10 =	sld [smem:$0x3FB6];
	_ =	sdelay $0x3  }
0x37: {  	[smem:$0x3FB6] =	sst s10  }
0x38: {  	s10 =	sld [smem:$0x3FB7]  }
0x39: {  	_ = 	snop;
	(pc) =	sbr.ind lr, $3  }
0x3a: {  	_ = 	snop  }
0x3b: {  	_ = 	snop  }
0x3c: {  	p2 =	seq.s32 s10, $0x1;
	s10 =	sld [smem:$0x3FB6]  }
0x3d: {  	_ =	shalt  }
0x3e: {  	_ =	shalt  }
0x3f: {  	_ =	shalt  }
0x40: {  	_ =	shalt  }
0x41: {  	_ =	shalt  }
0x42: {  	_ =	shalt  }
0x43: {  	_ =	shalt  }
0x44: {  	_ =	shalt  }
0x45: {  	_ =	shalt  }
0x46: {  	_ =	shalt  }
0x47: {  	_ =	shalt  }
0x48: {  	_ =	shalt  }
0x49: {  	_ =	shalt  }
0x4a: {  	_ =	shalt  }
0x4b: {  	_ =	shalt  }
0x4c: {  	_ =	shalt  }
0x4d: {  	_ =	shalt  }
0x4e: {  	_ =	shalt  }
0x4f: {  	_ =	shalt  }
0x50: {  	_ =	shalt  }
0x51: {  	_ =	shalt  }
0x52: {  	_ =	shalt  }
0x53: {  	_ =	shalt  }
0x54: {  	_ =	shalt  }
0x55: {  	_ =	shalt  }
0x56: {  	_ =	shalt  }
0x57: {  	_ =	shalt  }
0x58: {  	_ =	shalt  }
0x59: {  	_ =	shalt  }
0x5a: {  	_ =	shalt  }
0x5b: {  	_ =	shalt  }
0x5c: {  	_ =	shalt  }
0x5d: {  	_ =	shalt  }
0x5e: {  	_ =	shalt  }
0x5f: {  	_ =	shalt  }
0x60: {  	_ =	shalt  }
0x61: {  	_ =	shalt  }
0x62: {  	_ =	shalt  }
0x63: {  	_ =	shalt  }
0x64: {  	_ =	shalt  }
0x65: {  	_ =	shalt  }
0x66: {  	_ =	shalt  }
0x67: {  	_ =	shalt  }
0x68: {  	_ =	shalt  }
0x69: {  	_ =	shalt  }
0x6a: {  	_ =	shalt  }
0x6b: {  	_ =	shalt  }
0x6c: {  	_ =	shalt  }
0x6d: {  	_ =	shalt  }
0x6e: {  	_ =	shalt  }
0x6f: {  	_ =	shalt  }
0x70: {  	_ =	shalt  }
0x71: {  	_ =	shalt  }
0x72: {  	_ =	shalt  }
0x73: {  	_ =	shalt  }
0x74: {  	_ =	shalt  }
0x75: {  	_ =	shalt  }
0x76: {  	_ =	shalt  }
0x77: {  	_ =	shalt  }
0x78: {  	_ =	shalt  }
0x79: {  	_ =	shalt  }
0x7a: {  	_ =	shalt  }
0x7b: {  	_ =	shalt  }
0x7c: {  	_ =	shalt  }
0x7d: {  	_ =	shalt  }
0x7e: {  	_ =	shalt  }
0x7f: {  	_ =	shalt  }
0x80: {  	_ =	shalt  }
0x81: {  	_ =	shalt  }
0x82: {  	_ =	shalt  }
0x83: {  	_ =	shalt  }
0x84: {  	_ =	shalt  }
0x85: {  	_ =	shalt  }
0x86: {  	_ =	shalt  }
0x87: {  	_ =	shalt  }
.Lfunc_end0:
.L_simem_size_0:
called_computation_lowered:
.L_overlay_start_0:
0x88: {  	s2 =	sld [smem:$0x3FD9]  }
0x89: {  	s3 =	sld [smem:$0x3FFE];
	_ =	sdelay $0x1  }
0x8a: {  	s1 =	srdreg.scid  }
0x8b: {  	s0 =	sand.u32 $0x1, s1  }
0x8c: {  	s17 =	sshll.u32 s0, $0xA;
	s2 =	sadd.s32 s3, s2  }
0x8d: {  	s2 =	sadd.s32 s2, s17  }
0x8e: {  	[smem:$0x3FC2] =	sst s2  }
0x8f: {  	_ = 	snop  }
0x90: {  	s2 =	sld [smem:$0x3FD0];
	(tm) =	ssettm $0x1  }
0x91: {  	s18 =	sld [smem:$0x3FFB];
	_ =	sdelay $0x3  }
0x92: {  	_ =	strace s18  }
0x93: {  	s3 =	sld [smem:$0x3FFC];
	_ =	sdelay $0x3  }
0x94: {  	_ =	strace s3  }
0x95: {  	s3 =	sld [smem:$0x3FFD];
	_ =	sdelay $0x3  }
0x96: {  	_ =	strace s3  }
0x97: {  	_ =	strace $0x8FFFFFFF  }
0x98: {  	s19 =	sld [smem:$0x3FDB];
	_ =	sdelay $0x1  }
0x99: {  	s4 =	simm.s32 $_scs_section_size  }
0x9a: {  	s5 =	simm.s32 $_size__tile_overlayer_lowered;
	s6 =	simm.s32 $_tile_overlayer_lowered  }
0x9b: {  	s22 =	simm.s32 $0x1BFF;
	s21 =	sshll.u32 s6, $0x1;
	s3 =	sadd.s32 s4, s19  }
0x9c: {  	s7 =	simm.s32 $0x0;
	s20 =	sshll.u32 s5, $0x1;
	s5 =	sadd.s32 s21, s3  }
0x9d: {  	[timem:s7], [sflag:s22] =	dma.local [hbm:s5], s20  }
0x9e: {  	_ =	swait.ge [sflag:s22], s20  }
0x9f: {  	s4 =	ssub.s32 $0x0, s20;
	[sflag:s22] =	ssyncset.done $0x0  }
0xa0: {  	[sflag:s22] =	ssyncadd.s32 s4;
	_ =	sdelay $0x1  }
0xa1: {  	s23 =	simm.s32 $0x1B8B  }
0xa2: {  	_ =	swait.ge [sflag:s23], $0x1  }
0xa3: {  	[sflag:s23] =	ssyncset.done $0x0  }
0xa4: {  	s25 =	simm.s32 $0x1B8E;
	s24 =	sld [smem:$0x3FFE];
	[sflag:s23] =	ssyncadd.s32 $0xFFFFFFFF  }
0xa5: {  	s26 =	simm.s32 $execute0_lowered;
	[smem:$0x3FD2] =	sst s25  }
0xa6: {  	s5 =	sshll.u32 s26, $0x1;
	_ =	strace $0x80000046;
	[dreg:$0x1] =	wrdreg $0xFFFFFFFF  }
0xa7: {  	s28 =	simm.s32 $_size_execute0_lowered;
	s3 =	sadd.s32 s3, s5;
	[dreg:$0x0] =	wrdreg $0x0  }
0xa8: {  	s5 =	sshll.u32 s28, $0x1;
	[dreg:$0x2] =	wrdreg s3  }
0xa9: {  	[dreg:$0x3] =	wrdreg s5  }
0xaa: {  	[dreg:$0x4] =	wrdreg $0xC0  }
0xab: {  	_ =	task [dreg:s7], $0x5FFFF  }
0xac: {  	[dreg:$0x1] =	wrdreg $0xFFFFFFFF  }
0xad: {  	[dreg:$0x0] =	wrdreg $0x60  }
0xae: {  	[dreg:$0x2] =	wrdreg s2  }
0xaf: {  	[dreg:$0x3] =	wrdreg s24  }
0xb0: {  	[dreg:$0x4] =	wrdreg $0x0  }
0xb1: {  	[dreg:$0x5] =	wrdreg $0x9  }
0xb2: {  	_ =	task.clear_ibuf [dreg:s7], $0x6FFFF;
	_ =	strace $0x90000046  }
0xb3: {  	s29 =	simm.s32 $0x9;
	_ =	strace $0x80000048  }
0xb4: {  	_ =	swait.ge [sflag:s29], $0x1  }
0xb5: {  	[sflag:s29] =	ssyncadd.s32 $0xFFFFFFFF  }
0xb6: {  	_ =	strace $0x90000048  }
0xb7: {  	_ =	sfence  }
0xb8: {  	s30 =	sld [smem:$0x0];
	_ =	sdelay $0x2  }
0xb9: {  	s31 =	sshll.u32 s1, $0xD;
	s1 =	sshrl.u32 s1, $0x2  }
0xba: {  	s3 =	sand.u32 $0x4000, s31;
	s1 =	sadd.s32 s1, s30  }
0xbb: {  	s0 =	sor.u32 s3, s0;
	s1 =	sshll.u32 s1, $0x11  }
0xbc: {  	s0 =	sor.u32 s1, s0  }
0xbd: {  	s0 =	sadd.s32 $0x8F2B, s0  }
0xbe: {  	[sflag:s0] =	ssyncadd.remote.s32 $0x1  }
0xbf: {  	_ =	sfence.sel $0xFFFF  }
0xc0: {  	[dreg:$0x0] =	wrdreg $0xFFFFFFFF;
	(pc) =	sbr.abs _section_cstart, $3  }
0xc1: {  	[dreg:$0x1] =	wrdreg $0xFFFFFFFF  }
0xc2: {  	_ =	task.clear_ibuf [dreg:s7], $0x2FFFF;
	_ =	strace $0x9FFFFFFF  }
0xc3: {  	(tm) =	ssettm $0x7FFFFFFF  }
tec
execute0_lowered:
.L_overlay_start_1:
0x0: {  	(tag) =	ssettag $0x1  }
0x1: {  	s6 =	rddreg [dreg:$0x0]  }
0x2: {  	s7 =	rddreg [dreg:$0x1]  }
0x3: {  	s2 =	rddreg [dreg:$0x2]  }
0x4: {  	s0 =	rddreg [dreg:$0x3];
	s4 =	srdreg.scid  }
0x5: {  	s1 =	stileid.u32;
	s3 =	simm.s32 $0x0;
	s14 =	simm.s32 $0x50  }
0x6: {  	s15 =	simm.s32 $0x300;
	s16 =	simm.s32 $0x380;
	s17 =	simm.s32 $0x400  }
0x7: {  	s18 =	simm.s32 $0x480;
	s19 =	simm.s32 $0x1;
	s20 =	simm.s32 $0x20  }
0x8: {  	s21 =	simm.s32 $0x10;
	s22 =	simm.s32 $0x0;
	s8 =	sand.u32 $0x1, s4  }
0x9: {  	s5 =	smul.u32 $0x500, s1;
	[smem:$0x7FF] =	sst s3;
	s4 =	sadd.s32 $0xC200, s7  }
0xa: {  	s11 =	smul.u32 $0xA00, s1;
	s31 =	sshll.u32 s1, $0x6;
	s12 =	sshll.u32 s1, $0xC  }
0xb: {  	s9 =	sshll.u32 s8, $0x7;
	_ =	strace $0x80000047;
	s10 =	ssub.s32 $0x2, s8  }
0xc: {  	s8 =	sshll.u32 s8, $0xB;
	s5 =	sor.u32 s9, s5;
	s29 =	sshrl.u32 s10, $0x1  }
0xd: {  	s30 =	sshrl.u32 s11, $0x2;
	s8 =	sadd.s32 s6, s8;
	s6 =	sor.u32 $0x1C02, s31  }
0xe: {  	s11 =	simm.s32 $0x2;
	s9 =	sshrl.u32 s5, $0x3;
	s5 =	sadd.s32 $0xC000, s7  }
0xf: {  	s10 =	ssub.s32 s10, s29;
	s13 =	sadd.s32 s30, s2;
	s9 =	sadd.s32 s9, s7  }
0x10: {  	s7 =	sadd.s32 s12, s8;
	s12 =	simm.s32 $0x280;
	s8 =	sadd.s32 $0xC400, s9  }
0x11: {  	s9 =	smax.u32 s10, $0x1;
	s10 =	sshrl.u32 s13, $0x3;
	s13 =	simm.s32 $0x4280  }
.LBB2_1:
0x12: {  	[spmem:s10], [sflag:s6] =	dma.local [hbm:s4], $0x50  }
0x13: {  	_ =	swait.ge [sflag:s11], $0x50  }
0x14: {  	[sflag:s11] =	ssyncset.done $0x0  }
0x15: {  	[sflag:s11] =	ssyncadd.s32 $0xFFFFFFB0  }
0x16: {  	[tilespmem:s12], [sflag:$0x2] =	stream.linear.gather [hbm4b:s7+s3], $0x3E80, $0x38;
	[tilespmem:$0x4300] =	vst v63  }
0x17: {  	_ =	swait.ge [sflag:s11], $0x3E80  }
0x18: {  	[sflag:s11] =	ssyncset.done $0x0  }
0x19: {  	[sflag:s11] =	ssyncadd.s32 $0xFFFFC180  }
0x1a: {  	[tilespmem:s13], [sflag:$0x2] =	stream.linear.gather [hbm4b:s5+s3], $0x80, $0x38;
	[tilespmem:$0x4300] =	vst v63  }
0x1b: {  	_ =	swait.ge [sflag:s11], $0x80  }
0x1c: {  	[sflag:s11] =	ssyncset.done $0x0  }
0x1d: {  	[sflag:s11] =	ssyncadd.s32 $0xFFFFFF80  }
0x1e: {  	[bflag:$0x0] =	sbarrier.arrive $0xFFFF  }
0x1f: {  	[spmem:s2] =	stream.indirect.scatter.add.f32 [tilespmem:s13], [sflag:$0x1], $0x1, s12, s14, $0xb8;
	[tilespmem:$0x4300] =	vst v63  }
0x20: {  	_ = 	snop  }
0x21: {  	[spmem:s2] =	stream.indirect.scatter.add.f32 [tilespmem:s13], [sflag:$0x1], $0x1, s15, s14, $0xb8;
	[tilespmem:$0x4300] =	vst v63  }
0x22: {  	_ = 	snop  }
0x23: {  	[spmem:s2] =	stream.indirect.scatter.add.f32 [tilespmem:s13], [sflag:$0x1], $0x1, s16, s14, $0xb8;
	[tilespmem:$0x4300] =	vst v63  }
0x24: {  	_ = 	snop  }
0x25: {  	[spmem:s2] =	stream.indirect.scatter.add.f32 [tilespmem:s13], [sflag:$0x1], $0x1, s17, s14, $0xb8;
	[tilespmem:$0x4300] =	vst v63  }
0x26: {  	_ = 	snop  }
0x27: {  	[spmem:s2] =	stream.indirect.scatter.add.f32 [tilespmem:s13], [sflag:$0x1], $0x1, s18, s14, $0xb8;
	[tilespmem:$0x4300] =	vst v63  }
0x28: {  	s23 =	simm.s32 $0x500  }
0x29: {  	[spmem:s2] =	stream.indirect.scatter.add.f32 [tilespmem:s13], [sflag:$0x1], $0x1, s23, s14, $0xb8;
	[tilespmem:$0x4300] =	vst v63  }
0x2a: {  	s28 =	simm.s32 $0x580  }
0x2b: {  	[spmem:s2] =	stream.indirect.scatter.add.f32 [tilespmem:s13], [sflag:$0x1], $0x1, s28, s14, $0xb8;
	[tilespmem:$0x4300] =	vst v63  }
0x2c: {  	s29 =	simm.s32 $0x600  }
0x2d: {  	[spmem:s2] =	stream.indirect.scatter.add.f32 [tilespmem:s13], [sflag:$0x1], $0x1, s29, s14, $0xb8;
	[tilespmem:$0x4300] =	vst v63  }
0x2e: {  	s30 =	simm.s32 $0x680  }
0x2f: {  	[spmem:s2] =	stream.indirect.scatter.add.f32 [tilespmem:s13], [sflag:$0x1], $0x1, s30, s14, $0xb8;
	[tilespmem:$0x4300] =	vst v63  }
0x30: {  	s31 =	simm.s32 $0x700  }
0x31: {  	[spmem:s2] =	stream.indirect.scatter.add.f32 [tilespmem:s13], [sflag:$0x1], $0x1, s31, s14, $0xb8;
	[tilespmem:$0x4300] =	vst v63  }
0x32: {  	_ =	swait.ge [sflag:s19], $0x50  }
0x33: {  	[sflag:s19] =	ssyncset.done $0x0  }
0x34: {  	[sflag:s19] =	ssyncadd.s32 $0xFFFFFFB0  }
0x35: {  	_ =	swait.ge [sflag:s19], $0x50  }
0x36: {  	[sflag:s19] =	ssyncset.done $0x0  }
0x37: {  	[sflag:s19] =	ssyncadd.s32 $0xFFFFFFB0  }
0x38: {  	_ =	swait.ge [sflag:s19], $0x50  }
0x39: {  	[sflag:s19] =	ssyncset.done $0x0  }
0x3a: {  	[sflag:s19] =	ssyncadd.s32 $0xFFFFFFB0  }
0x3b: {  	_ =	swait.ge [sflag:s19], $0x50  }
0x3c: {  	[sflag:s19] =	ssyncset.done $0x0  }
0x3d: {  	[sflag:s19] =	ssyncadd.s32 $0xFFFFFFB0  }
0x3e: {  	_ =	swait.ge [sflag:s19], $0x50  }
0x3f: {  	s24 =	simm.s32 $0xFFFF2400;
	s23 =	simm.s32 $0xFFFFC680;
	[sflag:s19] =	ssyncset.done $0x0  }
.LBB2_2:
0x40: {  	s25 =	sadd.s32 $0x4100, s23  }
0x41: {  	[sflag:s19] =	ssyncadd.s32 $0xFFFFFFB0;
	s26 =	smov.u32 s24;
	s28 =	sadd.s32 $0xA00, s24  }
0x42: {  	[spmem:s2] =	stream.indirect.scatter.add.f32 [tilespmem:s13], [sflag:$0x1], $0x1, s25, s14, $0xb8;
	[tilespmem:$0x4300] =	vst v63  }
0x43: {  	p0 =	sne.s32 s24, $0xFFFFF600;
	s24 =	sadd.s32 $0x4180, s23  }
0x44: {  	[spmem:s2] =	stream.indirect.scatter.add.f32 [tilespmem:s13], [sflag:$0x1], $0x1, s24, s14, $0xb8;
	[tilespmem:$0x4300] =	vst v63  }
0x45: {  	s24 =	sadd.s32 $0x4200, s23  }
0x46: {  	[spmem:s2] =	stream.indirect.scatter.add.f32 [tilespmem:s13], [sflag:$0x1], $0x1, s24, s14, $0xb8;
	[tilespmem:$0x4300] =	vst v63  }
0x47: {  	s24 =	sadd.s32 $0x4280, s23  }
0x48: {  	[spmem:s2] =	stream.indirect.scatter.add.f32 [tilespmem:s13], [sflag:$0x1], $0x1, s24, s14, $0xb8;
	[tilespmem:$0x4300] =	vst v63  }
0x49: {  	s23 =	sadd.s32 $0x4300, s23  }
0x4a: {  	[spmem:s2] =	stream.indirect.scatter.add.f32 [tilespmem:s13], [sflag:$0x1], $0x1, s23, s14, $0xb8;
	[tilespmem:$0x4300] =	vst v63  }
0x4b: {  	_ =	swait.ge [sflag:s19], $0x50  }
0x4c: {  	[sflag:s19] =	ssyncset.done $0x0  }
0x4d: {  	[sflag:s19] =	ssyncadd.s32 $0xFFFFFFB0  }
0x4e: {  	_ =	swait.ge [sflag:s19], $0x50  }
0x4f: {  	[sflag:s19] =	ssyncset.done $0x0  }
0x50: {  	[sflag:s19] =	ssyncadd.s32 $0xFFFFFFB0  }
0x51: {  	_ =	swait.ge [sflag:s19], $0x50  }
0x52: {  	[sflag:s19] =	ssyncset.done $0x0  }
0x53: {  	[sflag:s19] =	ssyncadd.s32 $0xFFFFFFB0  }
.Ltmp0:
0x54: {  	_ =	swait.ge [sflag:s19], $0x50;
	(pc) =	sbr.rel @p0 .LBB2_2-.Ltmp0, $4  }
0x55: {  	[sflag:s19] =	ssyncset.done $0x0  }
0x56: {  	[sflag:s19] =	ssyncadd.s32 $0xFFFFFFB0  }
0x57: {  	_ =	swait.ge [sflag:s19], $0x50  }
0x58: {  	s24 =	smov.u32 s28;
	s23 =	sshra.s32 s26, $0x2;
	[sflag:s19] =	ssyncset.done $0x0  }
0x59: {  	s24 =	sadd.s32 $0x4100, s23;
	[sflag:s19] =	ssyncadd.s32 $0xFFFFFFB0  }
0x5a: {  	[spmem:s2] =	stream.indirect.scatter.add.f32 [tilespmem:s13], [sflag:$0x1], $0x1, s24, s14, $0xb8;
	[tilespmem:$0x4300] =	vst v63  }
0x5b: {  	s28 =	sadd.s32 $0x4180, s23  }
0x5c: {  	[spmem:s2] =	stream.indirect.scatter.add.f32 [tilespmem:s13], [sflag:$0x1], $0x1, s28, s14, $0xb8;
	[tilespmem:$0x4300] =	vst v63  }
0x5d: {  	s29 =	sadd.s32 $0x4200, s23  }
0x5e: {  	[spmem:s2] =	stream.indirect.scatter.add.f32 [tilespmem:s13], [sflag:$0x1], $0x1, s29, s14, $0xb8;
	[tilespmem:$0x4300] =	vst v63  }
0x5f: {  	s30 =	sadd.s32 $0x4280, s23  }
0x60: {  	[spmem:s2] =	stream.indirect.scatter.add.f32 [tilespmem:s13], [sflag:$0x1], $0x1, s30, s14, $0xb8;
	[tilespmem:$0x4300] =	vst v63  }
0x61: {  	s31 =	sadd.s32 $0x4300, s23  }
0x62: {  	[spmem:s2] =	stream.indirect.scatter.add.f32 [tilespmem:s13], [sflag:$0x1], $0x1, s31, s14, $0xb8;
	[tilespmem:$0x4300] =	vst v63  }
0x63: {  	_ =	swait.ge [sflag:s19], $0x50  }
0x64: {  	[sflag:s19] =	ssyncset.done $0x0  }
0x65: {  	[sflag:s19] =	ssyncadd.s32 $0xFFFFFFB0  }
0x66: {  	_ =	swait.ge [sflag:s19], $0x50  }
0x67: {  	[sflag:s19] =	ssyncset.done $0x0  }
0x68: {  	[sflag:s19] =	ssyncadd.s32 $0xFFFFFFB0  }
0x69: {  	_ =	swait.ge [sflag:s19], $0x50  }
0x6a: {  	[sflag:s19] =	ssyncset.done $0x0  }
0x6b: {  	[sflag:s19] =	ssyncadd.s32 $0xFFFFFFB0  }
0x6c: {  	_ =	swait.ge [sflag:s19], $0x50  }
0x6d: {  	[sflag:s19] =	ssyncset.done $0x0  }
0x6e: {  	[sflag:s19] =	ssyncadd.s32 $0xFFFFFFB0  }
0x6f: {  	_ =	swait.ge [sflag:s19], $0x50  }
0x70: {  	[sflag:s19] =	ssyncset.done $0x0  }
0x71: {  	[sflag:s19] =	ssyncadd.s32 $0xFFFFFFB0  }
0x72: {  	_ =	swait.ge [sflag:s19], $0x50  }
0x73: {  	[sflag:s19] =	ssyncset.done $0x0  }
0x74: {  	[sflag:s19] =	ssyncadd.s32 $0xFFFFFFB0  }
0x75: {  	_ =	swait.ge [sflag:s19], $0x50  }
0x76: {  	[sflag:s19] =	ssyncset.done $0x0  }
0x77: {  	[sflag:s19] =	ssyncadd.s32 $0xFFFFFFB0  }
0x78: {  	_ =	swait.ge [sflag:s19], $0x50  }
0x79: {  	[sflag:s19] =	ssyncset.done $0x0  }
0x7a: {  	[sflag:s19] =	ssyncadd.s32 $0xFFFFFFB0  }
0x7b: {  	_ =	swait.ge [sflag:s19], $0x50  }
0x7c: {  	[sflag:s19] =	ssyncset.done $0x0  }
0x7d: {  	[sflag:s19] =	ssyncadd.s32 $0xFFFFFFB0  }
0x7e: {  	_ =	swait.ge [sflag:s19], $0x50  }
0x7f: {  	s22 =	sadd.s32 $0x1, s22;
	[sflag:s19] =	ssyncset.done $0x0  }
0x80: {  	p0 =	sne.s32 s22, s9;
	[sflag:s19] =	ssyncadd.s32 $0xFFFFFFB0  }
.Ltmp1:
0x81: {  	[bflag:$0x0] =	sbarrier.arrive $0xFFFF;
	(pc) =	sbr.rel @p0 .LBB2_1-.Ltmp1, $4  }
0x82: {  	[hbm:s8@s20], [sflag:s6] =	dma.strided [spmem:s10@s21], $0x50, s19, $0x10   }
0x83: {  	_ =	swait.ge [sflag:s11], $0x50  }
0x84: {  	[sflag:s11] =	ssyncset.done $0x0  }
0x85: {  	[sflag:s11] =	ssyncadd.s32 $0xFFFFFFB0  }
0x86: {  	_ =	sfence.sel $0x180000  }
0x87: {  	[bflag:$0x0] =	sbarrier.arrive $0xFFFF  }
0x88: {  	p0 =	sne.s32 s1, $0x0;
	_ =	strace $0x90000047  }
0x89: {  	s0 =	sadd.s32 @!p0 $0x100000, s0;
	[bflag:$0x2] =	sbarrier.arrive $0xFFFF  }
0x8a: {  	[sflag:s0] =	ssyncadd.tile.s32 @!p0 $0x1;
	_ =	shalt  }
.Lfunc_end2:
_tile_overlayer_lowered:
.L_overlay_start_2:
0x8b: {  	(tag) =	ssettag $0x2  }
0x8c: {  	s0 =	rddreg [dreg:$0x0];
	s2 =	stileid.u32  }
0x8d: {  	s1 =	rddreg [dreg:$0x1];
	p0 =	sne.s32 s2, $0x0  }
0x8e: {  	s3 =	rddreg [dreg:$0x2];
	[bflag:$0x3] =	sbarrier.arrive $0xFFFF;
	s2 =	simm.s32 @!p0 $0x1C02  }
0x8f: {  	[timem:s3], [sflag:s2] =	dma.local @!p0 [hbm:s0], s1  }
0x90: {  	s0 =	simm.s32 @!p0 $0x2  }
0x91: {  	_ =	swait.ge @!p0 [sflag:s0], s1  }
0x92: {  	s1 =	ssub.s32 @!p0 $0x0, s1;
	[sflag:s0] =	ssyncset.done @!p0 $0x0  }
0x93: {  	[sflag:s0] =	ssyncadd.s32 @!p0 s1  }
0x94: {  	[bflag:$0x3] =	sbarrier.arrive $0xFFFF  }
0x95: {  	_ =	shalt  }

</sc_bundles>
